<compile_context>
chip_gen: v7x
topology: tpu7x:2x2x1
jax: 0.10.2.dev20260603
libtpu: 0.0.44.dev20260713+nightly
codegen_flags: <defaults>
</compile_context>

<pallas_src>
import functools

import jax
import jax.numpy as jnp
from jax import lax
from jax.experimental import pallas as pl
from jax.experimental.pallas import tpu as pltpu
from jax.experimental.pallas import tpu_sc as plsc

N = 10000
E = 320000
C = 128
H = 4

NT = 16
NP = 10240
NS = NP // NT
SG = NS // 16
EPT = E // NT
CHUNK = 250
NCHUNK = EPT // (CHUNK * 16)

_SC_PARAMS = pltpu.CompilerParams(needs_layout_passes=False)
_MESH = plsc.VectorSubcoreMesh(core_axis_name="c", subcore_axis_name="s",
                               num_cores=1)


def _rsqrt_newton(x):
    i = plsc.bitcast(x, jnp.int32)
    i = jnp.int32(0x5F3759DF) - lax.shift_right_arithmetic(i, 1)
    y = plsc.bitcast(i, jnp.float32)
    for _ in range(3):
        y = y * (1.5 - 0.5 * x * y * y)
    return y


@functools.partial(
    pl.kernel,
    out_type=jax.ShapeDtypeStruct((1, NP), jnp.float32),
    mesh=_MESH,
    compiler_params=_SC_PARAMS,
    scratch_types=[pltpu.VMEM((CHUNK * 16,), jnp.int32),
                   pltpu.VMEM((CHUNK * 16,), jnp.int32),
                   pltpu.VMEM((CHUNK * 16,), jnp.int32),
                   pltpu.VMEM((CHUNK * 16,), jnp.int32),
                   pltpu.VMEM((CHUNK * 16,), jnp.int32),
                   pltpu.VMEM((CHUNK * 16,), jnp.int32),
                   pltpu.VMEM((1, H * NP), jnp.float32),
                   pltpu.VMEM((1, H * NP), jnp.float32),
                   pltpu.VMEM((1, 6 * NS), jnp.float32),
                   pltpu.VMEM((NS,), jnp.float32),
                   pltpu.VMEM((1, 144), jnp.float32),
                   pltpu.VMEM((1,), jnp.int32),
                   pltpu.VMEM_SHARED((1, NP), jnp.float32),
                   pltpu.VMEM_SHARED((1, H * NP), jnp.float32),
                   pltpu.VMEM_SHARED((1, H * NP), jnp.float32),
                   pltpu.SemaphoreType.DMA,
                   pltpu.SemaphoreType.DMA,
                   pltpu.SemaphoreType.DMA,
                   pltpu.SemaphoreType.DMA,
                   pltpu.SemaphoreType.DMA,
                   pltpu.SemaphoreType.DMA,
                   pltpu.SemaphoreType.DMA,
                   pltpu.SemaphoreType.DMA,
                   pltpu.SemaphoreType.DMA,
                   pltpu.SemaphoreType.DMA],
)
def _sc_gcn(xw_hbm, ei_hbm, z4_hbm, zn_hbm, params_hbm, zi_hbm,
            out_hbm,
            src_v0, src_v1, src_v2, dst_v0, dst_v1, dst_v2,
            q_v, acc_v, sl_v, dinv_v, par_v, idx_v,
            shn, sh4, shq,
            semA, semD, semE, semF,
            semS0, semS1, semS2, semD0, semD1, semD2):
    t = lax.axis_index("s")
    n0 = t * NS
    ebase = t * EPT
    ones16 = jnp.ones((16,), jnp.float32)
    ssems = (semS0, semS1, semS2)
    dsems = (semD0, semD1, semD2)
    sbufs = (src_v0, src_v1, src_v2)
    dbufs = (dst_v0, dst_v1, dst_v2)
    qf = q_v.at[0]
    accf = acc_v.at[0]
    slf = sl_v.at[0]
    parf = par_v.at[0]

    def edge_stream(body, with_src):
        cps = [None, None, None]

        def fire(ci):
            b = ci % 3
            o0 = ebase + ci * CHUNK * 16
            cpd = pltpu.async_copy(ei_hbm.at[pl.ds(E + o0, CHUNK * 16)],
                                   dbufs[b], dsems[b])
            cps_ = cpd
            if with_src:
                cps_ = (pltpu.async_copy(ei_hbm.at[pl.ds(o0, CHUNK * 16)],
                                         sbufs[b], ssems[b]), cpd)
            cps[b] = cps_

        fire(0)
        fire(1)
        for ci in range(NCHUNK):
            if ci + 2 < NCHUNK:
                fire(ci + 2)
            got = cps[ci % 3]
            if with_src:
                got[0].wait()
                got[1].wait()
            else:
                got.wait()
            body(sbufs[ci % 3], dbufs[ci % 3])

    cpA = pltpu.async_copy(xw_hbm, q_v, semA)
    cpD = pltpu.async_copy(z4_hbm.at[:, pl.ds(0, NP)],
                           acc_v.at[:, pl.ds(0, NP)], semD)
    cpE = pltpu.async_copy(params_hbm, par_v, semE)
    cpF = pltpu.async_copy(zi_hbm, idx_v, semF)

    @pl.when(t == 0)
    def _():
        pltpu.sync_copy(zn_hbm, shn)
        pltpu.sync_copy(z4_hbm, sh4)

    plsc.subcore_barrier()

    with jax.named_scope("phA_zwait"):
        cpD.wait()
        cpF.wait()

    def deg_body(_sbuf, dbuf):
        @plsc.parallel_loop(0, CHUNK, 1, unroll=5)
        def _(i):
            d = dbuf[pl.ds(i * 16, 16)]
            plsc.addupdate_scatter(accf, [d], ones16)

    with jax.named_scope("phA_deg"):
        edge_stream(deg_body, with_src=False)

    with jax.named_scope("phA_red"):
        pltpu.sync_copy(acc_v.at[:, pl.ds(0, NP)], shn.at[idx_v],
                        add=True)
    cpD2 = pltpu.async_copy(z4_hbm, acc_v, semD)
    plsc.subcore_barrier()

    with jax.named_scope("phA2_slice"):
        pltpu.sync_copy(shn.at[:, pl.ds(n0, NS)],
                        sl_v.at[:, pl.ds(5 * NS, NS)])
    with jax.named_scope("phA2_xwwait"):
        cpA.wait()
        cpE.wait()
    def a2_body(g, c):
        o = g * 16
        deg = slf[pl.ds(5 * NS + o, 16)] + 1.0
        dv = _rsqrt_newton(deg)
        dinv_v[pl.ds(o, 16)] = dv
        for j in range(H):
            qi = pl.ds(j * NP + n0 + o, 16)
            qf[qi] = dv * qf[qi]
        return c

    with jax.named_scope("phA2_loop"):
        lax.fori_loop(0, SG, a2_body, 0)
    with jax.named_scope("phA2_pub"):
        for j in range(H):
            pltpu.sync_copy(q_v.at[:, pl.ds(j * NP + n0, NS)],
                            shq.at[:, pl.ds(j * NP + n0, NS)])
    with jax.named_scope("bar3"):
        plsc.subcore_barrier()

    with jax.named_scope("phB_q1rd"):
        pltpu.sync_copy(shq, q_v)
    cpD2.wait()

    def agg4_body(sbuf, dbuf):
        @plsc.parallel_loop(0, CHUNK, 1, unroll=4)
        def _(i):
            s = sbuf[pl.ds(i * 16, 16)]
            d = dbuf[pl.ds(i * 16, 16)]
            for j in range(H):
                si = s if j == 0 else s + (j * NP)
                di = d if j == 0 else d + (j * NP)
                g = plsc.load_gather(qf, [si])
                plsc.addupdate_scatter(accf, [di], g)

    with jax.named_scope("phB_edges"):
        edge_stream(agg4_body, with_src=True)

    with jax.named_scope("phB_red"):
        pltpu.sync_copy(acc_v, sh4.at[idx_v], add=True)

    @pl.when(t == 0)
    def _():
        pltpu.sync_copy(zn_hbm, shn)

    plsc.subcore_barrier()

    with jax.named_scope("phB2_slice"):
        for j in range(H):
            pltpu.sync_copy(sh4.at[:, pl.ds(j * NP + n0, NS)],
                            sl_v.at[:, pl.ds(j * NS, NS)])
    cpD3 = pltpu.async_copy(z4_hbm.at[:, pl.ds(0, NP)],
                            acc_v.at[:, pl.ds(0, NP)], semD)

    def b2_body(g, c):
        o = g * 16
        dv = dinv_v[pl.ds(o, 16)]
        hw = jnp.zeros((16,), jnp.float32)
        for j in range(H):
            aj = slf[pl.ds(j * NS + o, 16)] + qf[pl.ds(j * NP + n0 + o, 16)]
            hj = jnp.maximum(dv * aj + parf[pl.ds(j * 16, 16)], 0.0)
            hw = hw + hj * parf[pl.ds((4 + j) * 16, 16)]
        slf[pl.ds(4 * NS + o, 16)] = dv * hw
        return c

    with jax.named_scope("phB2_loop"):
        lax.fori_loop(0, SG, b2_body, 0)
    with jax.named_scope("phB2_pub"):
        pltpu.sync_copy(sl_v.at[:, pl.ds(4 * NS, NS)],
                        shq.at[:, pl.ds(n0, NS)])
    with jax.named_scope("bar5"):
        plsc.subcore_barrier()

    with jax.named_scope("phC_q2rd"):
        pltpu.sync_copy(shq.at[:, pl.ds(0, NP)], q_v.at[:, pl.ds(0, NP)])
    with jax.named_scope("phC_zwait"):
        cpD3.wait()

    def agg1_body(sbuf, dbuf):
        @plsc.parallel_loop(0, CHUNK, 1, unroll=5)
        def _(i):
            s = sbuf[pl.ds(i * 16, 16)]
            d = dbuf[pl.ds(i * 16, 16)]
            g = plsc.load_gather(qf, [s])
            plsc.addupdate_scatter(accf, [d], g)

    edge_stream(agg1_body, with_src=True)

    pltpu.sync_copy(acc_v.at[:, pl.ds(0, NP)], shn.at[idx_v], add=True)
    plsc.subcore_barrier()

    pltpu.sync_copy(shn.at[:, pl.ds(n0, NS)],
                    sl_v.at[:, pl.ds(5 * NS, NS)])
    def c2_body(g, c):
        o = g * 16
        dv = dinv_v[pl.ds(o, 16)]
        z = (dv * (slf[pl.ds(5 * NS + o, 16)] + slf[pl.ds(4 * NS + o, 16)])
             + parf[pl.ds(8 * 16, 16)])
        slf[pl.ds(3 * NS + o, 16)] = 1.0 / (1.0 + jnp.exp(-z))
        return c

    lax.fori_loop(0, SG, c2_body, 0)
    pltpu.sync_copy(sl_v.at[:, pl.ds(3 * NS, NS)],
                    out_hbm.at[:, pl.ds(n0, NS)])


def _tc0_body(x_ref, w1_ref, xwt_ref):
    xwt_ref[...] = jnp.zeros((H, NP), jnp.float32)
    xwt_ref[:, :N] = lax.dot_general(w1_ref[...], x_ref[...],
                                     (((1,), (1,)), ((), ())),
                                     preferred_element_type=jnp.float32)


_tc0 = pl.pallas_call(
    _tc0_body,
    out_shape=jax.ShapeDtypeStruct((H, NP), jnp.float32))


def kernel(x, edge_index, W1, b1, W2, b2):
    ei = edge_index.astype(jnp.int32).reshape(2 * E)
    xwt = _tc0(x, W1)

    z4 = jnp.zeros((1, H * NP), jnp.float32)
    zn = jnp.zeros((1, NP), jnp.float32)
    zi = jnp.zeros((1,), jnp.int32)
    params = jnp.concatenate(
        [jnp.broadcast_to(b1.reshape(H, 1), (H, 16)),
         jnp.broadcast_to(W2.reshape(H, 1), (H, 16)),
         jnp.broadcast_to(b2.reshape(1, 1), (1, 16))],
        axis=0).reshape(1, 144)

    out_pad = _sc_gcn(xwt.reshape(1, H * NP), ei,
                      z4, zn, params, zi)
    return out_pad[0, :N].reshape(N, 1)

# --- scband reference (transcript-rebuilt; emitter-appended) ---
"""Pipeline reference for scband-gcn-vi-58248346468476 (READ-ONLY COPY).

The authoritative reference and input builder live on the scoring server;
editing this copy changes nothing except your own understanding.
"""

import jax, jax.numpy as jnp
import numpy as np

N = 10000
E = 320000
C = 128
H = 4
F_OUT = 1


def setup_inputs(seed: int = 0) -> dict:
    key = jax.random.key(seed)
    k1, k2, k3, k4 = jax.random.split(key, 4)
    x = jax.random.normal(k1, (N, C), dtype=jnp.float32)
    edge_index = jax.random.randint(k2, (2, E), 0, N, dtype=jnp.int64)
    # GCNConv params: lin.weight [out, in] (no lin bias), separate additive bias [out]
    W1 = jax.random.normal(k3, (H, C), dtype=jnp.float32) * (1.0 / np.sqrt(C))
    b1 = jnp.zeros((H,), dtype=jnp.float32)
    W2 = jax.random.normal(k4, (F_OUT, H), dtype=jnp.float32) * (1.0 / np.sqrt(H))
    b2 = jnp.zeros((F_OUT,), dtype=jnp.float32)
    return {"x": x, "edge_index": edge_index, "W1": W1, "b1": b1, "W2": W2, "b2": b2}


def _gcn_conv(x, src, dst, W, b, n):
    # x' = D^{-1/2} (A + I) D^{-1/2} X W^T + b  (self-loops already appended to src/dst)
    xw = x @ W.T
    deg = jnp.zeros((n,), dtype=xw.dtype).at[dst].add(1.0)
    dinv = jnp.where(deg > 0, deg ** -0.5, 0.0)
    norm = dinv[src] * dinv[dst]
    msg = xw[src] * norm[:, None]
    out = jnp.zeros((n, xw.shape[1]), dtype=xw.dtype).at[dst].add(msg)
    return out + b


def reference(x, edge_index, W1, b1, W2, b2):
    n = x.shape[0]
    loop = jnp.arange(n, dtype=edge_index.dtype)
    src = jnp.concatenate([edge_index[0], loop])
    dst = jnp.concatenate([edge_index[1], loop])
    h = _gcn_conv(x, src, dst, W1, b1, n)
    h = jax.nn.relu(h)
    out = _gcn_conv(h, src, dst, W2, b2, n)
    return jax.nn.sigmoid(out)

if __name__ == "__main__":
    import jax
    _d = setup_inputs()
    print(jax.jit(kernel)(*tuple(_d.values())))

</pallas_src>

<mosaic_0001>
#map = affine_map<(d0, d1) -> (0, 0)>
#map1 = affine_map<(d0, d1) -> (0)>
module attributes {stable_mosaic.version = 14 : i64} {
  func.func @_sc_gcn(%arg0: i32, %arg1: i32, %arg2: memref<1x40960xf32, #tpu.memory_space<hbm>>, %arg3: memref<640000xi32, #tpu.memory_space<hbm>>, %arg4: memref<1x40960xf32, #tpu.memory_space<hbm>>, %arg5: memref<1x10240xf32, #tpu.memory_space<hbm>>, %arg6: memref<1x144xf32, #tpu.memory_space<hbm>>, %arg7: memref<1xi32, #tpu.memory_space<hbm>>, %arg8: memref<1x10240xf32, #tpu.memory_space<hbm>>, %arg9: memref<4000xi32, #tpu.memory_space<vmem>>, %arg10: memref<4000xi32, #tpu.memory_space<vmem>>, %arg11: memref<4000xi32, #tpu.memory_space<vmem>>, %arg12: memref<4000xi32, #tpu.memory_space<vmem>>, %arg13: memref<4000xi32, #tpu.memory_space<vmem>>, %arg14: memref<4000xi32, #tpu.memory_space<vmem>>, %arg15: memref<1x40960xf32, #tpu.memory_space<vmem>>, %arg16: memref<1x40960xf32, #tpu.memory_space<vmem>>, %arg17: memref<1x3840xf32, #tpu.memory_space<vmem>>, %arg18: memref<640xf32, #tpu.memory_space<vmem>>, %arg19: memref<1x144xf32, #tpu.memory_space<vmem>>, %arg20: memref<1xi32, #tpu.memory_space<vmem>>, %arg21: memref<1x10240xf32, #tpu.memory_space<vmem_shared>>, %arg22: memref<1x40960xf32, #tpu.memory_space<vmem_shared>>, %arg23: memref<1x40960xf32, #tpu.memory_space<vmem_shared>>, %arg24: memref<!tpu.dma_semaphore, #tpu.memory_space<semaphore_mem>>, %arg25: memref<!tpu.dma_semaphore, #tpu.memory_space<semaphore_mem>>, %arg26: memref<!tpu.dma_semaphore, #tpu.memory_space<semaphore_mem>>, %arg27: memref<!tpu.dma_semaphore, #tpu.memory_space<semaphore_mem>>, %arg28: memref<!tpu.dma_semaphore, #tpu.memory_space<semaphore_mem>>, %arg29: memref<!tpu.dma_semaphore, #tpu.memory_space<semaphore_mem>>, %arg30: memref<!tpu.dma_semaphore, #tpu.memory_space<semaphore_mem>>, %arg31: memref<!tpu.dma_semaphore, #tpu.memory_space<semaphore_mem>>, %arg32: memref<!tpu.dma_semaphore, #tpu.memory_space<semaphore_mem>>, %arg33: memref<!tpu.dma_semaphore, #tpu.memory_space<semaphore_mem>>) attributes {dimension_semantics = [#tpu.dimension_semantics<core_parallel>, #tpu.dimension_semantics<subcore_parallel>], iteration_bounds = array<i64: 1, 16>, scalar_prefetch = 0 : i64, scratch_operands = 25 : i64, tpu.core_type = #tpu.core_type<sc_vector_subcore>, window_params = [{transform_indices = #map}, {transform_indices = #map1}, {transform_indices = #map}, {transform_indices = #map}, {transform_indices = #map}, {transform_indices = #map1}, {transform_indices = #map}]} {
    %mul3A = arith.constant 640 : i32
    %mul3A_0 = arith.muli %arg1, %mul3A : i32
    %mul3A_1 = arith.constant 20000 : i32
    %mul3A_2 = arith.muli %arg1, %mul3A_1 : i32
    %broadcast_in_dim3A = arith.constant 1.000000e+00 : f32
    %broadcast_in_dim3A_3 = vector.broadcast %broadcast_in_dim3A : f32 to vector<16xf32>
    tpu.enqueue_dma source(%arg2 : memref<1x40960xf32, #tpu.memory_space<hbm>>) target(%arg15 : memref<1x40960xf32, #tpu.memory_space<vmem>>) target_semaphore(%arg24 : memref<!tpu.dma_semaphore, #tpu.memory_space<semaphore_mem>>)
    %dma_start3A = arith.constant 0 : i32
    %dma_start3A_4 = arith.constant 0 : i32
    %dma_start3A_5 = tpu.memref_slice %arg16[%dma_start3A, %dma_start3A_4] : memref<1x40960xf32, #tpu.memory_space<vmem>> -> memref<1x10240xf32, #tpu.memory_space<vmem>>
    %dma_start3A_6 = arith.constant 0 : i32
    %dma_start3A_7 = arith.constant 0 : i32
    %dma_start3A_8 = tpu.memref_slice %arg4[%dma_start3A_6, %dma_start3A_7] : memref<1x40960xf32, #tpu.memory_space<hbm>> -> memref<1x10240xf32, #tpu.memory_space<hbm>>
    %dma_start3A_9 = arith.constant 0 : i32
    %dma_start3A_10 = arith.constant 0 : i32
    %dma_start3A_11 = tpu.memref_slice %arg16[%dma_start3A_9, %dma_start3A_10] : memref<1x40960xf32, #tpu.memory_space<vmem>> -> memref<1x10240xf32, #tpu.memory_space<vmem>>
    %dma_start3A_12 = arith.constant 0 : i32
    %dma_start3A_13 = arith.constant 0 : i32
    %dma_start3A_14 = tpu.memref_slice %arg4[%dma_start3A_12, %dma_start3A_13] : memref<1x40960xf32, #tpu.memory_space<hbm>> -> memref<1x10240xf32, #tpu.memory_space<hbm>>
    tpu.enqueue_dma source(%dma_start3A_14 : memref<1x10240xf32, #tpu.memory_space<hbm>>) target(%dma_start3A_11 : memref<1x10240xf32, #tpu.memory_space<vmem>>) target_semaphore(%arg25 : memref<!tpu.dma_semaphore, #tpu.memory_space<semaphore_mem>>)
    tpu.enqueue_dma source(%arg6 : memref<1x144xf32, #tpu.memory_space<hbm>>) target(%arg19 : memref<1x144xf32, #tpu.memory_space<vmem>>) target_semaphore(%arg26 : memref<!tpu.dma_semaphore, #tpu.memory_space<semaphore_mem>>)
    tpu.enqueue_dma source(%arg7 : memref<1xi32, #tpu.memory_space<hbm>>) target(%arg20 : memref<1xi32, #tpu.memory_space<vmem>>) target_semaphore(%arg27 : memref<!tpu.dma_semaphore, #tpu.memory_space<semaphore_mem>>)
    %eq3A = arith.constant 0 : i32
    %eq3A_15 = arith.cmpi eq, %arg1, %eq3A : i32
    %convert_element_type3A = arith.extui %eq3A_15 : i1 to i32
    %cond3A = arith.constant 0 : i32
    %cond3A_16 = arith.cmpi ne, %convert_element_type3A, %cond3A : i32
    scf.if %cond3A_16 {
      "tpu.region"() ({
        %run_scoped3A = tpu.sem_alloc : memref<!tpu.dma_semaphore, #tpu.memory_space<semaphore_mem>>
        tpu.enqueue_dma source(%arg5 : memref<1x10240xf32, #tpu.memory_space<hbm>>) target(%arg21 : memref<1x10240xf32, #tpu.memory_space<vmem_shared>>) target_semaphore(%run_scoped3A : memref<!tpu.dma_semaphore, #tpu.memory_space<semaphore_mem>>)
        tpu.wait_dma2 semaphore(%run_scoped3A : memref<!tpu.dma_semaphore, #tpu.memory_space<semaphore_mem>>) src(%arg5 : memref<1x10240xf32, #tpu.memory_space<hbm>>) dst(%arg21 : memref<1x10240xf32, #tpu.memory_space<vmem_shared>>)
        tpu.yield
      }) : () -> ()
      "tpu.region"() ({
        %run_scoped3A = tpu.sem_alloc : memref<!tpu.dma_semaphore, #tpu.memory_space<semaphore_mem>>
        tpu.enqueue_dma source(%arg4 : memref<1x40960xf32, #tpu.memory_space<hbm>>) target(%arg22 : memref<1x40960xf32, #tpu.memory_space<vmem_shared>>) target_semaphore(%run_scoped3A : memref<!tpu.dma_semaphore, #tpu.memory_space<semaphore_mem>>)
        tpu.wait_dma2 semaphore(%run_scoped3A : memref<!tpu.dma_semaphore, #tpu.memory_space<semaphore_mem>>) src(%arg4 : memref<1x40960xf32, #tpu.memory_space<hbm>>) dst(%arg22 : memref<1x40960xf32, #tpu.memory_space<vmem_shared>>)
        tpu.yield
      }) : () -> ()
    } else {
    }
    %barrier3A = arith.constant 0 : index
    tpu.barrier barrier_id(%barrier3A)
    "tpu.trace_start"() <{level = 10 : i32, message = "phA_zwait"}> : () -> ()
    %dma_wait3A = arith.constant 0 : i32
    %dma_wait3A_17 = arith.constant 0 : i32
    %dma_wait3A_18 = tpu.memref_slice %arg16[%dma_wait3A, %dma_wait3A_17] : memref<1x40960xf32, #tpu.memory_space<vmem>> -> memref<1x10240xf32, #tpu.memory_space<vmem>>
    %dma_wait3A_19 = arith.constant 0 : i32
    %dma_wait3A_20 = arith.constant 0 : i32
    %dma_wait3A_21 = tpu.memref_slice %arg4[%dma_wait3A_19, %dma_wait3A_20] : memref<1x40960xf32, #tpu.memory_space<hbm>> -> memref<1x10240xf32, #tpu.memory_space<hbm>>
    %dma_wait3A_22 = arith.constant 0 : i32
    %dma_wait3A_23 = arith.constant 0 : i32
    %dma_wait3A_24 = tpu.memref_slice %arg16[%dma_wait3A_22, %dma_wait3A_23] : memref<1x40960xf32, #tpu.memory_space<vmem>> -> memref<1x10240xf32, #tpu.memory_space<vmem>>
    %dma_wait3A_25 = arith.constant 0 : i32
    %dma_wait3A_26 = arith.constant 0 : i32
    %dma_wait3A_27 = tpu.memref_slice %arg4[%dma_wait3A_25, %dma_wait3A_26] : memref<1x40960xf32, #tpu.memory_space<hbm>> -> memref<1x10240xf32, #tpu.memory_space<hbm>>
    tpu.wait_dma2 semaphore(%arg25 : memref<!tpu.dma_semaphore, #tpu.memory_space<semaphore_mem>>) src(%dma_wait3A_27 : memref<1x10240xf32, #tpu.memory_space<hbm>>) dst(%dma_wait3A_24 : memref<1x10240xf32, #tpu.memory_space<vmem>>)
    tpu.wait_dma2 semaphore(%arg27 : memref<!tpu.dma_semaphore, #tpu.memory_space<semaphore_mem>>) src(%arg7 : memref<1xi32, #tpu.memory_space<hbm>>) dst(%arg20 : memref<1xi32, #tpu.memory_space<vmem>>)
    "tpu.trace_stop"() : () -> ()
    "tpu.trace_start"() <{level = 10 : i32, message = "phA_deg"}> : () -> ()
    %add3A = arith.constant 0 : i32
    %add3A_28 = arith.addi %mul3A_2, %add3A : i32
    %add3A_29 = arith.constant 320000 : i32
    %add3A_30 = arith.addi %add3A_29, %add3A_28 : i32
    %dma_start3A_31 = tpu.memref_slice %arg3[%add3A_30] : memref<640000xi32, #tpu.memory_space<hbm>> -> memref<4000xi32, #tpu.memory_space<hbm>>
    %dma_start3A_32 = tpu.memref_slice %arg3[%add3A_30] : memref<640000xi32, #tpu.memory_space<hbm>> -> memref<4000xi32, #tpu.memory_space<hbm>>
    tpu.enqueue_dma source(%dma_start3A_32 : memref<4000xi32, #tpu.memory_space<hbm>>) target(%arg12 : memref<4000xi32, #tpu.memory_space<vmem>>) target_semaphore(%arg31 : memref<!tpu.dma_semaphore, #tpu.memory_space<semaphore_mem>>)
    %add3A_33 = arith.constant 4000 : i32
    %add3A_34 = arith.addi %mul3A_2, %add3A_33 : i32
    %add3A_35 = arith.constant 320000 : i32
    %add3A_36 = arith.addi %add3A_35, %add3A_34 : i32
    %dma_start3A_37 = tpu.memref_slice %arg3[%add3A_36] : memref<640000xi32, #tpu.memory_space<hbm>> -> memref<4000xi32, #tpu.memory_space<hbm>>
    %dma_start3A_38 = tpu.memref_slice %arg3[%add3A_36] : memref<640000xi32, #tpu.memory_space<hbm>> -> memref<4000xi32, #tpu.memory_space<hbm>>
    tpu.enqueue_dma source(%dma_start3A_38 : memref<4000xi32, #tpu.memory_space<hbm>>) target(%arg13 : memref<4000xi32, #tpu.memory_space<vmem>>) target_semaphore(%arg32 : memref<!tpu.dma_semaphore, #tpu.memory_space<semaphore_mem>>)
    %add3A_39 = arith.constant 8000 : i32
    %add3A_40 = arith.addi %mul3A_2, %add3A_39 : i32
    %add3A_41 = arith.constant 320000 : i32
    %add3A_42 = arith.addi %add3A_41, %add3A_40 : i32
    %dma_start3A_43 = tpu.memref_slice %arg3[%add3A_42] : memref<640000xi32, #tpu.memory_space<hbm>> -> memref<4000xi32, #tpu.memory_space<hbm>>
    %dma_start3A_44 = tpu.memref_slice %arg3[%add3A_42] : memref<640000xi32, #tpu.memory_space<hbm>> -> memref<4000xi32, #tpu.memory_space<hbm>>
    tpu.enqueue_dma source(%dma_start3A_44 : memref<4000xi32, #tpu.memory_space<hbm>>) target(%arg14 : memref<4000xi32, #tpu.memory_space<vmem>>) target_semaphore(%arg33 : memref<!tpu.dma_semaphore, #tpu.memory_space<semaphore_mem>>)
    %dma_wait3A_45 = tpu.memref_slice %arg3[%add3A_30] : memref<640000xi32, #tpu.memory_space<hbm>> -> memref<4000xi32, #tpu.memory_space<hbm>>
    %dma_wait3A_46 = tpu.memref_slice %arg3[%add3A_30] : memref<640000xi32, #tpu.memory_space<hbm>> -> memref<4000xi32, #tpu.memory_space<hbm>>
    tpu.wait_dma2 semaphore(%arg31 : memref<!tpu.dma_semaphore, #tpu.memory_space<semaphore_mem>>) src(%dma_wait3A_46 : memref<4000xi32, #tpu.memory_space<hbm>>) dst(%arg12 : memref<4000xi32, #tpu.memory_space<vmem>>)
    %parallel_loop3A = arith.constant 0 : i32
    %parallel_loop3A_47 = arith.constant 250 : i32
    %parallel_loop3A_48 = arith.constant 1 : i32
    %parallel_loop3A_49 = arith.constant 0 : i32
    scf.for %parallel_loop3A_338 = %parallel_loop3A to %parallel_loop3A_47 step %parallel_loop3A_48  : i32 {
      %parallel_loop3A_339 = arith.constant 16 : i32
      %parallel_loop3A_340 = arith.muli %parallel_loop3A_338, %parallel_loop3A_339 : i32
      %parallel_loop3A_341 = arith.index_cast %parallel_loop3A_340 : i32 to index
      %parallel_loop3A_342 = tpu.vector_load %arg12[%parallel_loop3A_341] {strides = array<i32>} : memref<4000xi32, #tpu.memory_space<vmem>>, vector<16xi32>,
      %parallel_loop3A_343 = arith.constant 0 : i32
      %parallel_loop3A_344 = tpu.memref_slice %arg16[%parallel_loop3A_49, %parallel_loop3A_343] : memref<1x40960xf32, #tpu.memory_space<vmem>> -> memref<1x40960xf32, #tpu.memory_space<vmem>>
      %parallel_loop3A_345 = tpu.memref_squeeze %parallel_loop3A_344 : memref<1x40960xf32, #tpu.memory_space<vmem>> -> memref<40960xf32, #tpu.memory_space<vmem>>
      tpu.vector_store_idx %parallel_loop3A_345[%parallel_loop3A_342], %broadcast_in_dim3A_3 {add = true} : memref<40960xf32, #tpu.memory_space<vmem>>[vector<16xi32>], vector<16xf32>,
    } {sc.loop_unroll_factor = 5 : i64, sc.parallel_access}
    %add3A_50 = arith.constant 12000 : i32
    %add3A_51 = arith.addi %mul3A_2, %add3A_50 : i32
    %add3A_52 = arith.constant 320000 : i32
    %add3A_53 = arith.addi %add3A_52, %add3A_51 : i32
    %dma_start3A_54 = tpu.memref_slice %arg3[%add3A_53] : memref<640000xi32, #tpu.memory_space<hbm>> -> memref<4000xi32, #tpu.memory_space<hbm>>
    %dma_start3A_55 = tpu.memref_slice %arg3[%add3A_53] : memref<640000xi32, #tpu.memory_space<hbm>> -> memref<4000xi32, #tpu.memory_space<hbm>>
    tpu.enqueue_dma source(%dma_start3A_55 : memref<4000xi32, #tpu.memory_space<hbm>>) target(%arg12 : memref<4000xi32, #tpu.memory_space<vmem>>) target_semaphore(%arg31 : memref<!tpu.dma_semaphore, #tpu.memory_space<semaphore_mem>>)
    %dma_wait3A_56 = tpu.memref_slice %arg3[%add3A_36] : memref<640000xi32, #tpu.memory_space<hbm>> -> memref<4000xi32, #tpu.memory_space<hbm>>
    %dma_wait3A_57 = tpu.memref_slice %arg3[%add3A_36] : memref<640000xi32, #tpu.memory_space<hbm>> -> memref<4000xi32, #tpu.memory_space<hbm>>
    tpu.wait_dma2 semaphore(%arg32 : memref<!tpu.dma_semaphore, #tpu.memory_space<semaphore_mem>>) src(%dma_wait3A_57 : memref<4000xi32, #tpu.memory_space<hbm>>) dst(%arg13 : memref<4000xi32, #tpu.memory_space<vmem>>)
    %parallel_loop3A_58 = arith.constant 0 : i32
    %parallel_loop3A_59 = arith.constant 250 : i32
    %parallel_loop3A_60 = arith.constant 1 : i32
    %parallel_loop3A_61 = arith.constant 0 : i32
    scf.for %parallel_loop3A_338 = %parallel_loop3A_58 to %parallel_loop3A_59 step %parallel_loop3A_60  : i32 {
      %parallel_loop3A_339 = arith.constant 16 : i32
      %parallel_loop3A_340 = arith.muli %parallel_loop3A_338, %parallel_loop3A_339 : i32
      %parallel_loop3A_341 = arith.index_cast %parallel_loop3A_340 : i32 to index
      %parallel_loop3A_342 = tpu.vector_load %arg13[%parallel_loop3A_341] {strides = array<i32>} : memref<4000xi32, #tpu.memory_space<vmem>>, vector<16xi32>,
      %parallel_loop3A_343 = arith.constant 0 : i32
      %parallel_loop3A_344 = tpu.memref_slice %arg16[%parallel_loop3A_61, %parallel_loop3A_343] : memref<1x40960xf32, #tpu.memory_space<vmem>> -> memref<1x40960xf32, #tpu.memory_space<vmem>>
      %parallel_loop3A_345 = tpu.memref_squeeze %parallel_loop3A_344 : memref<1x40960xf32, #tpu.memory_space<vmem>> -> memref<40960xf32, #tpu.memory_space<vmem>>
      tpu.vector_store_idx %parallel_loop3A_345[%parallel_loop3A_342], %broadcast_in_dim3A_3 {add = true} : memref<40960xf32, #tpu.memory_space<vmem>>[vector<16xi32>], vector<16xf32>,
    } {sc.loop_unroll_factor = 5 : i64, sc.parallel_access}
    %add3A_62 = arith.constant 16000 : i32
    %add3A_63 = arith.addi %mul3A_2, %add3A_62 : i32
    %add3A_64 = arith.constant 320000 : i32
    %add3A_65 = arith.addi %add3A_64, %add3A_63 : i32
    %dma_start3A_66 = tpu.memref_slice %arg3[%add3A_65] : memref<640000xi32, #tpu.memory_space<hbm>> -> memref<4000xi32, #tpu.memory_space<hbm>>
    %dma_start3A_67 = tpu.memref_slice %arg3[%add3A_65] : memref<640000xi32, #tpu.memory_space<hbm>> -> memref<4000xi32, #tpu.memory_space<hbm>>
    tpu.enqueue_dma source(%dma_start3A_67 : memref<4000xi32, #tpu.memory_space<hbm>>) target(%arg13 : memref<4000xi32, #tpu.memory_space<vmem>>) target_semaphore(%arg32 : memref<!tpu.dma_semaphore, #tpu.memory_space<semaphore_mem>>)
    %dma_wait3A_68 = tpu.memref_slice %arg3[%add3A_42] : memref<640000xi32, #tpu.memory_space<hbm>> -> memref<4000xi32, #tpu.memory_space<hbm>>
    %dma_wait3A_69 = tpu.memref_slice %arg3[%add3A_42] : memref<640000xi32, #tpu.memory_space<hbm>> -> memref<4000xi32, #tpu.memory_space<hbm>>
    tpu.wait_dma2 semaphore(%arg33 : memref<!tpu.dma_semaphore, #tpu.memory_space<semaphore_mem>>) src(%dma_wait3A_69 : memref<4000xi32, #tpu.memory_space<hbm>>) dst(%arg14 : memref<4000xi32, #tpu.memory_space<vmem>>)
    %parallel_loop3A_70 = arith.constant 0 : i32
    %parallel_loop3A_71 = arith.constant 250 : i32
    %parallel_loop3A_72 = arith.constant 1 : i32
    %parallel_loop3A_73 = arith.constant 0 : i32
    scf.for %parallel_loop3A_338 = %parallel_loop3A_70 to %parallel_loop3A_71 step %parallel_loop3A_72  : i32 {
      %parallel_loop3A_339 = arith.constant 16 : i32
      %parallel_loop3A_340 = arith.muli %parallel_loop3A_338, %parallel_loop3A_339 : i32
      %parallel_loop3A_341 = arith.index_cast %parallel_loop3A_340 : i32 to index
      %parallel_loop3A_342 = tpu.vector_load %arg14[%parallel_loop3A_341] {strides = array<i32>} : memref<4000xi32, #tpu.memory_space<vmem>>, vector<16xi32>,
      %parallel_loop3A_343 = arith.constant 0 : i32
      %parallel_loop3A_344 = tpu.memref_slice %arg16[%parallel_loop3A_73, %parallel_loop3A_343] : memref<1x40960xf32, #tpu.memory_space<vmem>> -> memref<1x40960xf32, #tpu.memory_space<vmem>>
      %parallel_loop3A_345 = tpu.memref_squeeze %parallel_loop3A_344 : memref<1x40960xf32, #tpu.memory_space<vmem>> -> memref<40960xf32, #tpu.memory_space<vmem>>
      tpu.vector_store_idx %parallel_loop3A_345[%parallel_loop3A_342], %broadcast_in_dim3A_3 {add = true} : memref<40960xf32, #tpu.memory_space<vmem>>[vector<16xi32>], vector<16xf32>,
    } {sc.loop_unroll_factor = 5 : i64, sc.parallel_access}
    %dma_wait3A_74 = tpu.memref_slice %arg3[%add3A_53] : memref<640000xi32, #tpu.memory_space<hbm>> -> memref<4000xi32, #tpu.memory_space<hbm>>
    %dma_wait3A_75 = tpu.memref_slice %arg3[%add3A_53] : memref<640000xi32, #tpu.memory_space<hbm>> -> memref<4000xi32, #tpu.memory_space<hbm>>
    tpu.wait_dma2 semaphore(%arg31 : memref<!tpu.dma_semaphore, #tpu.memory_space<semaphore_mem>>) src(%dma_wait3A_75 : memref<4000xi32, #tpu.memory_space<hbm>>) dst(%arg12 : memref<4000xi32, #tpu.memory_space<vmem>>)
    %parallel_loop3A_76 = arith.constant 0 : i32
    %parallel_loop3A_77 = arith.constant 250 : i32
    %parallel_loop3A_78 = arith.constant 1 : i32
    %parallel_loop3A_79 = arith.constant 0 : i32
    scf.for %parallel_loop3A_338 = %parallel_loop3A_76 to %parallel_loop3A_77 step %parallel_loop3A_78  : i32 {
      %parallel_loop3A_339 = arith.constant 16 : i32
      %parallel_loop3A_340 = arith.muli %parallel_loop3A_338, %parallel_loop3A_339 : i32
      %parallel_loop3A_341 = arith.index_cast %parallel_loop3A_340 : i32 to index
      %parallel_loop3A_342 = tpu.vector_load %arg12[%parallel_loop3A_341] {strides = array<i32>} : memref<4000xi32, #tpu.memory_space<vmem>>, vector<16xi32>,
      %parallel_loop3A_343 = arith.constant 0 : i32
      %parallel_loop3A_344 = tpu.memref_slice %arg16[%parallel_loop3A_79, %parallel_loop3A_343] : memref<1x40960xf32, #tpu.memory_space<vmem>> -> memref<1x40960xf32, #tpu.memory_space<vmem>>
      %parallel_loop3A_345 = tpu.memref_squeeze %parallel_loop3A_344 : memref<1x40960xf32, #tpu.memory_space<vmem>> -> memref<40960xf32, #tpu.memory_space<vmem>>
      tpu.vector_store_idx %parallel_loop3A_345[%parallel_loop3A_342], %broadcast_in_dim3A_3 {add = true} : memref<40960xf32, #tpu.memory_space<vmem>>[vector<16xi32>], vector<16xf32>,
    } {sc.loop_unroll_factor = 5 : i64, sc.parallel_access}
    %dma_wait3A_80 = tpu.memref_slice %arg3[%add3A_65] : memref<640000xi32, #tpu.memory_space<hbm>> -> memref<4000xi32, #tpu.memory_space<hbm>>
    %dma_wait3A_81 = tpu.memref_slice %arg3[%add3A_65] : memref<640000xi32, #tpu.memory_space<hbm>> -> memref<4000xi32, #tpu.memory_space<hbm>>
    tpu.wait_dma2 semaphore(%arg32 : memref<!tpu.dma_semaphore, #tpu.memory_space<semaphore_mem>>) src(%dma_wait3A_81 : memref<4000xi32, #tpu.memory_space<hbm>>) dst(%arg13 : memref<4000xi32, #tpu.memory_space<vmem>>)
    %parallel_loop3A_82 = arith.constant 0 : i32
    %parallel_loop3A_83 = arith.constant 250 : i32
    %parallel_loop3A_84 = arith.constant 1 : i32
    %parallel_loop3A_85 = arith.constant 0 : i32
    scf.for %parallel_loop3A_338 = %parallel_loop3A_82 to %parallel_loop3A_83 step %parallel_loop3A_84  : i32 {
      %parallel_loop3A_339 = arith.constant 16 : i32
      %parallel_loop3A_340 = arith.muli %parallel_loop3A_338, %parallel_loop3A_339 : i32
      %parallel_loop3A_341 = arith.index_cast %parallel_loop3A_340 : i32 to index
      %parallel_loop3A_342 = tpu.vector_load %arg13[%parallel_loop3A_341] {strides = array<i32>} : memref<4000xi32, #tpu.memory_space<vmem>>, vector<16xi32>,
      %parallel_loop3A_343 = arith.constant 0 : i32
      %parallel_loop3A_344 = tpu.memref_slice %arg16[%parallel_loop3A_85, %parallel_loop3A_343] : memref<1x40960xf32, #tpu.memory_space<vmem>> -> memref<1x40960xf32, #tpu.memory_space<vmem>>
      %parallel_loop3A_345 = tpu.memref_squeeze %parallel_loop3A_344 : memref<1x40960xf32, #tpu.memory_space<vmem>> -> memref<40960xf32, #tpu.memory_space<vmem>>
      tpu.vector_store_idx %parallel_loop3A_345[%parallel_loop3A_342], %broadcast_in_dim3A_3 {add = true} : memref<40960xf32, #tpu.memory_space<vmem>>[vector<16xi32>], vector<16xf32>,
    } {sc.loop_unroll_factor = 5 : i64, sc.parallel_access}
    "tpu.trace_stop"() : () -> ()
    "tpu.trace_start"() <{level = 10 : i32, message = "phA_red"}> : () -> ()
    "tpu.region"() ({
      %run_scoped3A = tpu.sem_alloc : memref<!tpu.dma_semaphore, #tpu.memory_space<semaphore_mem>>
      %dma_start3A_338 = arith.constant 0 : i32
      %dma_start3A_339 = arith.constant 0 : i32
      %dma_start3A_340 = tpu.memref_slice %arg16[%dma_start3A_338, %dma_start3A_339] : memref<1x40960xf32, #tpu.memory_space<vmem>> -> memref<1x10240xf32, #tpu.memory_space<vmem>>
      %dma_start3A_341 = arith.constant 0 : i32
      %dma_start3A_342 = arith.constant 0 : i32
      %dma_start3A_343 = tpu.memref_slice %arg21[%dma_start3A_341, %dma_start3A_342] : memref<1x10240xf32, #tpu.memory_space<vmem_shared>> -> memref<1x10240xf32, #tpu.memory_space<vmem_shared>>
      tpu.enqueue_indirect_dma source(%dma_start3A_340 : memref<1x10240xf32, #tpu.memory_space<vmem>>) target(%dma_start3A_343 : memref<1x10240xf32, #tpu.memory_space<vmem_shared>>) offsets(%arg20 : memref<1xi32, #tpu.memory_space<vmem>>) semaphore(%run_scoped3A : memref<!tpu.dma_semaphore, #tpu.memory_space<semaphore_mem>>) {add = true}
      %dma_wait3A_344 = arith.constant 0 : i32
      %dma_wait3A_345 = arith.constant 0 : i32
      %dma_wait3A_346 = tpu.memref_slice %arg16[%dma_wait3A_344, %dma_wait3A_345] : memref<1x40960xf32, #tpu.memory_space<vmem>> -> memref<1x10240xf32, #tpu.memory_space<vmem>>
      %dma_wait3A_347 = arith.constant 0 : i32
      %dma_wait3A_348 = arith.constant 0 : i32
      %dma_wait3A_349 = tpu.memref_slice %arg21[%dma_wait3A_347, %dma_wait3A_348] : memref<1x10240xf32, #tpu.memory_space<vmem_shared>> -> memref<1x10240xf32, #tpu.memory_space<vmem_shared>>
      tpu.wait_indirect_dma semaphore(%run_scoped3A : memref<!tpu.dma_semaphore, #tpu.memory_space<semaphore_mem>>) src(%dma_wait3A_346 : memref<1x10240xf32, #tpu.memory_space<vmem>>) dst(%dma_wait3A_349 : memref<1x10240xf32, #tpu.memory_space<vmem_shared>>)
      tpu.yield
    }) : () -> ()
    "tpu.trace_stop"() : () -> ()
    tpu.enqueue_dma source(%arg4 : memref<1x40960xf32, #tpu.memory_space<hbm>>) target(%arg16 : memref<1x40960xf32, #tpu.memory_space<vmem>>) target_semaphore(%arg25 : memref<!tpu.dma_semaphore, #tpu.memory_space<semaphore_mem>>)
    %barrier3A_86 = arith.constant 0 : index
    tpu.barrier barrier_id(%barrier3A_86)
    "tpu.trace_start"() <{level = 10 : i32, message = "phA2_slice"}> : () -> ()
    "tpu.region"() ({
      %run_scoped3A = tpu.sem_alloc : memref<!tpu.dma_semaphore, #tpu.memory_space<semaphore_mem>>
      %dma_start3A_338 = arith.constant 0 : i32
      %dma_start3A_339 = arith.constant 3200 : i32
      %dma_start3A_340 = tpu.memref_slice %arg17[%dma_start3A_338, %dma_start3A_339] : memref<1x3840xf32, #tpu.memory_space<vmem>> -> memref<1x640xf32, #tpu.memory_space<vmem>>
      %dma_start3A_341 = arith.constant 0 : i32
      %dma_start3A_342 = tpu.memref_slice %arg21[%dma_start3A_341, %mul3A_0] : memref<1x10240xf32, #tpu.memory_space<vmem_shared>> -> memref<1x640xf32, #tpu.memory_space<vmem_shared>>
      %dma_start3A_343 = arith.constant 0 : i32
      %dma_start3A_344 = arith.constant 3200 : i32
      %dma_start3A_345 = tpu.memref_slice %arg17[%dma_start3A_343, %dma_start3A_344] : memref<1x3840xf32, #tpu.memory_space<vmem>> -> memref<1x640xf32, #tpu.memory_space<vmem>>
      %dma_start3A_346 = arith.constant 0 : i32
      %dma_start3A_347 = tpu.memref_slice %arg21[%dma_start3A_346, %mul3A_0] : memref<1x10240xf32, #tpu.memory_space<vmem_shared>> -> memref<1x640xf32, #tpu.memory_space<vmem_shared>>
      tpu.enqueue_dma source(%dma_start3A_347 : memref<1x640xf32, #tpu.memory_space<vmem_shared>>) target(%dma_start3A_345 : memref<1x640xf32, #tpu.memory_space<vmem>>) target_semaphore(%run_scoped3A : memref<!tpu.dma_semaphore, #tpu.memory_space<semaphore_mem>>)
      %dma_wait3A_348 = arith.constant 0 : i32
      %dma_wait3A_349 = arith.constant 3200 : i32
      %dma_wait3A_350 = tpu.memref_slice %arg17[%dma_wait3A_348, %dma_wait3A_349] : memref<1x3840xf32, #tpu.memory_space<vmem>> -> memref<1x640xf32, #tpu.memory_space<vmem>>
      %dma_wait3A_351 = arith.constant 0 : i32
      %dma_wait3A_352 = tpu.memref_slice %arg21[%dma_wait3A_351, %mul3A_0] : memref<1x10240xf32, #tpu.memory_space<vmem_shared>> -> memref<1x640xf32, #tpu.memory_space<vmem_shared>>
      %dma_wait3A_353 = arith.constant 0 : i32
      %dma_wait3A_354 = arith.constant 3200 : i32
      %dma_wait3A_355 = tpu.memref_slice %arg17[%dma_wait3A_353, %dma_wait3A_354] : memref<1x3840xf32, #tpu.memory_space<vmem>> -> memref<1x640xf32, #tpu.memory_space<vmem>>
      %dma_wait3A_356 = arith.constant 0 : i32
      %dma_wait3A_357 = tpu.memref_slice %arg21[%dma_wait3A_356, %mul3A_0] : memref<1x10240xf32, #tpu.memory_space<vmem_shared>> -> memref<1x640xf32, #tpu.memory_space<vmem_shared>>
      tpu.wait_dma2 semaphore(%run_scoped3A : memref<!tpu.dma_semaphore, #tpu.memory_space<semaphore_mem>>) src(%dma_wait3A_357 : memref<1x640xf32, #tpu.memory_space<vmem_shared>>) dst(%dma_wait3A_355 : memref<1x640xf32, #tpu.memory_space<vmem>>)
      tpu.yield
    }) : () -> ()
    "tpu.trace_stop"() : () -> ()
    "tpu.trace_start"() <{level = 10 : i32, message = "phA2_xwwait"}> : () -> ()
    tpu.wait_dma2 semaphore(%arg24 : memref<!tpu.dma_semaphore, #tpu.memory_space<semaphore_mem>>) src(%arg2 : memref<1x40960xf32, #tpu.memory_space<hbm>>) dst(%arg15 : memref<1x40960xf32, #tpu.memory_space<vmem>>)
    tpu.wait_dma2 semaphore(%arg26 : memref<!tpu.dma_semaphore, #tpu.memory_space<semaphore_mem>>) src(%arg6 : memref<1x144xf32, #tpu.memory_space<hbm>>) dst(%arg19 : memref<1x144xf32, #tpu.memory_space<vmem>>)
    "tpu.trace_stop"() : () -> ()
    "tpu.trace_start"() <{level = 10 : i32, message = "phA2_loop"}> : () -> ()
    %scan3A = arith.constant 0 : i32
    %scan3A_87 = arith.constant 0 : i32
    %scan3A_88 = arith.constant 0 : i32
    %scan3A_89 = arith.constant 0 : i32
    %scan3A_90 = arith.constant 40 : i32
    %scan3A_91 = arith.addi %scan3A_89, %scan3A_90 : i32
    %scan3A_92 = arith.constant 1 : i32
    scf.for %scan3A_338 = %scan3A_89 to %scan3A_91 step %scan3A_92  : i32 {
      %mul3A_339 = arith.constant 16 : i32
      %mul3A_340 = arith.muli %scan3A_338, %mul3A_339 : i32
      %add3A_341 = arith.constant 3200 : i32
      %add3A_342 = arith.addi %add3A_341, %mul3A_340 : i32
      %get3A = arith.constant 0 : i32
      %get3A_343 = tpu.memref_slice %arg17[%scan3A_87, %get3A] : memref<1x3840xf32, #tpu.memory_space<vmem>> -> memref<1x3840xf32, #tpu.memory_space<vmem>>
      %get3A_344 = tpu.memref_squeeze %get3A_343 : memref<1x3840xf32, #tpu.memory_space<vmem>> -> memref<3840xf32, #tpu.memory_space<vmem>>
      %get3A_345 = arith.index_cast %add3A_342 : i32 to index
      %get3A_346 = tpu.vector_load %get3A_344[%get3A_345] {strides = array<i32>} : memref<3840xf32, #tpu.memory_space<vmem>>, vector<16xf32>,
      %add3A_347 = arith.constant 1.000000e+00 : f32
      %add3A_348 = vector.broadcast %add3A_347 : f32 to vector<16xf32>
      %add3A_349 = arith.addf %get3A_346, %add3A_348 : vector<16xf32>
      %bitcast3A = vector.bitcast %add3A_349 : vector<16xf32> to vector<16xi32>
      %shift_right_arithmetic3A = arith.constant 1 : i32
      %shift_right_arithmetic3A_350 = vector.broadcast %shift_right_arithmetic3A : i32 to vector<16xi32>
      %shift_right_arithmetic3A_351 = arith.shrsi %bitcast3A, %shift_right_arithmetic3A_350 : vector<16xi32>
      %sub3A = arith.constant 1597463007 : i32
      %sub3A_352 = vector.broadcast %sub3A : i32 to vector<16xi32>
      %sub3A_353 = arith.subi %sub3A_352, %shift_right_arithmetic3A_351 : vector<16xi32>
      %bitcast3A_354 = vector.bitcast %sub3A_353 : vector<16xi32> to vector<16xf32>
      %mul3A_355 = arith.constant 5.000000e-01 : f32
      %mul3A_356 = vector.broadcast %mul3A_355 : f32 to vector<16xf32>
      %mul3A_357 = arith.mulf %mul3A_356, %add3A_349 : vector<16xf32>
      %mul3A_358 = arith.mulf %mul3A_357, %bitcast3A_354 : vector<16xf32>
      %mul3A_359 = arith.mulf %mul3A_358, %bitcast3A_354 : vector<16xf32>
      %sub3A_360 = arith.constant 1.500000e+00 : f32
      %sub3A_361 = vector.broadcast %sub3A_360 : f32 to vector<16xf32>
      %sub3A_362 = arith.subf %sub3A_361, %mul3A_359 : vector<16xf32>
      %mul3A_363 = arith.mulf %bitcast3A_354, %sub3A_362 : vector<16xf32>
      %mul3A_364 = arith.constant 5.000000e-01 : f32
      %mul3A_365 = vector.broadcast %mul3A_364 : f32 to vector<16xf32>
      %mul3A_366 = arith.mulf %mul3A_365, %add3A_349 : vector<16xf32>
      %mul3A_367 = arith.mulf %mul3A_366, %mul3A_363 : vector<16xf32>
      %mul3A_368 = arith.mulf %mul3A_367, %mul3A_363 : vector<16xf32>
      %sub3A_369 = arith.constant 1.500000e+00 : f32
      %sub3A_370 = vector.broadcast %sub3A_369 : f32 to vector<16xf32>
      %sub3A_371 = arith.subf %sub3A_370, %mul3A_368 : vector<16xf32>
      %mul3A_372 = arith.mulf %mul3A_363, %sub3A_371 : vector<16xf32>
      %mul3A_373 = arith.constant 5.000000e-01 : f32
      %mul3A_374 = vector.broadcast %mul3A_373 : f32 to vector<16xf32>
      %mul3A_375 = arith.mulf %mul3A_374, %add3A_349 : vector<16xf32>
      %mul3A_376 = arith.mulf %mul3A_375, %mul3A_372 : vector<16xf32>
      %mul3A_377 = arith.mulf %mul3A_376, %mul3A_372 : vector<16xf32>
      %sub3A_378 = arith.constant 1.500000e+00 : f32
      %sub3A_379 = vector.broadcast %sub3A_378 : f32 to vector<16xf32>
      %sub3A_380 = arith.subf %sub3A_379, %mul3A_377 : vector<16xf32>
      %mul3A_381 = arith.mulf %mul3A_372, %sub3A_380 : vector<16xf32>
      %swap3A = arith.index_cast %mul3A_340 : i32 to index
      %swap3A_382 = tpu.vector_load %arg18[%swap3A] {strides = array<i32>} : memref<640xf32, #tpu.memory_space<vmem>>, vector<16xf32>,
      tpu.vector_store %arg18[%swap3A], %mul3A_381 {strides = array<i32>} : memref<640xf32, #tpu.memory_space<vmem>>, vector<16xf32>,
      %add3A_383 = arith.constant 0 : i32
      %add3A_384 = arith.addi %add3A_383, %mul3A_0 : i32
      %add3A_385 = arith.addi %add3A_384, %mul3A_340 : i32
      %get3A_386 = arith.constant 0 : i32
      %get3A_387 = tpu.memref_slice %arg15[%scan3A_88, %get3A_386] : memref<1x40960xf32, #tpu.memory_space<vmem>> -> memref<1x40960xf32, #tpu.memory_space<vmem>>
      %get3A_388 = tpu.memref_squeeze %get3A_387 : memref<1x40960xf32, #tpu.memory_space<vmem>> -> memref<40960xf32, #tpu.memory_space<vmem>>
      %get3A_389 = arith.index_cast %add3A_385 : i32 to index
      %get3A_390 = tpu.vector_load %get3A_388[%get3A_389] {strides = array<i32>} : memref<40960xf32, #tpu.memory_space<vmem>>, vector<16xf32>,
      %mul3A_391 = arith.mulf %mul3A_381, %get3A_390 : vector<16xf32>
      %swap3A_392 = arith.constant 0 : i32
      %swap3A_393 = tpu.memref_slice %arg15[%scan3A_88, %swap3A_392] : memref<1x40960xf32, #tpu.memory_space<vmem>> -> memref<1x40960xf32, #tpu.memory_space<vmem>>
      %swap3A_394 = tpu.memref_squeeze %swap3A_393 : memref<1x40960xf32, #tpu.memory_space<vmem>> -> memref<40960xf32, #tpu.memory_space<vmem>>
      %swap3A_395 = arith.index_cast %add3A_385 : i32 to index
      %swap3A_396 = tpu.vector_load %swap3A_394[%swap3A_395] {strides = array<i32>} : memref<40960xf32, #tpu.memory_space<vmem>>, vector<16xf32>,
      tpu.vector_store %swap3A_394[%swap3A_395], %mul3A_391 {strides = array<i32>} : memref<40960xf32, #tpu.memory_space<vmem>>, vector<16xf32>,
      %add3A_397 = arith.constant 10240 : i32
      %add3A_398 = arith.addi %add3A_397, %mul3A_0 : i32
      %add3A_399 = arith.addi %add3A_398, %mul3A_340 : i32
      %get3A_400 = arith.constant 0 : i32
      %get3A_401 = tpu.memref_slice %arg15[%scan3A_88, %get3A_400] : memref<1x40960xf32, #tpu.memory_space<vmem>> -> memref<1x40960xf32, #tpu.memory_space<vmem>>
      %get3A_402 = tpu.memref_squeeze %get3A_401 : memref<1x40960xf32, #tpu.memory_space<vmem>> -> memref<40960xf32, #tpu.memory_space<vmem>>
      %get3A_403 = arith.index_cast %add3A_399 : i32 to index
      %get3A_404 = tpu.vector_load %get3A_402[%get3A_403] {strides = array<i32>} : memref<40960xf32, #tpu.memory_space<vmem>>, vector<16xf32>,
      %mul3A_405 = arith.mulf %mul3A_381, %get3A_404 : vector<16xf32>
      %swap3A_406 = arith.constant 0 : i32
      %swap3A_407 = tpu.memref_slice %arg15[%scan3A_88, %swap3A_406] : memref<1x40960xf32, #tpu.memory_space<vmem>> -> memref<1x40960xf32, #tpu.memory_space<vmem>>
      %swap3A_408 = tpu.memref_squeeze %swap3A_407 : memref<1x40960xf32, #tpu.memory_space<vmem>> -> memref<40960xf32, #tpu.memory_space<vmem>>
      %swap3A_409 = arith.index_cast %add3A_399 : i32 to index
      %swap3A_410 = tpu.vector_load %swap3A_408[%swap3A_409] {strides = array<i32>} : memref<40960xf32, #tpu.memory_space<vmem>>, vector<16xf32>,
      tpu.vector_store %swap3A_408[%swap3A_409], %mul3A_405 {strides = array<i32>} : memref<40960xf32, #tpu.memory_space<vmem>>, vector<16xf32>,
      %add3A_411 = arith.constant 20480 : i32
      %add3A_412 = arith.addi %add3A_411, %mul3A_0 : i32
      %add3A_413 = arith.addi %add3A_412, %mul3A_340 : i32
      %get3A_414 = arith.constant 0 : i32
      %get3A_415 = tpu.memref_slice %arg15[%scan3A_88, %get3A_414] : memref<1x40960xf32, #tpu.memory_space<vmem>> -> memref<1x40960xf32, #tpu.memory_space<vmem>>
      %get3A_416 = tpu.memref_squeeze %get3A_415 : memref<1x40960xf32, #tpu.memory_space<vmem>> -> memref<40960xf32, #tpu.memory_space<vmem>>
      %get3A_417 = arith.index_cast %add3A_413 : i32 to index
      %get3A_418 = tpu.vector_load %get3A_416[%get3A_417] {strides = array<i32>} : memref<40960xf32, #tpu.memory_space<vmem>>, vector<16xf32>,
      %mul3A_419 = arith.mulf %mul3A_381, %get3A_418 : vector<16xf32>
      %swap3A_420 = arith.constant 0 : i32
      %swap3A_421 = tpu.memref_slice %arg15[%scan3A_88, %swap3A_420] : memref<1x40960xf32, #tpu.memory_space<vmem>> -> memref<1x40960xf32, #tpu.memory_space<vmem>>
      %swap3A_422 = tpu.memref_squeeze %swap3A_421 : memref<1x40960xf32, #tpu.memory_space<vmem>> -> memref<40960xf32, #tpu.memory_space<vmem>>
      %swap3A_423 = arith.index_cast %add3A_413 : i32 to index
      %swap3A_424 = tpu.vector_load %swap3A_422[%swap3A_423] {strides = array<i32>} : memref<40960xf32, #tpu.memory_space<vmem>>, vector<16xf32>,
      tpu.vector_store %swap3A_422[%swap3A_423], %mul3A_419 {strides = array<i32>} : memref<40960xf32, #tpu.memory_space<vmem>>, vector<16xf32>,
      %add3A_425 = arith.constant 30720 : i32
      %add3A_426 = arith.addi %add3A_425, %mul3A_0 : i32
      %add3A_427 = arith.addi %add3A_426, %mul3A_340 : i32
      %get3A_428 = arith.constant 0 : i32
      %get3A_429 = tpu.memref_slice %arg15[%scan3A_88, %get3A_428] : memref<1x40960xf32, #tpu.memory_space<vmem>> -> memref<1x40960xf32, #tpu.memory_space<vmem>>
      %get3A_430 = tpu.memref_squeeze %get3A_429 : memref<1x40960xf32, #tpu.memory_space<vmem>> -> memref<40960xf32, #tpu.memory_space<vmem>>
      %get3A_431 = arith.index_cast %add3A_427 : i32 to index
      %get3A_432 = tpu.vector_load %get3A_430[%get3A_431] {strides = array<i32>} : memref<40960xf32, #tpu.memory_space<vmem>>, vector<16xf32>,
      %mul3A_433 = arith.mulf %mul3A_381, %get3A_432 : vector<16xf32>
      %swap3A_434 = arith.constant 0 : i32
      %swap3A_435 = tpu.memref_slice %arg15[%scan3A_88, %swap3A_434] : memref<1x40960xf32, #tpu.memory_space<vmem>> -> memref<1x40960xf32, #tpu.memory_space<vmem>>
      %swap3A_436 = tpu.memref_squeeze %swap3A_435 : memref<1x40960xf32, #tpu.memory_space<vmem>> -> memref<40960xf32, #tpu.memory_space<vmem>>
      %swap3A_437 = arith.index_cast %add3A_427 : i32 to index
      %swap3A_438 = tpu.vector_load %swap3A_436[%swap3A_437] {strides = array<i32>} : memref<40960xf32, #tpu.memory_space<vmem>>, vector<16xf32>,
      tpu.vector_store %swap3A_436[%swap3A_437], %mul3A_433 {strides = array<i32>} : memref<40960xf32, #tpu.memory_space<vmem>>, vector<16xf32>,
    }
    %scan3A_93 = arith.constant 40 : i32
    "tpu.trace_stop"() : () -> ()
    "tpu.trace_start"() <{level = 10 : i32, message = "phA2_pub"}> : () -> ()
    %add3A_94 = arith.constant 0 : i32
    %add3A_95 = arith.addi %add3A_94, %mul3A_0 : i32
    %add3A_96 = arith.constant 0 : i32
    %add3A_97 = arith.addi %add3A_96, %mul3A_0 : i32
    "tpu.region"() ({
      %run_scoped3A = tpu.sem_alloc : memref<!tpu.dma_semaphore, #tpu.memory_space<semaphore_mem>>
      %dma_start3A_338 = arith.constant 0 : i32
      %dma_start3A_339 = tpu.memref_slice %arg15[%dma_start3A_338, %add3A_95] : memref<1x40960xf32, #tpu.memory_space<vmem>> -> memref<1x640xf32, #tpu.memory_space<vmem>>
      %dma_start3A_340 = arith.constant 0 : i32
      %dma_start3A_341 = tpu.memref_slice %arg23[%dma_start3A_340, %add3A_97] : memref<1x40960xf32, #tpu.memory_space<vmem_shared>> -> memref<1x640xf32, #tpu.memory_space<vmem_shared>>
      %dma_start3A_342 = arith.constant 0 : i32
      %dma_start3A_343 = tpu.memref_slice %arg23[%dma_start3A_342, %add3A_97] : memref<1x40960xf32, #tpu.memory_space<vmem_shared>> -> memref<1x640xf32, #tpu.memory_space<vmem_shared>>
      %dma_start3A_344 = arith.constant 0 : i32
      %dma_start3A_345 = tpu.memref_slice %arg15[%dma_start3A_344, %add3A_95] : memref<1x40960xf32, #tpu.memory_space<vmem>> -> memref<1x640xf32, #tpu.memory_space<vmem>>
      tpu.enqueue_dma source(%dma_start3A_345 : memref<1x640xf32, #tpu.memory_space<vmem>>) target(%dma_start3A_343 : memref<1x640xf32, #tpu.memory_space<vmem_shared>>) target_semaphore(%run_scoped3A : memref<!tpu.dma_semaphore, #tpu.memory_space<semaphore_mem>>)
      %dma_wait3A_346 = arith.constant 0 : i32
      %dma_wait3A_347 = tpu.memref_slice %arg15[%dma_wait3A_346, %add3A_95] : memref<1x40960xf32, #tpu.memory_space<vmem>> -> memref<1x640xf32, #tpu.memory_space<vmem>>
      %dma_wait3A_348 = arith.constant 0 : i32
      %dma_wait3A_349 = tpu.memref_slice %arg23[%dma_wait3A_348, %add3A_97] : memref<1x40960xf32, #tpu.memory_space<vmem_shared>> -> memref<1x640xf32, #tpu.memory_space<vmem_shared>>
      %dma_wait3A_350 = arith.constant 0 : i32
      %dma_wait3A_351 = tpu.memref_slice %arg23[%dma_wait3A_350, %add3A_97] : memref<1x40960xf32, #tpu.memory_space<vmem_shared>> -> memref<1x640xf32, #tpu.memory_space<vmem_shared>>
      %dma_wait3A_352 = arith.constant 0 : i32
      %dma_wait3A_353 = tpu.memref_slice %arg15[%dma_wait3A_352, %add3A_95] : memref<1x40960xf32, #tpu.memory_space<vmem>> -> memref<1x640xf32, #tpu.memory_space<vmem>>
      tpu.wait_dma2 semaphore(%run_scoped3A : memref<!tpu.dma_semaphore, #tpu.memory_space<semaphore_mem>>) src(%dma_wait3A_353 : memref<1x640xf32, #tpu.memory_space<vmem>>) dst(%dma_wait3A_351 : memref<1x640xf32, #tpu.memory_space<vmem_shared>>)
      tpu.yield
    }) : () -> ()
    %add3A_98 = arith.constant 10240 : i32
    %add3A_99 = arith.addi %add3A_98, %mul3A_0 : i32
    %add3A_100 = arith.constant 10240 : i32
    %add3A_101 = arith.addi %add3A_100, %mul3A_0 : i32
    "tpu.region"() ({
      %run_scoped3A = tpu.sem_alloc : memref<!tpu.dma_semaphore, #tpu.memory_space<semaphore_mem>>
      %dma_start3A_338 = arith.constant 0 : i32
      %dma_start3A_339 = tpu.memref_slice %arg15[%dma_start3A_338, %add3A_99] : memref<1x40960xf32, #tpu.memory_space<vmem>> -> memref<1x640xf32, #tpu.memory_space<vmem>>
      %dma_start3A_340 = arith.constant 0 : i32
      %dma_start3A_341 = tpu.memref_slice %arg23[%dma_start3A_340, %add3A_101] : memref<1x40960xf32, #tpu.memory_space<vmem_shared>> -> memref<1x640xf32, #tpu.memory_space<vmem_shared>>
      %dma_start3A_342 = arith.constant 0 : i32
      %dma_start3A_343 = tpu.memref_slice %arg23[%dma_start3A_342, %add3A_101] : memref<1x40960xf32, #tpu.memory_space<vmem_shared>> -> memref<1x640xf32, #tpu.memory_space<vmem_shared>>
      %dma_start3A_344 = arith.constant 0 : i32
      %dma_start3A_345 = tpu.memref_slice %arg15[%dma_start3A_344, %add3A_99] : memref<1x40960xf32, #tpu.memory_space<vmem>> -> memref<1x640xf32, #tpu.memory_space<vmem>>
      tpu.enqueue_dma source(%dma_start3A_345 : memref<1x640xf32, #tpu.memory_space<vmem>>) target(%dma_start3A_343 : memref<1x640xf32, #tpu.memory_space<vmem_shared>>) target_semaphore(%run_scoped3A : memref<!tpu.dma_semaphore, #tpu.memory_space<semaphore_mem>>)
      %dma_wait3A_346 = arith.constant 0 : i32
      %dma_wait3A_347 = tpu.memref_slice %arg15[%dma_wait3A_346, %add3A_99] : memref<1x40960xf32, #tpu.memory_space<vmem>> -> memref<1x640xf32, #tpu.memory_space<vmem>>
      %dma_wait3A_348 = arith.constant 0 : i32
      %dma_wait3A_349 = tpu.memref_slice %arg23[%dma_wait3A_348, %add3A_101] : memref<1x40960xf32, #tpu.memory_space<vmem_shared>> -> memref<1x640xf32, #tpu.memory_space<vmem_shared>>
      %dma_wait3A_350 = arith.constant 0 : i32
      %dma_wait3A_351 = tpu.memref_slice %arg23[%dma_wait3A_350, %add3A_101] : memref<1x40960xf32, #tpu.memory_space<vmem_shared>> -> memref<1x640xf32, #tpu.memory_space<vmem_shared>>
      %dma_wait3A_352 = arith.constant 0 : i32
      %dma_wait3A_353 = tpu.memref_slice %arg15[%dma_wait3A_352, %add3A_99] : memref<1x40960xf32, #tpu.memory_space<vmem>> -> memref<1x640xf32, #tpu.memory_space<vmem>>
      tpu.wait_dma2 semaphore(%run_scoped3A : memref<!tpu.dma_semaphore, #tpu.memory_space<semaphore_mem>>) src(%dma_wait3A_353 : memref<1x640xf32, #tpu.memory_space<vmem>>) dst(%dma_wait3A_351 : memref<1x640xf32, #tpu.memory_space<vmem_shared>>)
      tpu.yield
    }) : () -> ()
    %add3A_102 = arith.constant 20480 : i32
    %add3A_103 = arith.addi %add3A_102, %mul3A_0 : i32
    %add3A_104 = arith.constant 20480 : i32
    %add3A_105 = arith.addi %add3A_104, %mul3A_0 : i32
    "tpu.region"() ({
      %run_scoped3A = tpu.sem_alloc : memref<!tpu.dma_semaphore, #tpu.memory_space<semaphore_mem>>
      %dma_start3A_338 = arith.constant 0 : i32
      %dma_start3A_339 = tpu.memref_slice %arg15[%dma_start3A_338, %add3A_103] : memref<1x40960xf32, #tpu.memory_space<vmem>> -> memref<1x640xf32, #tpu.memory_space<vmem>>
      %dma_start3A_340 = arith.constant 0 : i32
      %dma_start3A_341 = tpu.memref_slice %arg23[%dma_start3A_340, %add3A_105] : memref<1x40960xf32, #tpu.memory_space<vmem_shared>> -> memref<1x640xf32, #tpu.memory_space<vmem_shared>>
      %dma_start3A_342 = arith.constant 0 : i32
      %dma_start3A_343 = tpu.memref_slice %arg23[%dma_start3A_342, %add3A_105] : memref<1x40960xf32, #tpu.memory_space<vmem_shared>> -> memref<1x640xf32, #tpu.memory_space<vmem_shared>>
      %dma_start3A_344 = arith.constant 0 : i32
      %dma_start3A_345 = tpu.memref_slice %arg15[%dma_start3A_344, %add3A_103] : memref<1x40960xf32, #tpu.memory_space<vmem>> -> memref<1x640xf32, #tpu.memory_space<vmem>>
      tpu.enqueue_dma source(%dma_start3A_345 : memref<1x640xf32, #tpu.memory_space<vmem>>) target(%dma_start3A_343 : memref<1x640xf32, #tpu.memory_space<vmem_shared>>) target_semaphore(%run_scoped3A : memref<!tpu.dma_semaphore, #tpu.memory_space<semaphore_mem>>)
      %dma_wait3A_346 = arith.constant 0 : i32
      %dma_wait3A_347 = tpu.memref_slice %arg15[%dma_wait3A_346, %add3A_103] : memref<1x40960xf32, #tpu.memory_space<vmem>> -> memref<1x640xf32, #tpu.memory_space<vmem>>
      %dma_wait3A_348 = arith.constant 0 : i32
      %dma_wait3A_349 = tpu.memref_slice %arg23[%dma_wait3A_348, %add3A_105] : memref<1x40960xf32, #tpu.memory_space<vmem_shared>> -> memref<1x640xf32, #tpu.memory_space<vmem_shared>>
      %dma_wait3A_350 = arith.constant 0 : i32
      %dma_wait3A_351 = tpu.memref_slice %arg23[%dma_wait3A_350, %add3A_105] : memref<1x40960xf32, #tpu.memory_space<vmem_shared>> -> memref<1x640xf32, #tpu.memory_space<vmem_shared>>
      %dma_wait3A_352 = arith.constant 0 : i32
      %dma_wait3A_353 = tpu.memref_slice %arg15[%dma_wait3A_352, %add3A_103] : memref<1x40960xf32, #tpu.memory_space<vmem>> -> memref<1x640xf32, #tpu.memory_space<vmem>>
      tpu.wait_dma2 semaphore(%run_scoped3A : memref<!tpu.dma_semaphore, #tpu.memory_space<semaphore_mem>>) src(%dma_wait3A_353 : memref<1x640xf32, #tpu.memory_space<vmem>>) dst(%dma_wait3A_351 : memref<1x640xf32, #tpu.memory_space<vmem_shared>>)
      tpu.yield
    }) : () -> ()
    %add3A_106 = arith.constant 30720 : i32
    %add3A_107 = arith.addi %add3A_106, %mul3A_0 : i32
    %add3A_108 = arith.constant 30720 : i32
    %add3A_109 = arith.addi %add3A_108, %mul3A_0 : i32
    "tpu.region"() ({
      %run_scoped3A = tpu.sem_alloc : memref<!tpu.dma_semaphore, #tpu.memory_space<semaphore_mem>>
      %dma_start3A_338 = arith.constant 0 : i32
      %dma_start3A_339 = tpu.memref_slice %arg15[%dma_start3A_338, %add3A_107] : memref<1x40960xf32, #tpu.memory_space<vmem>> -> memref<1x640xf32, #tpu.memory_space<vmem>>
      %dma_start3A_340 = arith.constant 0 : i32
      %dma_start3A_341 = tpu.memref_slice %arg23[%dma_start3A_340, %add3A_109] : memref<1x40960xf32, #tpu.memory_space<vmem_shared>> -> memref<1x640xf32, #tpu.memory_space<vmem_shared>>
      %dma_start3A_342 = arith.constant 0 : i32
      %dma_start3A_343 = tpu.memref_slice %arg23[%dma_start3A_342, %add3A_109] : memref<1x40960xf32, #tpu.memory_space<vmem_shared>> -> memref<1x640xf32, #tpu.memory_space<vmem_shared>>
      %dma_start3A_344 = arith.constant 0 : i32
      %dma_start3A_345 = tpu.memref_slice %arg15[%dma_start3A_344, %add3A_107] : memref<1x40960xf32, #tpu.memory_space<vmem>> -> memref<1x640xf32, #tpu.memory_space<vmem>>
      tpu.enqueue_dma source(%dma_start3A_345 : memref<1x640xf32, #tpu.memory_space<vmem>>) target(%dma_start3A_343 : memref<1x640xf32, #tpu.memory_space<vmem_shared>>) target_semaphore(%run_scoped3A : memref<!tpu.dma_semaphore, #tpu.memory_space<semaphore_mem>>)
      %dma_wait3A_346 = arith.constant 0 : i32
      %dma_wait3A_347 = tpu.memref_slice %arg15[%dma_wait3A_346, %add3A_107] : memref<1x40960xf32, #tpu.memory_space<vmem>> -> memref<1x640xf32, #tpu.memory_space<vmem>>
      %dma_wait3A_348 = arith.constant 0 : i32
      %dma_wait3A_349 = tpu.memref_slice %arg23[%dma_wait3A_348, %add3A_109] : memref<1x40960xf32, #tpu.memory_space<vmem_shared>> -> memref<1x640xf32, #tpu.memory_space<vmem_shared>>
      %dma_wait3A_350 = arith.constant 0 : i32
      %dma_wait3A_351 = tpu.memref_slice %arg23[%dma_wait3A_350, %add3A_109] : memref<1x40960xf32, #tpu.memory_space<vmem_shared>> -> memref<1x640xf32, #tpu.memory_space<vmem_shared>>
      %dma_wait3A_352 = arith.constant 0 : i32
      %dma_wait3A_353 = tpu.memref_slice %arg15[%dma_wait3A_352, %add3A_107] : memref<1x40960xf32, #tpu.memory_space<vmem>> -> memref<1x640xf32, #tpu.memory_space<vmem>>
      tpu.wait_dma2 semaphore(%run_scoped3A : memref<!tpu.dma_semaphore, #tpu.memory_space<semaphore_mem>>) src(%dma_wait3A_353 : memref<1x640xf32, #tpu.memory_space<vmem>>) dst(%dma_wait3A_351 : memref<1x640xf32, #tpu.memory_space<vmem_shared>>)
      tpu.yield
    }) : () -> ()
    "tpu.trace_stop"() : () -> ()
    "tpu.trace_start"() <{level = 10 : i32, message = "bar3"}> : () -> ()
    %barrier3A_110 = arith.constant 0 : index
    tpu.barrier barrier_id(%barrier3A_110)
    "tpu.trace_stop"() : () -> ()
    "tpu.trace_start"() <{level = 10 : i32, message = "phB_q1rd"}> : () -> ()
    "tpu.region"() ({
      %run_scoped3A = tpu.sem_alloc : memref<!tpu.dma_semaphore, #tpu.memory_space<semaphore_mem>>
      tpu.enqueue_dma source(%arg23 : memref<1x40960xf32, #tpu.memory_space<vmem_shared>>) target(%arg15 : memref<1x40960xf32, #tpu.memory_space<vmem>>) target_semaphore(%run_scoped3A : memref<!tpu.dma_semaphore, #tpu.memory_space<semaphore_mem>>)
      tpu.wait_dma2 semaphore(%run_scoped3A : memref<!tpu.dma_semaphore, #tpu.memory_space<semaphore_mem>>) src(%arg23 : memref<1x40960xf32, #tpu.memory_space<vmem_shared>>) dst(%arg15 : memref<1x40960xf32, #tpu.memory_space<vmem>>)
      tpu.yield
    }) : () -> ()
    "tpu.trace_stop"() : () -> ()
    tpu.wait_dma2 semaphore(%arg25 : memref<!tpu.dma_semaphore, #tpu.memory_space<semaphore_mem>>) src(%arg4 : memref<1x40960xf32, #tpu.memory_space<hbm>>) dst(%arg16 : memref<1x40960xf32, #tpu.memory_space<vmem>>)
    "tpu.trace_start"() <{level = 10 : i32, message = "phB_edges"}> : () -> ()
    %add3A_111 = arith.constant 0 : i32
    %add3A_112 = arith.addi %mul3A_2, %add3A_111 : i32
    %add3A_113 = arith.constant 320000 : i32
    %add3A_114 = arith.addi %add3A_113, %add3A_112 : i32
    %dma_start3A_115 = tpu.memref_slice %arg3[%add3A_114] : memref<640000xi32, #tpu.memory_space<hbm>> -> memref<4000xi32, #tpu.memory_space<hbm>>
    %dma_start3A_116 = tpu.memref_slice %arg3[%add3A_114] : memref<640000xi32, #tpu.memory_space<hbm>> -> memref<4000xi32, #tpu.memory_space<hbm>>
    tpu.enqueue_dma source(%dma_start3A_116 : memref<4000xi32, #tpu.memory_space<hbm>>) target(%arg12 : memref<4000xi32, #tpu.memory_space<vmem>>) target_semaphore(%arg31 : memref<!tpu.dma_semaphore, #tpu.memory_space<semaphore_mem>>)
    %dma_start3A_117 = tpu.memref_slice %arg3[%add3A_112] : memref<640000xi32, #tpu.memory_space<hbm>> -> memref<4000xi32, #tpu.memory_space<hbm>>
    %dma_start3A_118 = tpu.memref_slice %arg3[%add3A_112] : memref<640000xi32, #tpu.memory_space<hbm>> -> memref<4000xi32, #tpu.memory_space<hbm>>
    tpu.enqueue_dma source(%dma_start3A_118 : memref<4000xi32, #tpu.memory_space<hbm>>) target(%arg9 : memref<4000xi32, #tpu.memory_space<vmem>>) target_semaphore(%arg28 : memref<!tpu.dma_semaphore, #tpu.memory_space<semaphore_mem>>)
    %add3A_119 = arith.constant 4000 : i32
    %add3A_120 = arith.addi %mul3A_2, %add3A_119 : i32
    %add3A_121 = arith.constant 320000 : i32
    %add3A_122 = arith.addi %add3A_121, %add3A_120 : i32
    %dma_start3A_123 = tpu.memref_slice %arg3[%add3A_122] : memref<640000xi32, #tpu.memory_space<hbm>> -> memref<4000xi32, #tpu.memory_space<hbm>>
    %dma_start3A_124 = tpu.memref_slice %arg3[%add3A_122] : memref<640000xi32, #tpu.memory_space<hbm>> -> memref<4000xi32, #tpu.memory_space<hbm>>
    tpu.enqueue_dma source(%dma_start3A_124 : memref<4000xi32, #tpu.memory_space<hbm>>) target(%arg13 : memref<4000xi32, #tpu.memory_space<vmem>>) target_semaphore(%arg32 : memref<!tpu.dma_semaphore, #tpu.memory_space<semaphore_mem>>)
    %dma_start3A_125 = tpu.memref_slice %arg3[%add3A_120] : memref<640000xi32, #tpu.memory_space<hbm>> -> memref<4000xi32, #tpu.memory_space<hbm>>
    %dma_start3A_126 = tpu.memref_slice %arg3[%add3A_120] : memref<640000xi32, #tpu.memory_space<hbm>> -> memref<4000xi32, #tpu.memory_space<hbm>>
    tpu.enqueue_dma source(%dma_start3A_126 : memref<4000xi32, #tpu.memory_space<hbm>>) target(%arg10 : memref<4000xi32, #tpu.memory_space<vmem>>) target_semaphore(%arg29 : memref<!tpu.dma_semaphore, #tpu.memory_space<semaphore_mem>>)
    %add3A_127 = arith.constant 8000 : i32
    %add3A_128 = arith.addi %mul3A_2, %add3A_127 : i32
    %add3A_129 = arith.constant 320000 : i32
    %add3A_130 = arith.addi %add3A_129, %add3A_128 : i32
    %dma_start3A_131 = tpu.memref_slice %arg3[%add3A_130] : memref<640000xi32, #tpu.memory_space<hbm>> -> memref<4000xi32, #tpu.memory_space<hbm>>
    %dma_start3A_132 = tpu.memref_slice %arg3[%add3A_130] : memref<640000xi32, #tpu.memory_space<hbm>> -> memref<4000xi32, #tpu.memory_space<hbm>>
    tpu.enqueue_dma source(%dma_start3A_132 : memref<4000xi32, #tpu.memory_space<hbm>>) target(%arg14 : memref<4000xi32, #tpu.memory_space<vmem>>) target_semaphore(%arg33 : memref<!tpu.dma_semaphore, #tpu.memory_space<semaphore_mem>>)
    %dma_start3A_133 = tpu.memref_slice %arg3[%add3A_128] : memref<640000xi32, #tpu.memory_space<hbm>> -> memref<4000xi32, #tpu.memory_space<hbm>>
    %dma_start3A_134 = tpu.memref_slice %arg3[%add3A_128] : memref<640000xi32, #tpu.memory_space<hbm>> -> memref<4000xi32, #tpu.memory_space<hbm>>
    tpu.enqueue_dma source(%dma_start3A_134 : memref<4000xi32, #tpu.memory_space<hbm>>) target(%arg11 : memref<4000xi32, #tpu.memory_space<vmem>>) target_semaphore(%arg30 : memref<!tpu.dma_semaphore, #tpu.memory_space<semaphore_mem>>)
    %dma_wait3A_135 = tpu.memref_slice %arg3[%add3A_112] : memref<640000xi32, #tpu.memory_space<hbm>> -> memref<4000xi32, #tpu.memory_space<hbm>>
    %dma_wait3A_136 = tpu.memref_slice %arg3[%add3A_112] : memref<640000xi32, #tpu.memory_space<hbm>> -> memref<4000xi32, #tpu.memory_space<hbm>>
    tpu.wait_dma2 semaphore(%arg28 : memref<!tpu.dma_semaphore, #tpu.memory_space<semaphore_mem>>) src(%dma_wait3A_136 : memref<4000xi32, #tpu.memory_space<hbm>>) dst(%arg9 : memref<4000xi32, #tpu.memory_space<vmem>>)
    %dma_wait3A_137 = tpu.memref_slice %arg3[%add3A_114] : memref<640000xi32, #tpu.memory_space<hbm>> -> memref<4000xi32, #tpu.memory_space<hbm>>
    %dma_wait3A_138 = tpu.memref_slice %arg3[%add3A_114] : memref<640000xi32, #tpu.memory_space<hbm>> -> memref<4000xi32, #tpu.memory_space<hbm>>
    tpu.wait_dma2 semaphore(%arg31 : memref<!tpu.dma_semaphore, #tpu.memory_space<semaphore_mem>>) src(%dma_wait3A_138 : memref<4000xi32, #tpu.memory_space<hbm>>) dst(%arg12 : memref<4000xi32, #tpu.memory_space<vmem>>)
    %parallel_loop3A_139 = arith.constant 0 : i32
    %parallel_loop3A_140 = arith.constant 250 : i32
    %parallel_loop3A_141 = arith.constant 1 : i32
    %parallel_loop3A_142 = arith.constant 0 : i32
    %parallel_loop3A_143 = arith.constant 0 : i32
    scf.for %parallel_loop3A_338 = %parallel_loop3A_139 to %parallel_loop3A_140 step %parallel_loop3A_141  : i32 {
      %parallel_loop3A_339 = arith.constant 16 : i32
      %parallel_loop3A_340 = arith.muli %parallel_loop3A_338, %parallel_loop3A_339 : i32
      %parallel_loop3A_341 = arith.index_cast %parallel_loop3A_340 : i32 to index
      %parallel_loop3A_342 = tpu.vector_load %arg9[%parallel_loop3A_341] {strides = array<i32>} : memref<4000xi32, #tpu.memory_space<vmem>>, vector<16xi32>,
      %parallel_loop3A_343 = arith.constant 16 : i32
      %parallel_loop3A_344 = arith.muli %parallel_loop3A_338, %parallel_loop3A_343 : i32
      %parallel_loop3A_345 = arith.index_cast %parallel_loop3A_344 : i32 to index
      %parallel_loop3A_346 = tpu.vector_load %arg12[%parallel_loop3A_345] {strides = array<i32>} : memref<4000xi32, #tpu.memory_space<vmem>>, vector<16xi32>,
      %parallel_loop3A_347 = arith.constant 0 : i32
      %parallel_loop3A_348 = tpu.memref_slice %arg15[%parallel_loop3A_142, %parallel_loop3A_347] : memref<1x40960xf32, #tpu.memory_space<vmem>> -> memref<1x40960xf32, #tpu.memory_space<vmem>>
      %parallel_loop3A_349 = tpu.memref_squeeze %parallel_loop3A_348 : memref<1x40960xf32, #tpu.memory_space<vmem>> -> memref<40960xf32, #tpu.memory_space<vmem>>
      %parallel_loop3A_350 = tpu.vector_load_idx %parallel_loop3A_349[%parallel_loop3A_342] : memref<40960xf32, #tpu.memory_space<vmem>>[vector<16xi32>], vector<16xf32>,
      %parallel_loop3A_351 = arith.constant 0 : i32
      %parallel_loop3A_352 = tpu.memref_slice %arg16[%parallel_loop3A_143, %parallel_loop3A_351] : memref<1x40960xf32, #tpu.memory_space<vmem>> -> memref<1x40960xf32, #tpu.memory_space<vmem>>
      %parallel_loop3A_353 = tpu.memref_squeeze %parallel_loop3A_352 : memref<1x40960xf32, #tpu.memory_space<vmem>> -> memref<40960xf32, #tpu.memory_space<vmem>>
      tpu.vector_store_idx %parallel_loop3A_353[%parallel_loop3A_346], %parallel_loop3A_350 {add = true} : memref<40960xf32, #tpu.memory_space<vmem>>[vector<16xi32>], vector<16xf32>,
      %parallel_loop3A_354 = arith.constant 10240 : i32
      %parallel_loop3A_355 = vector.broadcast %parallel_loop3A_354 : i32 to vector<16xi32>
      %parallel_loop3A_356 = arith.addi %parallel_loop3A_342, %parallel_loop3A_355 : vector<16xi32>
      %parallel_loop3A_357 = arith.constant 10240 : i32
      %parallel_loop3A_358 = vector.broadcast %parallel_loop3A_357 : i32 to vector<16xi32>
      %parallel_loop3A_359 = arith.addi %parallel_loop3A_346, %parallel_loop3A_358 : vector<16xi32>
      %parallel_loop3A_360 = arith.constant 0 : i32
      %parallel_loop3A_361 = tpu.memref_slice %arg15[%parallel_loop3A_142, %parallel_loop3A_360] : memref<1x40960xf32, #tpu.memory_space<vmem>> -> memref<1x40960xf32, #tpu.memory_space<vmem>>
      %parallel_loop3A_362 = tpu.memref_squeeze %parallel_loop3A_361 : memref<1x40960xf32, #tpu.memory_space<vmem>> -> memref<40960xf32, #tpu.memory_space<vmem>>
      %parallel_loop3A_363 = tpu.vector_load_idx %parallel_loop3A_362[%parallel_loop3A_356] : memref<40960xf32, #tpu.memory_space<vmem>>[vector<16xi32>], vector<16xf32>,
      %parallel_loop3A_364 = arith.constant 0 : i32
      %parallel_loop3A_365 = tpu.memref_slice %arg16[%parallel_loop3A_143, %parallel_loop3A_364] : memref<1x40960xf32, #tpu.memory_space<vmem>> -> memref<1x40960xf32, #tpu.memory_space<vmem>>
      %parallel_loop3A_366 = tpu.memref_squeeze %parallel_loop3A_365 : memref<1x40960xf32, #tpu.memory_space<vmem>> -> memref<40960xf32, #tpu.memory_space<vmem>>
      tpu.vector_store_idx %parallel_loop3A_366[%parallel_loop3A_359], %parallel_loop3A_363 {add = true} : memref<40960xf32, #tpu.memory_space<vmem>>[vector<16xi32>], vector<16xf32>,
      %parallel_loop3A_367 = arith.constant 20480 : i32
      %parallel_loop3A_368 = vector.broadcast %parallel_loop3A_367 : i32 to vector<16xi32>
      %parallel_loop3A_369 = arith.addi %parallel_loop3A_342, %parallel_loop3A_368 : vector<16xi32>
      %parallel_loop3A_370 = arith.constant 20480 : i32
      %parallel_loop3A_371 = vector.broadcast %parallel_loop3A_370 : i32 to vector<16xi32>
      %parallel_loop3A_372 = arith.addi %parallel_loop3A_346, %parallel_loop3A_371 : vector<16xi32>
      %parallel_loop3A_373 = arith.constant 0 : i32
      %parallel_loop3A_374 = tpu.memref_slice %arg15[%parallel_loop3A_142, %parallel_loop3A_373] : memref<1x40960xf32, #tpu.memory_space<vmem>> -> memref<1x40960xf32, #tpu.memory_space<vmem>>
      %parallel_loop3A_375 = tpu.memref_squeeze %parallel_loop3A_374 : memref<1x40960xf32, #tpu.memory_space<vmem>> -> memref<40960xf32, #tpu.memory_space<vmem>>
      %parallel_loop3A_376 = tpu.vector_load_idx %parallel_loop3A_375[%parallel_loop3A_369] : memref<40960xf32, #tpu.memory_space<vmem>>[vector<16xi32>], vector<16xf32>,
      %parallel_loop3A_377 = arith.constant 0 : i32
      %parallel_loop3A_378 = tpu.memref_slice %arg16[%parallel_loop3A_143, %parallel_loop3A_377] : memref<1x40960xf32, #tpu.memory_space<vmem>> -> memref<1x40960xf32, #tpu.memory_space<vmem>>
      %parallel_loop3A_379 = tpu.memref_squeeze %parallel_loop3A_378 : memref<1x40960xf32, #tpu.memory_space<vmem>> -> memref<40960xf32, #tpu.memory_space<vmem>>
      tpu.vector_store_idx %parallel_loop3A_379[%parallel_loop3A_372], %parallel_loop3A_376 {add = true} : memref<40960xf32, #tpu.memory_space<vmem>>[vector<16xi32>], vector<16xf32>,
      %parallel_loop3A_380 = arith.constant 30720 : i32
      %parallel_loop3A_381 = vector.broadcast %parallel_loop3A_380 : i32 to vector<16xi32>
      %parallel_loop3A_382 = arith.addi %parallel_loop3A_342, %parallel_loop3A_381 : vector<16xi32>
      %parallel_loop3A_383 = arith.constant 30720 : i32
      %parallel_loop3A_384 = vector.broadcast %parallel_loop3A_383 : i32 to vector<16xi32>
      %parallel_loop3A_385 = arith.addi %parallel_loop3A_346, %parallel_loop3A_384 : vector<16xi32>
      %parallel_loop3A_386 = arith.constant 0 : i32
      %parallel_loop3A_387 = tpu.memref_slice %arg15[%parallel_loop3A_142, %parallel_loop3A_386] : memref<1x40960xf32, #tpu.memory_space<vmem>> -> memref<1x40960xf32, #tpu.memory_space<vmem>>
      %parallel_loop3A_388 = tpu.memref_squeeze %parallel_loop3A_387 : memref<1x40960xf32, #tpu.memory_space<vmem>> -> memref<40960xf32, #tpu.memory_space<vmem>>
      %parallel_loop3A_389 = tpu.vector_load_idx %parallel_loop3A_388[%parallel_loop3A_382] : memref<40960xf32, #tpu.memory_space<vmem>>[vector<16xi32>], vector<16xf32>,
      %parallel_loop3A_390 = arith.constant 0 : i32
      %parallel_loop3A_391 = tpu.memref_slice %arg16[%parallel_loop3A_143, %parallel_loop3A_390] : memref<1x40960xf32, #tpu.memory_space<vmem>> -> memref<1x40960xf32, #tpu.memory_space<vmem>>
      %parallel_loop3A_392 = tpu.memref_squeeze %parallel_loop3A_391 : memref<1x40960xf32, #tpu.memory_space<vmem>> -> memref<40960xf32, #tpu.memory_space<vmem>>
      tpu.vector_store_idx %parallel_loop3A_392[%parallel_loop3A_385], %parallel_loop3A_389 {add = true} : memref<40960xf32, #tpu.memory_space<vmem>>[vector<16xi32>], vector<16xf32>,
    } {sc.loop_unroll_factor = 4 : i64, sc.parallel_access}
    %add3A_144 = arith.constant 12000 : i32
    %add3A_145 = arith.addi %mul3A_2, %add3A_144 : i32
    %add3A_146 = arith.constant 320000 : i32
    %add3A_147 = arith.addi %add3A_146, %add3A_145 : i32
    %dma_start3A_148 = tpu.memref_slice %arg3[%add3A_147] : memref<640000xi32, #tpu.memory_space<hbm>> -> memref<4000xi32, #tpu.memory_space<hbm>>
    %dma_start3A_149 = tpu.memref_slice %arg3[%add3A_147] : memref<640000xi32, #tpu.memory_space<hbm>> -> memref<4000xi32, #tpu.memory_space<hbm>>
    tpu.enqueue_dma source(%dma_start3A_149 : memref<4000xi32, #tpu.memory_space<hbm>>) target(%arg12 : memref<4000xi32, #tpu.memory_space<vmem>>) target_semaphore(%arg31 : memref<!tpu.dma_semaphore, #tpu.memory_space<semaphore_mem>>)
    %dma_start3A_150 = tpu.memref_slice %arg3[%add3A_145] : memref<640000xi32, #tpu.memory_space<hbm>> -> memref<4000xi32, #tpu.memory_space<hbm>>
    %dma_start3A_151 = tpu.memref_slice %arg3[%add3A_145] : memref<640000xi32, #tpu.memory_space<hbm>> -> memref<4000xi32, #tpu.memory_space<hbm>>
    tpu.enqueue_dma source(%dma_start3A_151 : memref<4000xi32, #tpu.memory_space<hbm>>) target(%arg9 : memref<4000xi32, #tpu.memory_space<vmem>>) target_semaphore(%arg28 : memref<!tpu.dma_semaphore, #tpu.memory_space<semaphore_mem>>)
    %dma_wait3A_152 = tpu.memref_slice %arg3[%add3A_120] : memref<640000xi32, #tpu.memory_space<hbm>> -> memref<4000xi32, #tpu.memory_space<hbm>>
    %dma_wait3A_153 = tpu.memref_slice %arg3[%add3A_120] : memref<640000xi32, #tpu.memory_space<hbm>> -> memref<4000xi32, #tpu.memory_space<hbm>>
    tpu.wait_dma2 semaphore(%arg29 : memref<!tpu.dma_semaphore, #tpu.memory_space<semaphore_mem>>) src(%dma_wait3A_153 : memref<4000xi32, #tpu.memory_space<hbm>>) dst(%arg10 : memref<4000xi32, #tpu.memory_space<vmem>>)
    %dma_wait3A_154 = tpu.memref_slice %arg3[%add3A_122] : memref<640000xi32, #tpu.memory_space<hbm>> -> memref<4000xi32, #tpu.memory_space<hbm>>
    %dma_wait3A_155 = tpu.memref_slice %arg3[%add3A_122] : memref<640000xi32, #tpu.memory_space<hbm>> -> memref<4000xi32, #tpu.memory_space<hbm>>
    tpu.wait_dma2 semaphore(%arg32 : memref<!tpu.dma_semaphore, #tpu.memory_space<semaphore_mem>>) src(%dma_wait3A_155 : memref<4000xi32, #tpu.memory_space<hbm>>) dst(%arg13 : memref<4000xi32, #tpu.memory_space<vmem>>)
    %parallel_loop3A_156 = arith.constant 0 : i32
    %parallel_loop3A_157 = arith.constant 250 : i32
    %parallel_loop3A_158 = arith.constant 1 : i32
    %parallel_loop3A_159 = arith.constant 0 : i32
    %parallel_loop3A_160 = arith.constant 0 : i32
    scf.for %parallel_loop3A_338 = %parallel_loop3A_156 to %parallel_loop3A_157 step %parallel_loop3A_158  : i32 {
      %parallel_loop3A_339 = arith.constant 16 : i32
      %parallel_loop3A_340 = arith.muli %parallel_loop3A_338, %parallel_loop3A_339 : i32
      %parallel_loop3A_341 = arith.index_cast %parallel_loop3A_340 : i32 to index
      %parallel_loop3A_342 = tpu.vector_load %arg10[%parallel_loop3A_341] {strides = array<i32>} : memref<4000xi32, #tpu.memory_space<vmem>>, vector<16xi32>,
      %parallel_loop3A_343 = arith.constant 16 : i32
      %parallel_loop3A_344 = arith.muli %parallel_loop3A_338, %parallel_loop3A_343 : i32
      %parallel_loop3A_345 = arith.index_cast %parallel_loop3A_344 : i32 to index
      %parallel_loop3A_346 = tpu.vector_load %arg13[%parallel_loop3A_345] {strides = array<i32>} : memref<4000xi32, #tpu.memory_space<vmem>>, vector<16xi32>,
      %parallel_loop3A_347 = arith.constant 0 : i32
      %parallel_loop3A_348 = tpu.memref_slice %arg15[%parallel_loop3A_159, %parallel_loop3A_347] : memref<1x40960xf32, #tpu.memory_space<vmem>> -> memref<1x40960xf32, #tpu.memory_space<vmem>>
      %parallel_loop3A_349 = tpu.memref_squeeze %parallel_loop3A_348 : memref<1x40960xf32, #tpu.memory_space<vmem>> -> memref<40960xf32, #tpu.memory_space<vmem>>
      %parallel_loop3A_350 = tpu.vector_load_idx %parallel_loop3A_349[%parallel_loop3A_342] : memref<40960xf32, #tpu.memory_space<vmem>>[vector<16xi32>], vector<16xf32>,
      %parallel_loop3A_351 = arith.constant 0 : i32
      %parallel_loop3A_352 = tpu.memref_slice %arg16[%parallel_loop3A_160, %parallel_loop3A_351] : memref<1x40960xf32, #tpu.memory_space<vmem>> -> memref<1x40960xf32, #tpu.memory_space<vmem>>
      %parallel_loop3A_353 = tpu.memref_squeeze %parallel_loop3A_352 : memref<1x40960xf32, #tpu.memory_space<vmem>> -> memref<40960xf32, #tpu.memory_space<vmem>>
      tpu.vector_store_idx %parallel_loop3A_353[%parallel_loop3A_346], %parallel_loop3A_350 {add = true} : memref<40960xf32, #tpu.memory_space<vmem>>[vector<16xi32>], vector<16xf32>,
      %parallel_loop3A_354 = arith.constant 10240 : i32
      %parallel_loop3A_355 = vector.broadcast %parallel_loop3A_354 : i32 to vector<16xi32>
      %parallel_loop3A_356 = arith.addi %parallel_loop3A_342, %parallel_loop3A_355 : vector<16xi32>
      %parallel_loop3A_357 = arith.constant 10240 : i32
      %parallel_loop3A_358 = vector.broadcast %parallel_loop3A_357 : i32 to vector<16xi32>
      %parallel_loop3A_359 = arith.addi %parallel_loop3A_346, %parallel_loop3A_358 : vector<16xi32>
      %parallel_loop3A_360 = arith.constant 0 : i32
      %parallel_loop3A_361 = tpu.memref_slice %arg15[%parallel_loop3A_159, %parallel_loop3A_360] : memref<1x40960xf32, #tpu.memory_space<vmem>> -> memref<1x40960xf32, #tpu.memory_space<vmem>>
      %parallel_loop3A_362 = tpu.memref_squeeze %parallel_loop3A_361 : memref<1x40960xf32, #tpu.memory_space<vmem>> -> memref<40960xf32, #tpu.memory_space<vmem>>
      %parallel_loop3A_363 = tpu.vector_load_idx %parallel_loop3A_362[%parallel_loop3A_356] : memref<40960xf32, #tpu.memory_space<vmem>>[vector<16xi32>], vector<16xf32>,
      %parallel_loop3A_364 = arith.constant 0 : i32
      %parallel_loop3A_365 = tpu.memref_slice %arg16[%parallel_loop3A_160, %parallel_loop3A_364] : memref<1x40960xf32, #tpu.memory_space<vmem>> -> memref<1x40960xf32, #tpu.memory_space<vmem>>
      %parallel_loop3A_366 = tpu.memref_squeeze %parallel_loop3A_365 : memref<1x40960xf32, #tpu.memory_space<vmem>> -> memref<40960xf32, #tpu.memory_space<vmem>>
      tpu.vector_store_idx %parallel_loop3A_366[%parallel_loop3A_359], %parallel_loop3A_363 {add = true} : memref<40960xf32, #tpu.memory_space<vmem>>[vector<16xi32>], vector<16xf32>,
      %parallel_loop3A_367 = arith.constant 20480 : i32
      %parallel_loop3A_368 = vector.broadcast %parallel_loop3A_367 : i32 to vector<16xi32>
      %parallel_loop3A_369 = arith.addi %parallel_loop3A_342, %parallel_loop3A_368 : vector<16xi32>
      %parallel_loop3A_370 = arith.constant 20480 : i32
      %parallel_loop3A_371 = vector.broadcast %parallel_loop3A_370 : i32 to vector<16xi32>
      %parallel_loop3A_372 = arith.addi %parallel_loop3A_346, %parallel_loop3A_371 : vector<16xi32>
      %parallel_loop3A_373 = arith.constant 0 : i32
      %parallel_loop3A_374 = tpu.memref_slice %arg15[%parallel_loop3A_159, %parallel_loop3A_373] : memref<1x40960xf32, #tpu.memory_space<vmem>> -> memref<1x40960xf32, #tpu.memory_space<vmem>>
      %parallel_loop3A_375 = tpu.memref_squeeze %parallel_loop3A_374 : memref<1x40960xf32, #tpu.memory_space<vmem>> -> memref<40960xf32, #tpu.memory_space<vmem>>
      %parallel_loop3A_376 = tpu.vector_load_idx %parallel_loop3A_375[%parallel_loop3A_369] : memref<40960xf32, #tpu.memory_space<vmem>>[vector<16xi32>], vector<16xf32>,
      %parallel_loop3A_377 = arith.constant 0 : i32
      %parallel_loop3A_378 = tpu.memref_slice %arg16[%parallel_loop3A_160, %parallel_loop3A_377] : memref<1x40960xf32, #tpu.memory_space<vmem>> -> memref<1x40960xf32, #tpu.memory_space<vmem>>
      %parallel_loop3A_379 = tpu.memref_squeeze %parallel_loop3A_378 : memref<1x40960xf32, #tpu.memory_space<vmem>> -> memref<40960xf32, #tpu.memory_space<vmem>>
      tpu.vector_store_idx %parallel_loop3A_379[%parallel_loop3A_372], %parallel_loop3A_376 {add = true} : memref<40960xf32, #tpu.memory_space<vmem>>[vector<16xi32>], vector<16xf32>,
      %parallel_loop3A_380 = arith.constant 30720 : i32
      %parallel_loop3A_381 = vector.broadcast %parallel_loop3A_380 : i32 to vector<16xi32>
      %parallel_loop3A_382 = arith.addi %parallel_loop3A_342, %parallel_loop3A_381 : vector<16xi32>
      %parallel_loop3A_383 = arith.constant 30720 : i32
      %parallel_loop3A_384 = vector.broadcast %parallel_loop3A_383 : i32 to vector<16xi32>
      %parallel_loop3A_385 = arith.addi %parallel_loop3A_346, %parallel_loop3A_384 : vector<16xi32>
      %parallel_loop3A_386 = arith.constant 0 : i32
      %parallel_loop3A_387 = tpu.memref_slice %arg15[%parallel_loop3A_159, %parallel_loop3A_386] : memref<1x40960xf32, #tpu.memory_space<vmem>> -> memref<1x40960xf32, #tpu.memory_space<vmem>>
      %parallel_loop3A_388 = tpu.memref_squeeze %parallel_loop3A_387 : memref<1x40960xf32, #tpu.memory_space<vmem>> -> memref<40960xf32, #tpu.memory_space<vmem>>
      %parallel_loop3A_389 = tpu.vector_load_idx %parallel_loop3A_388[%parallel_loop3A_382] : memref<40960xf32, #tpu.memory_space<vmem>>[vector<16xi32>], vector<16xf32>,
      %parallel_loop3A_390 = arith.constant 0 : i32
      %parallel_loop3A_391 = tpu.memref_slice %arg16[%parallel_loop3A_160, %parallel_loop3A_390] : memref<1x40960xf32, #tpu.memory_space<vmem>> -> memref<1x40960xf32, #tpu.memory_space<vmem>>
      %parallel_loop3A_392 = tpu.memref_squeeze %parallel_loop3A_391 : memref<1x40960xf32, #tpu.memory_space<vmem>> -> memref<40960xf32, #tpu.memory_space<vmem>>
      tpu.vector_store_idx %parallel_loop3A_392[%parallel_loop3A_385], %parallel_loop3A_389 {add = true} : memref<40960xf32, #tpu.memory_space<vmem>>[vector<16xi32>], vector<16xf32>,
    } {sc.loop_unroll_factor = 4 : i64, sc.parallel_access}
    %add3A_161 = arith.constant 16000 : i32
    %add3A_162 = arith.addi %mul3A_2, %add3A_161 : i32
    %add3A_163 = arith.constant 320000 : i32
    %add3A_164 = arith.addi %add3A_163, %add3A_162 : i32
    %dma_start3A_165 = tpu.memref_slice %arg3[%add3A_164] : memref<640000xi32, #tpu.memory_space<hbm>> -> memref<4000xi32, #tpu.memory_space<hbm>>
    %dma_start3A_166 = tpu.memref_slice %arg3[%add3A_164] : memref<640000xi32, #tpu.memory_space<hbm>> -> memref<4000xi32, #tpu.memory_space<hbm>>
    tpu.enqueue_dma source(%dma_start3A_166 : memref<4000xi32, #tpu.memory_space<hbm>>) target(%arg13 : memref<4000xi32, #tpu.memory_space<vmem>>) target_semaphore(%arg32 : memref<!tpu.dma_semaphore, #tpu.memory_space<semaphore_mem>>)
    %dma_start3A_167 = tpu.memref_slice %arg3[%add3A_162] : memref<640000xi32, #tpu.memory_space<hbm>> -> memref<4000xi32, #tpu.memory_space<hbm>>
    %dma_start3A_168 = tpu.memref_slice %arg3[%add3A_162] : memref<640000xi32, #tpu.memory_space<hbm>> -> memref<4000xi32, #tpu.memory_space<hbm>>
    tpu.enqueue_dma source(%dma_start3A_168 : memref<4000xi32, #tpu.memory_space<hbm>>) target(%arg10 : memref<4000xi32, #tpu.memory_space<vmem>>) target_semaphore(%arg29 : memref<!tpu.dma_semaphore, #tpu.memory_space<semaphore_mem>>)
    %dma_wait3A_169 = tpu.memref_slice %arg3[%add3A_128] : memref<640000xi32, #tpu.memory_space<hbm>> -> memref<4000xi32, #tpu.memory_space<hbm>>
    %dma_wait3A_170 = tpu.memref_slice %arg3[%add3A_128] : memref<640000xi32, #tpu.memory_space<hbm>> -> memref<4000xi32, #tpu.memory_space<hbm>>
    tpu.wait_dma2 semaphore(%arg30 : memref<!tpu.dma_semaphore, #tpu.memory_space<semaphore_mem>>) src(%dma_wait3A_170 : memref<4000xi32, #tpu.memory_space<hbm>>) dst(%arg11 : memref<4000xi32, #tpu.memory_space<vmem>>)
    %dma_wait3A_171 = tpu.memref_slice %arg3[%add3A_130] : memref<640000xi32, #tpu.memory_space<hbm>> -> memref<4000xi32, #tpu.memory_space<hbm>>
    %dma_wait3A_172 = tpu.memref_slice %arg3[%add3A_130] : memref<640000xi32, #tpu.memory_space<hbm>> -> memref<4000xi32, #tpu.memory_space<hbm>>
    tpu.wait_dma2 semaphore(%arg33 : memref<!tpu.dma_semaphore, #tpu.memory_space<semaphore_mem>>) src(%dma_wait3A_172 : memref<4000xi32, #tpu.memory_space<hbm>>) dst(%arg14 : memref<4000xi32, #tpu.memory_space<vmem>>)
    %parallel_loop3A_173 = arith.constant 0 : i32
    %parallel_loop3A_174 = arith.constant 250 : i32
    %parallel_loop3A_175 = arith.constant 1 : i32
    %parallel_loop3A_176 = arith.constant 0 : i32
    %parallel_loop3A_177 = arith.constant 0 : i32
    scf.for %parallel_loop3A_338 = %parallel_loop3A_173 to %parallel_loop3A_174 step %parallel_loop3A_175  : i32 {
      %parallel_loop3A_339 = arith.constant 16 : i32
      %parallel_loop3A_340 = arith.muli %parallel_loop3A_338, %parallel_loop3A_339 : i32
      %parallel_loop3A_341 = arith.index_cast %parallel_loop3A_340 : i32 to index
      %parallel_loop3A_342 = tpu.vector_load %arg11[%parallel_loop3A_341] {strides = array<i32>} : memref<4000xi32, #tpu.memory_space<vmem>>, vector<16xi32>,
      %parallel_loop3A_343 = arith.constant 16 : i32
      %parallel_loop3A_344 = arith.muli %parallel_loop3A_338, %parallel_loop3A_343 : i32
      %parallel_loop3A_345 = arith.index_cast %parallel_loop3A_344 : i32 to index
      %parallel_loop3A_346 = tpu.vector_load %arg14[%parallel_loop3A_345] {strides = array<i32>} : memref<4000xi32, #tpu.memory_space<vmem>>, vector<16xi32>,
      %parallel_loop3A_347 = arith.constant 0 : i32
      %parallel_loop3A_348 = tpu.memref_slice %arg15[%parallel_loop3A_176, %parallel_loop3A_347] : memref<1x40960xf32, #tpu.memory_space<vmem>> -> memref<1x40960xf32, #tpu.memory_space<vmem>>
      %parallel_loop3A_349 = tpu.memref_squeeze %parallel_loop3A_348 : memref<1x40960xf32, #tpu.memory_space<vmem>> -> memref<40960xf32, #tpu.memory_space<vmem>>
      %parallel_loop3A_350 = tpu.vector_load_idx %parallel_loop3A_349[%parallel_loop3A_342] : memref<40960xf32, #tpu.memory_space<vmem>>[vector<16xi32>], vector<16xf32>,
      %parallel_loop3A_351 = arith.constant 0 : i32
      %parallel_loop3A_352 = tpu.memref_slice %arg16[%parallel_loop3A_177, %parallel_loop3A_351] : memref<1x40960xf32, #tpu.memory_space<vmem>> -> memref<1x40960xf32, #tpu.memory_space<vmem>>
      %parallel_loop3A_353 = tpu.memref_squeeze %parallel_loop3A_352 : memref<1x40960xf32, #tpu.memory_space<vmem>> -> memref<40960xf32, #tpu.memory_space<vmem>>
      tpu.vector_store_idx %parallel_loop3A_353[%parallel_loop3A_346], %parallel_loop3A_350 {add = true} : memref<40960xf32, #tpu.memory_space<vmem>>[vector<16xi32>], vector<16xf32>,
      %parallel_loop3A_354 = arith.constant 10240 : i32
      %parallel_loop3A_355 = vector.broadcast %parallel_loop3A_354 : i32 to vector<16xi32>
      %parallel_loop3A_356 = arith.addi %parallel_loop3A_342, %parallel_loop3A_355 : vector<16xi32>
      %parallel_loop3A_357 = arith.constant 10240 : i32
      %parallel_loop3A_358 = vector.broadcast %parallel_loop3A_357 : i32 to vector<16xi32>
      %parallel_loop3A_359 = arith.addi %parallel_loop3A_346, %parallel_loop3A_358 : vector<16xi32>
      %parallel_loop3A_360 = arith.constant 0 : i32
      %parallel_loop3A_361 = tpu.memref_slice %arg15[%parallel_loop3A_176, %parallel_loop3A_360] : memref<1x40960xf32, #tpu.memory_space<vmem>> -> memref<1x40960xf32, #tpu.memory_space<vmem>>
      %parallel_loop3A_362 = tpu.memref_squeeze %parallel_loop3A_361 : memref<1x40960xf32, #tpu.memory_space<vmem>> -> memref<40960xf32, #tpu.memory_space<vmem>>
      %parallel_loop3A_363 = tpu.vector_load_idx %parallel_loop3A_362[%parallel_loop3A_356] : memref<40960xf32, #tpu.memory_space<vmem>>[vector<16xi32>], vector<16xf32>,
      %parallel_loop3A_364 = arith.constant 0 : i32
      %parallel_loop3A_365 = tpu.memref_slice %arg16[%parallel_loop3A_177, %parallel_loop3A_364] : memref<1x40960xf32, #tpu.memory_space<vmem>> -> memref<1x40960xf32, #tpu.memory_space<vmem>>
      %parallel_loop3A_366 = tpu.memref_squeeze %parallel_loop3A_365 : memref<1x40960xf32, #tpu.memory_space<vmem>> -> memref<40960xf32, #tpu.memory_space<vmem>>
      tpu.vector_store_idx %parallel_loop3A_366[%parallel_loop3A_359], %parallel_loop3A_363 {add = true} : memref<40960xf32, #tpu.memory_space<vmem>>[vector<16xi32>], vector<16xf32>,
      %parallel_loop3A_367 = arith.constant 20480 : i32
      %parallel_loop3A_368 = vector.broadcast %parallel_loop3A_367 : i32 to vector<16xi32>
      %parallel_loop3A_369 = arith.addi %parallel_loop3A_342, %parallel_loop3A_368 : vector<16xi32>
      %parallel_loop3A_370 = arith.constant 20480 : i32
      %parallel_loop3A_371 = vector.broadcast %parallel_loop3A_370 : i32 to vector<16xi32>
      %parallel_loop3A_372 = arith.addi %parallel_loop3A_346, %parallel_loop3A_371 : vector<16xi32>
      %parallel_loop3A_373 = arith.constant 0 : i32
      %parallel_loop3A_374 = tpu.memref_slice %arg15[%parallel_loop3A_176, %parallel_loop3A_373] : memref<1x40960xf32, #tpu.memory_space<vmem>> -> memref<1x40960xf32, #tpu.memory_space<vmem>>
      %parallel_loop3A_375 = tpu.memref_squeeze %parallel_loop3A_374 : memref<1x40960xf32, #tpu.memory_space<vmem>> -> memref<40960xf32, #tpu.memory_space<vmem>>
      %parallel_loop3A_376 = tpu.vector_load_idx %parallel_loop3A_375[%parallel_loop3A_369] : memref<40960xf32, #tpu.memory_space<vmem>>[vector<16xi32>], vector<16xf32>,
      %parallel_loop3A_377 = arith.constant 0 : i32
      %parallel_loop3A_378 = tpu.memref_slice %arg16[%parallel_loop3A_177, %parallel_loop3A_377] : memref<1x40960xf32, #tpu.memory_space<vmem>> -> memref<1x40960xf32, #tpu.memory_space<vmem>>
      %parallel_loop3A_379 = tpu.memref_squeeze %parallel_loop3A_378 : memref<1x40960xf32, #tpu.memory_space<vmem>> -> memref<40960xf32, #tpu.memory_space<vmem>>
      tpu.vector_store_idx %parallel_loop3A_379[%parallel_loop3A_372], %parallel_loop3A_376 {add = true} : memref<40960xf32, #tpu.memory_space<vmem>>[vector<16xi32>], vector<16xf32>,
      %parallel_loop3A_380 = arith.constant 30720 : i32
      %parallel_loop3A_381 = vector.broadcast %parallel_loop3A_380 : i32 to vector<16xi32>
      %parallel_loop3A_382 = arith.addi %parallel_loop3A_342, %parallel_loop3A_381 : vector<16xi32>
      %parallel_loop3A_383 = arith.constant 30720 : i32
      %parallel_loop3A_384 = vector.broadcast %parallel_loop3A_383 : i32 to vector<16xi32>
      %parallel_loop3A_385 = arith.addi %parallel_loop3A_346, %parallel_loop3A_384 : vector<16xi32>
      %parallel_loop3A_386 = arith.constant 0 : i32
      %parallel_loop3A_387 = tpu.memref_slice %arg15[%parallel_loop3A_176, %parallel_loop3A_386] : memref<1x40960xf32, #tpu.memory_space<vmem>> -> memref<1x40960xf32, #tpu.memory_space<vmem>>
      %parallel_loop3A_388 = tpu.memref_squeeze %parallel_loop3A_387 : memref<1x40960xf32, #tpu.memory_space<vmem>> -> memref<40960xf32, #tpu.memory_space<vmem>>
      %parallel_loop3A_389 = tpu.vector_load_idx %parallel_loop3A_388[%parallel_loop3A_382] : memref<40960xf32, #tpu.memory_space<vmem>>[vector<16xi32>], vector<16xf32>,
      %parallel_loop3A_390 = arith.constant 0 : i32
      %parallel_loop3A_391 = tpu.memref_slice %arg16[%parallel_loop3A_177, %parallel_loop3A_390] : memref<1x40960xf32, #tpu.memory_space<vmem>> -> memref<1x40960xf32, #tpu.memory_space<vmem>>
      %parallel_loop3A_392 = tpu.memref_squeeze %parallel_loop3A_391 : memref<1x40960xf32, #tpu.memory_space<vmem>> -> memref<40960xf32, #tpu.memory_space<vmem>>
      tpu.vector_store_idx %parallel_loop3A_392[%parallel_loop3A_385], %parallel_loop3A_389 {add = true} : memref<40960xf32, #tpu.memory_space<vmem>>[vector<16xi32>], vector<16xf32>,
    } {sc.loop_unroll_factor = 4 : i64, sc.parallel_access}
    %dma_wait3A_178 = tpu.memref_slice %arg3[%add3A_145] : memref<640000xi32, #tpu.memory_space<hbm>> -> memref<4000xi32, #tpu.memory_space<hbm>>
    %dma_wait3A_179 = tpu.memref_slice %arg3[%add3A_145] : memref<640000xi32, #tpu.memory_space<hbm>> -> memref<4000xi32, #tpu.memory_space<hbm>>
    tpu.wait_dma2 semaphore(%arg28 : memref<!tpu.dma_semaphore, #tpu.memory_space<semaphore_mem>>) src(%dma_wait3A_179 : memref<4000xi32, #tpu.memory_space<hbm>>) dst(%arg9 : memref<4000xi32, #tpu.memory_space<vmem>>)
    %dma_wait3A_180 = tpu.memref_slice %arg3[%add3A_147] : memref<640000xi32, #tpu.memory_space<hbm>> -> memref<4000xi32, #tpu.memory_space<hbm>>
    %dma_wait3A_181 = tpu.memref_slice %arg3[%add3A_147] : memref<640000xi32, #tpu.memory_space<hbm>> -> memref<4000xi32, #tpu.memory_space<hbm>>
    tpu.wait_dma2 semaphore(%arg31 : memref<!tpu.dma_semaphore, #tpu.memory_space<semaphore_mem>>) src(%dma_wait3A_181 : memref<4000xi32, #tpu.memory_space<hbm>>) dst(%arg12 : memref<4000xi32, #tpu.memory_space<vmem>>)
    %parallel_loop3A_182 = arith.constant 0 : i32
    %parallel_loop3A_183 = arith.constant 250 : i32
    %parallel_loop3A_184 = arith.constant 1 : i32
    %parallel_loop3A_185 = arith.constant 0 : i32
    %parallel_loop3A_186 = arith.constant 0 : i32
    scf.for %parallel_loop3A_338 = %parallel_loop3A_182 to %parallel_loop3A_183 step %parallel_loop3A_184  : i32 {
      %parallel_loop3A_339 = arith.constant 16 : i32
      %parallel_loop3A_340 = arith.muli %parallel_loop3A_338, %parallel_loop3A_339 : i32
      %parallel_loop3A_341 = arith.index_cast %parallel_loop3A_340 : i32 to index
      %parallel_loop3A_342 = tpu.vector_load %arg9[%parallel_loop3A_341] {strides = array<i32>} : memref<4000xi32, #tpu.memory_space<vmem>>, vector<16xi32>,
      %parallel_loop3A_343 = arith.constant 16 : i32
      %parallel_loop3A_344 = arith.muli %parallel_loop3A_338, %parallel_loop3A_343 : i32
      %parallel_loop3A_345 = arith.index_cast %parallel_loop3A_344 : i32 to index
      %parallel_loop3A_346 = tpu.vector_load %arg12[%parallel_loop3A_345] {strides = array<i32>} : memref<4000xi32, #tpu.memory_space<vmem>>, vector<16xi32>,
      %parallel_loop3A_347 = arith.constant 0 : i32
      %parallel_loop3A_348 = tpu.memref_slice %arg15[%parallel_loop3A_185, %parallel_loop3A_347] : memref<1x40960xf32, #tpu.memory_space<vmem>> -> memref<1x40960xf32, #tpu.memory_space<vmem>>
      %parallel_loop3A_349 = tpu.memref_squeeze %parallel_loop3A_348 : memref<1x40960xf32, #tpu.memory_space<vmem>> -> memref<40960xf32, #tpu.memory_space<vmem>>
      %parallel_loop3A_350 = tpu.vector_load_idx %parallel_loop3A_349[%parallel_loop3A_342] : memref<40960xf32, #tpu.memory_space<vmem>>[vector<16xi32>], vector<16xf32>,
      %parallel_loop3A_351 = arith.constant 0 : i32
      %parallel_loop3A_352 = tpu.memref_slice %arg16[%parallel_loop3A_186, %parallel_loop3A_351] : memref<1x40960xf32, #tpu.memory_space<vmem>> -> memref<1x40960xf32, #tpu.memory_space<vmem>>
      %parallel_loop3A_353 = tpu.memref_squeeze %parallel_loop3A_352 : memref<1x40960xf32, #tpu.memory_space<vmem>> -> memref<40960xf32, #tpu.memory_space<vmem>>
      tpu.vector_store_idx %parallel_loop3A_353[%parallel_loop3A_346], %parallel_loop3A_350 {add = true} : memref<40960xf32, #tpu.memory_space<vmem>>[vector<16xi32>], vector<16xf32>,
      %parallel_loop3A_354 = arith.constant 10240 : i32
      %parallel_loop3A_355 = vector.broadcast %parallel_loop3A_354 : i32 to vector<16xi32>
      %parallel_loop3A_356 = arith.addi %parallel_loop3A_342, %parallel_loop3A_355 : vector<16xi32>
      %parallel_loop3A_357 = arith.constant 10240 : i32
      %parallel_loop3A_358 = vector.broadcast %parallel_loop3A_357 : i32 to vector<16xi32>
      %parallel_loop3A_359 = arith.addi %parallel_loop3A_346, %parallel_loop3A_358 : vector<16xi32>
      %parallel_loop3A_360 = arith.constant 0 : i32
      %parallel_loop3A_361 = tpu.memref_slice %arg15[%parallel_loop3A_185, %parallel_loop3A_360] : memref<1x40960xf32, #tpu.memory_space<vmem>> -> memref<1x40960xf32, #tpu.memory_space<vmem>>
      %parallel_loop3A_362 = tpu.memref_squeeze %parallel_loop3A_361 : memref<1x40960xf32, #tpu.memory_space<vmem>> -> memref<40960xf32, #tpu.memory_space<vmem>>
      %parallel_loop3A_363 = tpu.vector_load_idx %parallel_loop3A_362[%parallel_loop3A_356] : memref<40960xf32, #tpu.memory_space<vmem>>[vector<16xi32>], vector<16xf32>,
      %parallel_loop3A_364 = arith.constant 0 : i32
      %parallel_loop3A_365 = tpu.memref_slice %arg16[%parallel_loop3A_186, %parallel_loop3A_364] : memref<1x40960xf32, #tpu.memory_space<vmem>> -> memref<1x40960xf32, #tpu.memory_space<vmem>>
      %parallel_loop3A_366 = tpu.memref_squeeze %parallel_loop3A_365 : memref<1x40960xf32, #tpu.memory_space<vmem>> -> memref<40960xf32, #tpu.memory_space<vmem>>
      tpu.vector_store_idx %parallel_loop3A_366[%parallel_loop3A_359], %parallel_loop3A_363 {add = true} : memref<40960xf32, #tpu.memory_space<vmem>>[vector<16xi32>], vector<16xf32>,
      %parallel_loop3A_367 = arith.constant 20480 : i32
      %parallel_loop3A_368 = vector.broadcast %parallel_loop3A_367 : i32 to vector<16xi32>
      %parallel_loop3A_369 = arith.addi %parallel_loop3A_342, %parallel_loop3A_368 : vector<16xi32>
      %parallel_loop3A_370 = arith.constant 20480 : i32
      %parallel_loop3A_371 = vector.broadcast %parallel_loop3A_370 : i32 to vector<16xi32>
      %parallel_loop3A_372 = arith.addi %parallel_loop3A_346, %parallel_loop3A_371 : vector<16xi32>
      %parallel_loop3A_373 = arith.constant 0 : i32
      %parallel_loop3A_374 = tpu.memref_slice %arg15[%parallel_loop3A_185, %parallel_loop3A_373] : memref<1x40960xf32, #tpu.memory_space<vmem>> -> memref<1x40960xf32, #tpu.memory_space<vmem>>
      %parallel_loop3A_375 = tpu.memref_squeeze %parallel_loop3A_374 : memref<1x40960xf32, #tpu.memory_space<vmem>> -> memref<40960xf32, #tpu.memory_space<vmem>>
      %parallel_loop3A_376 = tpu.vector_load_idx %parallel_loop3A_375[%parallel_loop3A_369] : memref<40960xf32, #tpu.memory_space<vmem>>[vector<16xi32>], vector<16xf32>,
      %parallel_loop3A_377 = arith.constant 0 : i32
      %parallel_loop3A_378 = tpu.memref_slice %arg16[%parallel_loop3A_186, %parallel_loop3A_377] : memref<1x40960xf32, #tpu.memory_space<vmem>> -> memref<1x40960xf32, #tpu.memory_space<vmem>>
      %parallel_loop3A_379 = tpu.memref_squeeze %parallel_loop3A_378 : memref<1x40960xf32, #tpu.memory_space<vmem>> -> memref<40960xf32, #tpu.memory_space<vmem>>
      tpu.vector_store_idx %parallel_loop3A_379[%parallel_loop3A_372], %parallel_loop3A_376 {add = true} : memref<40960xf32, #tpu.memory_space<vmem>>[vector<16xi32>], vector<16xf32>,
      %parallel_loop3A_380 = arith.constant 30720 : i32
      %parallel_loop3A_381 = vector.broadcast %parallel_loop3A_380 : i32 to vector<16xi32>
      %parallel_loop3A_382 = arith.addi %parallel_loop3A_342, %parallel_loop3A_381 : vector<16xi32>
      %parallel_loop3A_383 = arith.constant 30720 : i32
      %parallel_loop3A_384 = vector.broadcast %parallel_loop3A_383 : i32 to vector<16xi32>
      %parallel_loop3A_385 = arith.addi %parallel_loop3A_346, %parallel_loop3A_384 : vector<16xi32>
      %parallel_loop3A_386 = arith.constant 0 : i32
      %parallel_loop3A_387 = tpu.memref_slice %arg15[%parallel_loop3A_185, %parallel_loop3A_386] : memref<1x40960xf32, #tpu.memory_space<vmem>> -> memref<1x40960xf32, #tpu.memory_space<vmem>>
      %parallel_loop3A_388 = tpu.memref_squeeze %parallel_loop3A_387 : memref<1x40960xf32, #tpu.memory_space<vmem>> -> memref<40960xf32, #tpu.memory_space<vmem>>
      %parallel_loop3A_389 = tpu.vector_load_idx %parallel_loop3A_388[%parallel_loop3A_382] : memref<40960xf32, #tpu.memory_space<vmem>>[vector<16xi32>], vector<16xf32>,
      %parallel_loop3A_390 = arith.constant 0 : i32
      %parallel_loop3A_391 = tpu.memref_slice %arg16[%parallel_loop3A_186, %parallel_loop3A_390] : memref<1x40960xf32, #tpu.memory_space<vmem>> -> memref<1x40960xf32, #tpu.memory_space<vmem>>
      %parallel_loop3A_392 = tpu.memref_squeeze %parallel_loop3A_391 : memref<1x40960xf32, #tpu.memory_space<vmem>> -> memref<40960xf32, #tpu.memory_space<vmem>>
      tpu.vector_store_idx %parallel_loop3A_392[%parallel_loop3A_385], %parallel_loop3A_389 {add = true} : memref<40960xf32, #tpu.memory_space<vmem>>[vector<16xi32>], vector<16xf32>,
    } {sc.loop_unroll_factor = 4 : i64, sc.parallel_access}
    %dma_wait3A_187 = tpu.memref_slice %arg3[%add3A_162] : memref<640000xi32, #tpu.memory_space<hbm>> -> memref<4000xi32, #tpu.memory_space<hbm>>
    %dma_wait3A_188 = tpu.memref_slice %arg3[%add3A_162] : memref<640000xi32, #tpu.memory_space<hbm>> -> memref<4000xi32, #tpu.memory_space<hbm>>
    tpu.wait_dma2 semaphore(%arg29 : memref<!tpu.dma_semaphore, #tpu.memory_space<semaphore_mem>>) src(%dma_wait3A_188 : memref<4000xi32, #tpu.memory_space<hbm>>) dst(%arg10 : memref<4000xi32, #tpu.memory_space<vmem>>)
    %dma_wait3A_189 = tpu.memref_slice %arg3[%add3A_164] : memref<640000xi32, #tpu.memory_space<hbm>> -> memref<4000xi32, #tpu.memory_space<hbm>>
    %dma_wait3A_190 = tpu.memref_slice %arg3[%add3A_164] : memref<640000xi32, #tpu.memory_space<hbm>> -> memref<4000xi32, #tpu.memory_space<hbm>>
    tpu.wait_dma2 semaphore(%arg32 : memref<!tpu.dma_semaphore, #tpu.memory_space<semaphore_mem>>) src(%dma_wait3A_190 : memref<4000xi32, #tpu.memory_space<hbm>>) dst(%arg13 : memref<4000xi32, #tpu.memory_space<vmem>>)
    %parallel_loop3A_191 = arith.constant 0 : i32
    %parallel_loop3A_192 = arith.constant 250 : i32
    %parallel_loop3A_193 = arith.constant 1 : i32
    %parallel_loop3A_194 = arith.constant 0 : i32
    %parallel_loop3A_195 = arith.constant 0 : i32
    scf.for %parallel_loop3A_338 = %parallel_loop3A_191 to %parallel_loop3A_192 step %parallel_loop3A_193  : i32 {
      %parallel_loop3A_339 = arith.constant 16 : i32
      %parallel_loop3A_340 = arith.muli %parallel_loop3A_338, %parallel_loop3A_339 : i32
      %parallel_loop3A_341 = arith.index_cast %parallel_loop3A_340 : i32 to index
      %parallel_loop3A_342 = tpu.vector_load %arg10[%parallel_loop3A_341] {strides = array<i32>} : memref<4000xi32, #tpu.memory_space<vmem>>, vector<16xi32>,
      %parallel_loop3A_343 = arith.constant 16 : i32
      %parallel_loop3A_344 = arith.muli %parallel_loop3A_338, %parallel_loop3A_343 : i32
      %parallel_loop3A_345 = arith.index_cast %parallel_loop3A_344 : i32 to index
      %parallel_loop3A_346 = tpu.vector_load %arg13[%parallel_loop3A_345] {strides = array<i32>} : memref<4000xi32, #tpu.memory_space<vmem>>, vector<16xi32>,
      %parallel_loop3A_347 = arith.constant 0 : i32
      %parallel_loop3A_348 = tpu.memref_slice %arg15[%parallel_loop3A_194, %parallel_loop3A_347] : memref<1x40960xf32, #tpu.memory_space<vmem>> -> memref<1x40960xf32, #tpu.memory_space<vmem>>
      %parallel_loop3A_349 = tpu.memref_squeeze %parallel_loop3A_348 : memref<1x40960xf32, #tpu.memory_space<vmem>> -> memref<40960xf32, #tpu.memory_space<vmem>>
      %parallel_loop3A_350 = tpu.vector_load_idx %parallel_loop3A_349[%parallel_loop3A_342] : memref<40960xf32, #tpu.memory_space<vmem>>[vector<16xi32>], vector<16xf32>,
      %parallel_loop3A_351 = arith.constant 0 : i32
      %parallel_loop3A_352 = tpu.memref_slice %arg16[%parallel_loop3A_195, %parallel_loop3A_351] : memref<1x40960xf32, #tpu.memory_space<vmem>> -> memref<1x40960xf32, #tpu.memory_space<vmem>>
      %parallel_loop3A_353 = tpu.memref_squeeze %parallel_loop3A_352 : memref<1x40960xf32, #tpu.memory_space<vmem>> -> memref<40960xf32, #tpu.memory_space<vmem>>
      tpu.vector_store_idx %parallel_loop3A_353[%parallel_loop3A_346], %parallel_loop3A_350 {add = true} : memref<40960xf32, #tpu.memory_space<vmem>>[vector<16xi32>], vector<16xf32>,
      %parallel_loop3A_354 = arith.constant 10240 : i32
      %parallel_loop3A_355 = vector.broadcast %parallel_loop3A_354 : i32 to vector<16xi32>
      %parallel_loop3A_356 = arith.addi %parallel_loop3A_342, %parallel_loop3A_355 : vector<16xi32>
      %parallel_loop3A_357 = arith.constant 10240 : i32
      %parallel_loop3A_358 = vector.broadcast %parallel_loop3A_357 : i32 to vector<16xi32>
      %parallel_loop3A_359 = arith.addi %parallel_loop3A_346, %parallel_loop3A_358 : vector<16xi32>
      %parallel_loop3A_360 = arith.constant 0 : i32
      %parallel_loop3A_361 = tpu.memref_slice %arg15[%parallel_loop3A_194, %parallel_loop3A_360] : memref<1x40960xf32, #tpu.memory_space<vmem>> -> memref<1x40960xf32, #tpu.memory_space<vmem>>
      %parallel_loop3A_362 = tpu.memref_squeeze %parallel_loop3A_361 : memref<1x40960xf32, #tpu.memory_space<vmem>> -> memref<40960xf32, #tpu.memory_space<vmem>>
      %parallel_loop3A_363 = tpu.vector_load_idx %parallel_loop3A_362[%parallel_loop3A_356] : memref<40960xf32, #tpu.memory_space<vmem>>[vector<16xi32>], vector<16xf32>,
      %parallel_loop3A_364 = arith.constant 0 : i32
      %parallel_loop3A_365 = tpu.memref_slice %arg16[%parallel_loop3A_195, %parallel_loop3A_364] : memref<1x40960xf32, #tpu.memory_space<vmem>> -> memref<1x40960xf32, #tpu.memory_space<vmem>>
      %parallel_loop3A_366 = tpu.memref_squeeze %parallel_loop3A_365 : memref<1x40960xf32, #tpu.memory_space<vmem>> -> memref<40960xf32, #tpu.memory_space<vmem>>
      tpu.vector_store_idx %parallel_loop3A_366[%parallel_loop3A_359], %parallel_loop3A_363 {add = true} : memref<40960xf32, #tpu.memory_space<vmem>>[vector<16xi32>], vector<16xf32>,
      %parallel_loop3A_367 = arith.constant 20480 : i32
      %parallel_loop3A_368 = vector.broadcast %parallel_loop3A_367 : i32 to vector<16xi32>
      %parallel_loop3A_369 = arith.addi %parallel_loop3A_342, %parallel_loop3A_368 : vector<16xi32>
      %parallel_loop3A_370 = arith.constant 20480 : i32
      %parallel_loop3A_371 = vector.broadcast %parallel_loop3A_370 : i32 to vector<16xi32>
      %parallel_loop3A_372 = arith.addi %parallel_loop3A_346, %parallel_loop3A_371 : vector<16xi32>
      %parallel_loop3A_373 = arith.constant 0 : i32
      %parallel_loop3A_374 = tpu.memref_slice %arg15[%parallel_loop3A_194, %parallel_loop3A_373] : memref<1x40960xf32, #tpu.memory_space<vmem>> -> memref<1x40960xf32, #tpu.memory_space<vmem>>
      %parallel_loop3A_375 = tpu.memref_squeeze %parallel_loop3A_374 : memref<1x40960xf32, #tpu.memory_space<vmem>> -> memref<40960xf32, #tpu.memory_space<vmem>>
      %parallel_loop3A_376 = tpu.vector_load_idx %parallel_loop3A_375[%parallel_loop3A_369] : memref<40960xf32, #tpu.memory_space<vmem>>[vector<16xi32>], vector<16xf32>,
      %parallel_loop3A_377 = arith.constant 0 : i32
      %parallel_loop3A_378 = tpu.memref_slice %arg16[%parallel_loop3A_195, %parallel_loop3A_377] : memref<1x40960xf32, #tpu.memory_space<vmem>> -> memref<1x40960xf32, #tpu.memory_space<vmem>>
      %parallel_loop3A_379 = tpu.memref_squeeze %parallel_loop3A_378 : memref<1x40960xf32, #tpu.memory_space<vmem>> -> memref<40960xf32, #tpu.memory_space<vmem>>
      tpu.vector_store_idx %parallel_loop3A_379[%parallel_loop3A_372], %parallel_loop3A_376 {add = true} : memref<40960xf32, #tpu.memory_space<vmem>>[vector<16xi32>], vector<16xf32>,
      %parallel_loop3A_380 = arith.constant 30720 : i32
      %parallel_loop3A_381 = vector.broadcast %parallel_loop3A_380 : i32 to vector<16xi32>
      %parallel_loop3A_382 = arith.addi %parallel_loop3A_342, %parallel_loop3A_381 : vector<16xi32>
      %parallel_loop3A_383 = arith.constant 30720 : i32
      %parallel_loop3A_384 = vector.broadcast %parallel_loop3A_383 : i32 to vector<16xi32>
      %parallel_loop3A_385 = arith.addi %parallel_loop3A_346, %parallel_loop3A_384 : vector<16xi32>
      %parallel_loop3A_386 = arith.constant 0 : i32
      %parallel_loop3A_387 = tpu.memref_slice %arg15[%parallel_loop3A_194, %parallel_loop3A_386] : memref<1x40960xf32, #tpu.memory_space<vmem>> -> memref<1x40960xf32, #tpu.memory_space<vmem>>
      %parallel_loop3A_388 = tpu.memref_squeeze %parallel_loop3A_387 : memref<1x40960xf32, #tpu.memory_space<vmem>> -> memref<40960xf32, #tpu.memory_space<vmem>>
      %parallel_loop3A_389 = tpu.vector_load_idx %parallel_loop3A_388[%parallel_loop3A_382] : memref<40960xf32, #tpu.memory_space<vmem>>[vector<16xi32>], vector<16xf32>,
      %parallel_loop3A_390 = arith.constant 0 : i32
      %parallel_loop3A_391 = tpu.memref_slice %arg16[%parallel_loop3A_195, %parallel_loop3A_390] : memref<1x40960xf32, #tpu.memory_space<vmem>> -> memref<1x40960xf32, #tpu.memory_space<vmem>>
      %parallel_loop3A_392 = tpu.memref_squeeze %parallel_loop3A_391 : memref<1x40960xf32, #tpu.memory_space<vmem>> -> memref<40960xf32, #tpu.memory_space<vmem>>
      tpu.vector_store_idx %parallel_loop3A_392[%parallel_loop3A_385], %parallel_loop3A_389 {add = true} : memref<40960xf32, #tpu.memory_space<vmem>>[vector<16xi32>], vector<16xf32>,
    } {sc.loop_unroll_factor = 4 : i64, sc.parallel_access}
    "tpu.trace_stop"() : () -> ()
    "tpu.trace_start"() <{level = 10 : i32, message = "phB_red"}> : () -> ()
    "tpu.region"() ({
      %run_scoped3A = tpu.sem_alloc : memref<!tpu.dma_semaphore, #tpu.memory_space<semaphore_mem>>
      %dma_start3A_338 = arith.constant 0 : i32
      %dma_start3A_339 = arith.constant 0 : i32
      %dma_start3A_340 = tpu.memref_slice %arg22[%dma_start3A_338, %dma_start3A_339] : memref<1x40960xf32, #tpu.memory_space<vmem_shared>> -> memref<1x40960xf32, #tpu.memory_space<vmem_shared>>
      tpu.enqueue_indirect_dma source(%arg16 : memref<1x40960xf32, #tpu.memory_space<vmem>>) target(%dma_start3A_340 : memref<1x40960xf32, #tpu.memory_space<vmem_shared>>) offsets(%arg20 : memref<1xi32, #tpu.memory_space<vmem>>) semaphore(%run_scoped3A : memref<!tpu.dma_semaphore, #tpu.memory_space<semaphore_mem>>) {add = true}
      %dma_wait3A_341 = arith.constant 0 : i32
      %dma_wait3A_342 = arith.constant 0 : i32
      %dma_wait3A_343 = tpu.memref_slice %arg22[%dma_wait3A_341, %dma_wait3A_342] : memref<1x40960xf32, #tpu.memory_space<vmem_shared>> -> memref<1x40960xf32, #tpu.memory_space<vmem_shared>>
      tpu.wait_indirect_dma semaphore(%run_scoped3A : memref<!tpu.dma_semaphore, #tpu.memory_space<semaphore_mem>>) src(%arg16 : memref<1x40960xf32, #tpu.memory_space<vmem>>) dst(%dma_wait3A_343 : memref<1x40960xf32, #tpu.memory_space<vmem_shared>>)
      tpu.yield
    }) : () -> ()
    %eq3A_196 = arith.constant 0 : i32
    "tpu.trace_stop"() : () -> ()
    %eq3A_197 = arith.cmpi eq, %arg1, %eq3A_196 : i32
    %convert_element_type3A_198 = arith.extui %eq3A_197 : i1 to i32
    %cond3A_199 = arith.constant 0 : i32
    %cond3A_200 = arith.cmpi ne, %convert_element_type3A_198, %cond3A_199 : i32
    scf.if %cond3A_200 {
      "tpu.region"() ({
        %run_scoped3A = tpu.sem_alloc : memref<!tpu.dma_semaphore, #tpu.memory_space<semaphore_mem>>
        tpu.enqueue_dma source(%arg5 : memref<1x10240xf32, #tpu.memory_space<hbm>>) target(%arg21 : memref<1x10240xf32, #tpu.memory_space<vmem_shared>>) target_semaphore(%run_scoped3A : memref<!tpu.dma_semaphore, #tpu.memory_space<semaphore_mem>>)
        tpu.wait_dma2 semaphore(%run_scoped3A : memref<!tpu.dma_semaphore, #tpu.memory_space<semaphore_mem>>) src(%arg5 : memref<1x10240xf32, #tpu.memory_space<hbm>>) dst(%arg21 : memref<1x10240xf32, #tpu.memory_space<vmem_shared>>)
        tpu.yield
      }) : () -> ()
    } else {
    }
    %barrier3A_201 = arith.constant 0 : index
    tpu.barrier barrier_id(%barrier3A_201)
    "tpu.trace_start"() <{level = 10 : i32, message = "phB2_slice"}> : () -> ()
    %add3A_202 = arith.constant 0 : i32
    %add3A_203 = arith.addi %add3A_202, %mul3A_0 : i32
    "tpu.region"() ({
      %run_scoped3A = tpu.sem_alloc : memref<!tpu.dma_semaphore, #tpu.memory_space<semaphore_mem>>
      %dma_start3A_338 = arith.constant 0 : i32
      %dma_start3A_339 = arith.constant 0 : i32
      %dma_start3A_340 = tpu.memref_slice %arg17[%dma_start3A_338, %dma_start3A_339] : memref<1x3840xf32, #tpu.memory_space<vmem>> -> memref<1x640xf32, #tpu.memory_space<vmem>>
      %dma_start3A_341 = arith.constant 0 : i32
      %dma_start3A_342 = tpu.memref_slice %arg22[%dma_start3A_341, %add3A_203] : memref<1x40960xf32, #tpu.memory_space<vmem_shared>> -> memref<1x640xf32, #tpu.memory_space<vmem_shared>>
      %dma_start3A_343 = arith.constant 0 : i32
      %dma_start3A_344 = arith.constant 0 : i32
      %dma_start3A_345 = tpu.memref_slice %arg17[%dma_start3A_343, %dma_start3A_344] : memref<1x3840xf32, #tpu.memory_space<vmem>> -> memref<1x640xf32, #tpu.memory_space<vmem>>
      %dma_start3A_346 = arith.constant 0 : i32
      %dma_start3A_347 = tpu.memref_slice %arg22[%dma_start3A_346, %add3A_203] : memref<1x40960xf32, #tpu.memory_space<vmem_shared>> -> memref<1x640xf32, #tpu.memory_space<vmem_shared>>
      tpu.enqueue_dma source(%dma_start3A_347 : memref<1x640xf32, #tpu.memory_space<vmem_shared>>) target(%dma_start3A_345 : memref<1x640xf32, #tpu.memory_space<vmem>>) target_semaphore(%run_scoped3A : memref<!tpu.dma_semaphore, #tpu.memory_space<semaphore_mem>>)
      %dma_wait3A_348 = arith.constant 0 : i32
      %dma_wait3A_349 = arith.constant 0 : i32
      %dma_wait3A_350 = tpu.memref_slice %arg17[%dma_wait3A_348, %dma_wait3A_349] : memref<1x3840xf32, #tpu.memory_space<vmem>> -> memref<1x640xf32, #tpu.memory_space<vmem>>
      %dma_wait3A_351 = arith.constant 0 : i32
      %dma_wait3A_352 = tpu.memref_slice %arg22[%dma_wait3A_351, %add3A_203] : memref<1x40960xf32, #tpu.memory_space<vmem_shared>> -> memref<1x640xf32, #tpu.memory_space<vmem_shared>>
      %dma_wait3A_353 = arith.constant 0 : i32
      %dma_wait3A_354 = arith.constant 0 : i32
      %dma_wait3A_355 = tpu.memref_slice %arg17[%dma_wait3A_353, %dma_wait3A_354] : memref<1x3840xf32, #tpu.memory_space<vmem>> -> memref<1x640xf32, #tpu.memory_space<vmem>>
      %dma_wait3A_356 = arith.constant 0 : i32
      %dma_wait3A_357 = tpu.memref_slice %arg22[%dma_wait3A_356, %add3A_203] : memref<1x40960xf32, #tpu.memory_space<vmem_shared>> -> memref<1x640xf32, #tpu.memory_space<vmem_shared>>
      tpu.wait_dma2 semaphore(%run_scoped3A : memref<!tpu.dma_semaphore, #tpu.memory_space<semaphore_mem>>) src(%dma_wait3A_357 : memref<1x640xf32, #tpu.memory_space<vmem_shared>>) dst(%dma_wait3A_355 : memref<1x640xf32, #tpu.memory_space<vmem>>)
      tpu.yield
    }) : () -> ()
    %add3A_204 = arith.constant 10240 : i32
    %add3A_205 = arith.addi %add3A_204, %mul3A_0 : i32
    "tpu.region"() ({
      %run_scoped3A = tpu.sem_alloc : memref<!tpu.dma_semaphore, #tpu.memory_space<semaphore_mem>>
      %dma_start3A_338 = arith.constant 0 : i32
      %dma_start3A_339 = arith.constant 640 : i32
      %dma_start3A_340 = tpu.memref_slice %arg17[%dma_start3A_338, %dma_start3A_339] : memref<1x3840xf32, #tpu.memory_space<vmem>> -> memref<1x640xf32, #tpu.memory_space<vmem>>
      %dma_start3A_341 = arith.constant 0 : i32
      %dma_start3A_342 = tpu.memref_slice %arg22[%dma_start3A_341, %add3A_205] : memref<1x40960xf32, #tpu.memory_space<vmem_shared>> -> memref<1x640xf32, #tpu.memory_space<vmem_shared>>
      %dma_start3A_343 = arith.constant 0 : i32
      %dma_start3A_344 = arith.constant 640 : i32
      %dma_start3A_345 = tpu.memref_slice %arg17[%dma_start3A_343, %dma_start3A_344] : memref<1x3840xf32, #tpu.memory_space<vmem>> -> memref<1x640xf32, #tpu.memory_space<vmem>>
      %dma_start3A_346 = arith.constant 0 : i32
      %dma_start3A_347 = tpu.memref_slice %arg22[%dma_start3A_346, %add3A_205] : memref<1x40960xf32, #tpu.memory_space<vmem_shared>> -> memref<1x640xf32, #tpu.memory_space<vmem_shared>>
      tpu.enqueue_dma source(%dma_start3A_347 : memref<1x640xf32, #tpu.memory_space<vmem_shared>>) target(%dma_start3A_345 : memref<1x640xf32, #tpu.memory_space<vmem>>) target_semaphore(%run_scoped3A : memref<!tpu.dma_semaphore, #tpu.memory_space<semaphore_mem>>)
      %dma_wait3A_348 = arith.constant 0 : i32
      %dma_wait3A_349 = arith.constant 640 : i32
      %dma_wait3A_350 = tpu.memref_slice %arg17[%dma_wait3A_348, %dma_wait3A_349] : memref<1x3840xf32, #tpu.memory_space<vmem>> -> memref<1x640xf32, #tpu.memory_space<vmem>>
      %dma_wait3A_351 = arith.constant 0 : i32
      %dma_wait3A_352 = tpu.memref_slice %arg22[%dma_wait3A_351, %add3A_205] : memref<1x40960xf32, #tpu.memory_space<vmem_shared>> -> memref<1x640xf32, #tpu.memory_space<vmem_shared>>
      %dma_wait3A_353 = arith.constant 0 : i32
      %dma_wait3A_354 = arith.constant 640 : i32
      %dma_wait3A_355 = tpu.memref_slice %arg17[%dma_wait3A_353, %dma_wait3A_354] : memref<1x3840xf32, #tpu.memory_space<vmem>> -> memref<1x640xf32, #tpu.memory_space<vmem>>
      %dma_wait3A_356 = arith.constant 0 : i32
      %dma_wait3A_357 = tpu.memref_slice %arg22[%dma_wait3A_356, %add3A_205] : memref<1x40960xf32, #tpu.memory_space<vmem_shared>> -> memref<1x640xf32, #tpu.memory_space<vmem_shared>>
      tpu.wait_dma2 semaphore(%run_scoped3A : memref<!tpu.dma_semaphore, #tpu.memory_space<semaphore_mem>>) src(%dma_wait3A_357 : memref<1x640xf32, #tpu.memory_space<vmem_shared>>) dst(%dma_wait3A_355 : memref<1x640xf32, #tpu.memory_space<vmem>>)
      tpu.yield
    }) : () -> ()
    %add3A_206 = arith.constant 20480 : i32
    %add3A_207 = arith.addi %add3A_206, %mul3A_0 : i32
    "tpu.region"() ({
      %run_scoped3A = tpu.sem_alloc : memref<!tpu.dma_semaphore, #tpu.memory_space<semaphore_mem>>
      %dma_start3A_338 = arith.constant 0 : i32
      %dma_start3A_339 = arith.constant 1280 : i32
      %dma_start3A_340 = tpu.memref_slice %arg17[%dma_start3A_338, %dma_start3A_339] : memref<1x3840xf32, #tpu.memory_space<vmem>> -> memref<1x640xf32, #tpu.memory_space<vmem>>
      %dma_start3A_341 = arith.constant 0 : i32
      %dma_start3A_342 = tpu.memref_slice %arg22[%dma_start3A_341, %add3A_207] : memref<1x40960xf32, #tpu.memory_space<vmem_shared>> -> memref<1x640xf32, #tpu.memory_space<vmem_shared>>
      %dma_start3A_343 = arith.constant 0 : i32
      %dma_start3A_344 = arith.constant 1280 : i32
      %dma_start3A_345 = tpu.memref_slice %arg17[%dma_start3A_343, %dma_start3A_344] : memref<1x3840xf32, #tpu.memory_space<vmem>> -> memref<1x640xf32, #tpu.memory_space<vmem>>
      %dma_start3A_346 = arith.constant 0 : i32
      %dma_start3A_347 = tpu.memref_slice %arg22[%dma_start3A_346, %add3A_207] : memref<1x40960xf32, #tpu.memory_space<vmem_shared>> -> memref<1x640xf32, #tpu.memory_space<vmem_shared>>
      tpu.enqueue_dma source(%dma_start3A_347 : memref<1x640xf32, #tpu.memory_space<vmem_shared>>) target(%dma_start3A_345 : memref<1x640xf32, #tpu.memory_space<vmem>>) target_semaphore(%run_scoped3A : memref<!tpu.dma_semaphore, #tpu.memory_space<semaphore_mem>>)
      %dma_wait3A_348 = arith.constant 0 : i32
      %dma_wait3A_349 = arith.constant 1280 : i32
      %dma_wait3A_350 = tpu.memref_slice %arg17[%dma_wait3A_348, %dma_wait3A_349] : memref<1x3840xf32, #tpu.memory_space<vmem>> -> memref<1x640xf32, #tpu.memory_space<vmem>>
      %dma_wait3A_351 = arith.constant 0 : i32
      %dma_wait3A_352 = tpu.memref_slice %arg22[%dma_wait3A_351, %add3A_207] : memref<1x40960xf32, #tpu.memory_space<vmem_shared>> -> memref<1x640xf32, #tpu.memory_space<vmem_shared>>
      %dma_wait3A_353 = arith.constant 0 : i32
      %dma_wait3A_354 = arith.constant 1280 : i32
      %dma_wait3A_355 = tpu.memref_slice %arg17[%dma_wait3A_353, %dma_wait3A_354] : memref<1x3840xf32, #tpu.memory_space<vmem>> -> memref<1x640xf32, #tpu.memory_space<vmem>>
      %dma_wait3A_356 = arith.constant 0 : i32
      %dma_wait3A_357 = tpu.memref_slice %arg22[%dma_wait3A_356, %add3A_207] : memref<1x40960xf32, #tpu.memory_space<vmem_shared>> -> memref<1x640xf32, #tpu.memory_space<vmem_shared>>
      tpu.wait_dma2 semaphore(%run_scoped3A : memref<!tpu.dma_semaphore, #tpu.memory_space<semaphore_mem>>) src(%dma_wait3A_357 : memref<1x640xf32, #tpu.memory_space<vmem_shared>>) dst(%dma_wait3A_355 : memref<1x640xf32, #tpu.memory_space<vmem>>)
      tpu.yield
    }) : () -> ()
    %add3A_208 = arith.constant 30720 : i32
    %add3A_209 = arith.addi %add3A_208, %mul3A_0 : i32
    "tpu.region"() ({
      %run_scoped3A = tpu.sem_alloc : memref<!tpu.dma_semaphore, #tpu.memory_space<semaphore_mem>>
      %dma_start3A_338 = arith.constant 0 : i32
      %dma_start3A_339 = arith.constant 1920 : i32
      %dma_start3A_340 = tpu.memref_slice %arg17[%dma_start3A_338, %dma_start3A_339] : memref<1x3840xf32, #tpu.memory_space<vmem>> -> memref<1x640xf32, #tpu.memory_space<vmem>>
      %dma_start3A_341 = arith.constant 0 : i32
      %dma_start3A_342 = tpu.memref_slice %arg22[%dma_start3A_341, %add3A_209] : memref<1x40960xf32, #tpu.memory_space<vmem_shared>> -> memref<1x640xf32, #tpu.memory_space<vmem_shared>>
      %dma_start3A_343 = arith.constant 0 : i32
      %dma_start3A_344 = arith.constant 1920 : i32
      %dma_start3A_345 = tpu.memref_slice %arg17[%dma_start3A_343, %dma_start3A_344] : memref<1x3840xf32, #tpu.memory_space<vmem>> -> memref<1x640xf32, #tpu.memory_space<vmem>>
      %dma_start3A_346 = arith.constant 0 : i32
      %dma_start3A_347 = tpu.memref_slice %arg22[%dma_start3A_346, %add3A_209] : memref<1x40960xf32, #tpu.memory_space<vmem_shared>> -> memref<1x640xf32, #tpu.memory_space<vmem_shared>>
      tpu.enqueue_dma source(%dma_start3A_347 : memref<1x640xf32, #tpu.memory_space<vmem_shared>>) target(%dma_start3A_345 : memref<1x640xf32, #tpu.memory_space<vmem>>) target_semaphore(%run_scoped3A : memref<!tpu.dma_semaphore, #tpu.memory_space<semaphore_mem>>)
      %dma_wait3A_348 = arith.constant 0 : i32
      %dma_wait3A_349 = arith.constant 1920 : i32
      %dma_wait3A_350 = tpu.memref_slice %arg17[%dma_wait3A_348, %dma_wait3A_349] : memref<1x3840xf32, #tpu.memory_space<vmem>> -> memref<1x640xf32, #tpu.memory_space<vmem>>
      %dma_wait3A_351 = arith.constant 0 : i32
      %dma_wait3A_352 = tpu.memref_slice %arg22[%dma_wait3A_351, %add3A_209] : memref<1x40960xf32, #tpu.memory_space<vmem_shared>> -> memref<1x640xf32, #tpu.memory_space<vmem_shared>>
      %dma_wait3A_353 = arith.constant 0 : i32
      %dma_wait3A_354 = arith.constant 1920 : i32
      %dma_wait3A_355 = tpu.memref_slice %arg17[%dma_wait3A_353, %dma_wait3A_354] : memref<1x3840xf32, #tpu.memory_space<vmem>> -> memref<1x640xf32, #tpu.memory_space<vmem>>
      %dma_wait3A_356 = arith.constant 0 : i32
      %dma_wait3A_357 = tpu.memref_slice %arg22[%dma_wait3A_356, %add3A_209] : memref<1x40960xf32, #tpu.memory_space<vmem_shared>> -> memref<1x640xf32, #tpu.memory_space<vmem_shared>>
      tpu.wait_dma2 semaphore(%run_scoped3A : memref<!tpu.dma_semaphore, #tpu.memory_space<semaphore_mem>>) src(%dma_wait3A_357 : memref<1x640xf32, #tpu.memory_space<vmem_shared>>) dst(%dma_wait3A_355 : memref<1x640xf32, #tpu.memory_space<vmem>>)
      tpu.yield
    }) : () -> ()
    "tpu.trace_stop"() : () -> ()
    %dma_start3A_210 = arith.constant 0 : i32
    %dma_start3A_211 = arith.constant 0 : i32
    %dma_start3A_212 = tpu.memref_slice %arg16[%dma_start3A_210, %dma_start3A_211] : memref<1x40960xf32, #tpu.memory_space<vmem>> -> memref<1x10240xf32, #tpu.memory_space<vmem>>
    %dma_start3A_213 = arith.constant 0 : i32
    %dma_start3A_214 = arith.constant 0 : i32
    %dma_start3A_215 = tpu.memref_slice %arg4[%dma_start3A_213, %dma_start3A_214] : memref<1x40960xf32, #tpu.memory_space<hbm>> -> memref<1x10240xf32, #tpu.memory_space<hbm>>
    %dma_start3A_216 = arith.constant 0 : i32
    %dma_start3A_217 = arith.constant 0 : i32
    %dma_start3A_218 = tpu.memref_slice %arg16[%dma_start3A_216, %dma_start3A_217] : memref<1x40960xf32, #tpu.memory_space<vmem>> -> memref<1x10240xf32, #tpu.memory_space<vmem>>
    %dma_start3A_219 = arith.constant 0 : i32
    %dma_start3A_220 = arith.constant 0 : i32
    %dma_start3A_221 = tpu.memref_slice %arg4[%dma_start3A_219, %dma_start3A_220] : memref<1x40960xf32, #tpu.memory_space<hbm>> -> memref<1x10240xf32, #tpu.memory_space<hbm>>
    tpu.enqueue_dma source(%dma_start3A_221 : memref<1x10240xf32, #tpu.memory_space<hbm>>) target(%dma_start3A_218 : memref<1x10240xf32, #tpu.memory_space<vmem>>) target_semaphore(%arg25 : memref<!tpu.dma_semaphore, #tpu.memory_space<semaphore_mem>>)
    "tpu.trace_start"() <{level = 10 : i32, message = "phB2_loop"}> : () -> ()
    %scan3A_222 = arith.constant 0 : i32
    %scan3A_223 = arith.constant 0 : i32
    %scan3A_224 = arith.constant 0 : i32
    %scan3A_225 = arith.constant 0 : i32
    %scan3A_226 = arith.constant 0 : i32
    %scan3A_227 = arith.constant 40 : i32
    %scan3A_228 = arith.addi %scan3A_226, %scan3A_227 : i32
    %scan3A_229 = arith.constant 1 : i32
    scf.for %scan3A_338 = %scan3A_226 to %scan3A_228 step %scan3A_229  : i32 {
      %mul3A_339 = arith.constant 16 : i32
      %mul3A_340 = arith.muli %scan3A_338, %mul3A_339 : i32
      %get3A = arith.index_cast %mul3A_340 : i32 to index
      %get3A_341 = tpu.vector_load %arg18[%get3A] {strides = array<i32>} : memref<640xf32, #tpu.memory_space<vmem>>, vector<16xf32>,
      %broadcast_in_dim3A_342 = arith.constant 0.000000e+00 : f32
      %broadcast_in_dim3A_343 = vector.broadcast %broadcast_in_dim3A_342 : f32 to vector<16xf32>
      %add3A_344 = arith.constant 0 : i32
      %add3A_345 = arith.addi %add3A_344, %mul3A_340 : i32
      %get3A_346 = arith.constant 0 : i32
      %get3A_347 = tpu.memref_slice %arg17[%scan3A_223, %get3A_346] : memref<1x3840xf32, #tpu.memory_space<vmem>> -> memref<1x3840xf32, #tpu.memory_space<vmem>>
      %get3A_348 = tpu.memref_squeeze %get3A_347 : memref<1x3840xf32, #tpu.memory_space<vmem>> -> memref<3840xf32, #tpu.memory_space<vmem>>
      %get3A_349 = arith.index_cast %add3A_345 : i32 to index
      %get3A_350 = tpu.vector_load %get3A_348[%get3A_349] {strides = array<i32>} : memref<3840xf32, #tpu.memory_space<vmem>>, vector<16xf32>,
      %add3A_351 = arith.constant 0 : i32
      %add3A_352 = arith.addi %add3A_351, %mul3A_0 : i32
      %add3A_353 = arith.addi %add3A_352, %mul3A_340 : i32
      %get3A_354 = arith.constant 0 : i32
      %get3A_355 = tpu.memref_slice %arg15[%scan3A_224, %get3A_354] : memref<1x40960xf32, #tpu.memory_space<vmem>> -> memref<1x40960xf32, #tpu.memory_space<vmem>>
      %get3A_356 = tpu.memref_squeeze %get3A_355 : memref<1x40960xf32, #tpu.memory_space<vmem>> -> memref<40960xf32, #tpu.memory_space<vmem>>
      %get3A_357 = arith.index_cast %add3A_353 : i32 to index
      %get3A_358 = tpu.vector_load %get3A_356[%get3A_357] {strides = array<i32>} : memref<40960xf32, #tpu.memory_space<vmem>>, vector<16xf32>,
      %add3A_359 = arith.addf %get3A_350, %get3A_358 : vector<16xf32>
      %mul3A_360 = arith.mulf %get3A_341, %add3A_359 : vector<16xf32>
      %get3A_361 = arith.constant 0 : i32
      %get3A_362 = tpu.memref_slice %arg19[%scan3A_225, %get3A_361] : memref<1x144xf32, #tpu.memory_space<vmem>> -> memref<1x144xf32, #tpu.memory_space<vmem>>
      %get3A_363 = tpu.memref_squeeze %get3A_362 : memref<1x144xf32, #tpu.memory_space<vmem>> -> memref<144xf32, #tpu.memory_space<vmem>>
      %get3A_364 = arith.constant 0 : index
      %get3A_365 = tpu.vector_load %get3A_363[%get3A_364] {strides = array<i32>} : memref<144xf32, #tpu.memory_space<vmem>>, vector<16xf32>,
      %add3A_366 = arith.addf %mul3A_360, %get3A_365 : vector<16xf32>
      %max3A = arith.constant 0.000000e+00 : f32
      %max3A_367 = vector.broadcast %max3A : f32 to vector<16xf32>
      %max3A_368 = arith.maximumf %add3A_366, %max3A_367 : vector<16xf32>
      %get3A_369 = arith.constant 0 : i32
      %get3A_370 = tpu.memref_slice %arg19[%scan3A_225, %get3A_369] : memref<1x144xf32, #tpu.memory_space<vmem>> -> memref<1x144xf32, #tpu.memory_space<vmem>>
      %get3A_371 = tpu.memref_squeeze %get3A_370 : memref<1x144xf32, #tpu.memory_space<vmem>> -> memref<144xf32, #tpu.memory_space<vmem>>
      %get3A_372 = arith.constant 64 : index
      %get3A_373 = tpu.vector_load %get3A_371[%get3A_372] {strides = array<i32>} : memref<144xf32, #tpu.memory_space<vmem>>, vector<16xf32>,
      %mul3A_374 = arith.mulf %max3A_368, %get3A_373 : vector<16xf32>
      %add3A_375 = arith.addf %broadcast_in_dim3A_343, %mul3A_374 : vector<16xf32>
      %add3A_376 = arith.constant 640 : i32
      %add3A_377 = arith.addi %add3A_376, %mul3A_340 : i32
      %get3A_378 = arith.constant 0 : i32
      %get3A_379 = tpu.memref_slice %arg17[%scan3A_223, %get3A_378] : memref<1x3840xf32, #tpu.memory_space<vmem>> -> memref<1x3840xf32, #tpu.memory_space<vmem>>
      %get3A_380 = tpu.memref_squeeze %get3A_379 : memref<1x3840xf32, #tpu.memory_space<vmem>> -> memref<3840xf32, #tpu.memory_space<vmem>>
      %get3A_381 = arith.index_cast %add3A_377 : i32 to index
      %get3A_382 = tpu.vector_load %get3A_380[%get3A_381] {strides = array<i32>} : memref<3840xf32, #tpu.memory_space<vmem>>, vector<16xf32>,
      %add3A_383 = arith.constant 10240 : i32
      %add3A_384 = arith.addi %add3A_383, %mul3A_0 : i32
      %add3A_385 = arith.addi %add3A_384, %mul3A_340 : i32
      %get3A_386 = arith.constant 0 : i32
      %get3A_387 = tpu.memref_slice %arg15[%scan3A_224, %get3A_386] : memref<1x40960xf32, #tpu.memory_space<vmem>> -> memref<1x40960xf32, #tpu.memory_space<vmem>>
      %get3A_388 = tpu.memref_squeeze %get3A_387 : memref<1x40960xf32, #tpu.memory_space<vmem>> -> memref<40960xf32, #tpu.memory_space<vmem>>
      %get3A_389 = arith.index_cast %add3A_385 : i32 to index
      %get3A_390 = tpu.vector_load %get3A_388[%get3A_389] {strides = array<i32>} : memref<40960xf32, #tpu.memory_space<vmem>>, vector<16xf32>,
      %add3A_391 = arith.addf %get3A_382, %get3A_390 : vector<16xf32>
      %mul3A_392 = arith.mulf %get3A_341, %add3A_391 : vector<16xf32>
      %get3A_393 = arith.constant 0 : i32
      %get3A_394 = tpu.memref_slice %arg19[%scan3A_225, %get3A_393] : memref<1x144xf32, #tpu.memory_space<vmem>> -> memref<1x144xf32, #tpu.memory_space<vmem>>
      %get3A_395 = tpu.memref_squeeze %get3A_394 : memref<1x144xf32, #tpu.memory_space<vmem>> -> memref<144xf32, #tpu.memory_space<vmem>>
      %get3A_396 = arith.constant 16 : index
      %get3A_397 = tpu.vector_load %get3A_395[%get3A_396] {strides = array<i32>} : memref<144xf32, #tpu.memory_space<vmem>>, vector<16xf32>,
      %add3A_398 = arith.addf %mul3A_392, %get3A_397 : vector<16xf32>
      %max3A_399 = arith.constant 0.000000e+00 : f32
      %max3A_400 = vector.broadcast %max3A_399 : f32 to vector<16xf32>
      %max3A_401 = arith.maximumf %add3A_398, %max3A_400 : vector<16xf32>
      %get3A_402 = arith.constant 0 : i32
      %get3A_403 = tpu.memref_slice %arg19[%scan3A_225, %get3A_402] : memref<1x144xf32, #tpu.memory_space<vmem>> -> memref<1x144xf32, #tpu.memory_space<vmem>>
      %get3A_404 = tpu.memref_squeeze %get3A_403 : memref<1x144xf32, #tpu.memory_space<vmem>> -> memref<144xf32, #tpu.memory_space<vmem>>
      %get3A_405 = arith.constant 80 : index
      %get3A_406 = tpu.vector_load %get3A_404[%get3A_405] {strides = array<i32>} : memref<144xf32, #tpu.memory_space<vmem>>, vector<16xf32>,
      %mul3A_407 = arith.mulf %max3A_401, %get3A_406 : vector<16xf32>
      %add3A_408 = arith.addf %add3A_375, %mul3A_407 : vector<16xf32>
      %add3A_409 = arith.constant 1280 : i32
      %add3A_410 = arith.addi %add3A_409, %mul3A_340 : i32
      %get3A_411 = arith.constant 0 : i32
      %get3A_412 = tpu.memref_slice %arg17[%scan3A_223, %get3A_411] : memref<1x3840xf32, #tpu.memory_space<vmem>> -> memref<1x3840xf32, #tpu.memory_space<vmem>>
      %get3A_413 = tpu.memref_squeeze %get3A_412 : memref<1x3840xf32, #tpu.memory_space<vmem>> -> memref<3840xf32, #tpu.memory_space<vmem>>
      %get3A_414 = arith.index_cast %add3A_410 : i32 to index
      %get3A_415 = tpu.vector_load %get3A_413[%get3A_414] {strides = array<i32>} : memref<3840xf32, #tpu.memory_space<vmem>>, vector<16xf32>,
      %add3A_416 = arith.constant 20480 : i32
      %add3A_417 = arith.addi %add3A_416, %mul3A_0 : i32
      %add3A_418 = arith.addi %add3A_417, %mul3A_340 : i32
      %get3A_419 = arith.constant 0 : i32
      %get3A_420 = tpu.memref_slice %arg15[%scan3A_224, %get3A_419] : memref<1x40960xf32, #tpu.memory_space<vmem>> -> memref<1x40960xf32, #tpu.memory_space<vmem>>
      %get3A_421 = tpu.memref_squeeze %get3A_420 : memref<1x40960xf32, #tpu.memory_space<vmem>> -> memref<40960xf32, #tpu.memory_space<vmem>>
      %get3A_422 = arith.index_cast %add3A_418 : i32 to index
      %get3A_423 = tpu.vector_load %get3A_421[%get3A_422] {strides = array<i32>} : memref<40960xf32, #tpu.memory_space<vmem>>, vector<16xf32>,
      %add3A_424 = arith.addf %get3A_415, %get3A_423 : vector<16xf32>
      %mul3A_425 = arith.mulf %get3A_341, %add3A_424 : vector<16xf32>
      %get3A_426 = arith.constant 0 : i32
      %get3A_427 = tpu.memref_slice %arg19[%scan3A_225, %get3A_426] : memref<1x144xf32, #tpu.memory_space<vmem>> -> memref<1x144xf32, #tpu.memory_space<vmem>>
      %get3A_428 = tpu.memref_squeeze %get3A_427 : memref<1x144xf32, #tpu.memory_space<vmem>> -> memref<144xf32, #tpu.memory_space<vmem>>
      %get3A_429 = arith.constant 32 : index
      %get3A_430 = tpu.vector_load %get3A_428[%get3A_429] {strides = array<i32>} : memref<144xf32, #tpu.memory_space<vmem>>, vector<16xf32>,
      %add3A_431 = arith.addf %mul3A_425, %get3A_430 : vector<16xf32>
      %max3A_432 = arith.constant 0.000000e+00 : f32
      %max3A_433 = vector.broadcast %max3A_432 : f32 to vector<16xf32>
      %max3A_434 = arith.maximumf %add3A_431, %max3A_433 : vector<16xf32>
      %get3A_435 = arith.constant 0 : i32
      %get3A_436 = tpu.memref_slice %arg19[%scan3A_225, %get3A_435] : memref<1x144xf32, #tpu.memory_space<vmem>> -> memref<1x144xf32, #tpu.memory_space<vmem>>
      %get3A_437 = tpu.memref_squeeze %get3A_436 : memref<1x144xf32, #tpu.memory_space<vmem>> -> memref<144xf32, #tpu.memory_space<vmem>>
      %get3A_438 = arith.constant 96 : index
      %get3A_439 = tpu.vector_load %get3A_437[%get3A_438] {strides = array<i32>} : memref<144xf32, #tpu.memory_space<vmem>>, vector<16xf32>,
      %mul3A_440 = arith.mulf %max3A_434, %get3A_439 : vector<16xf32>
      %add3A_441 = arith.addf %add3A_408, %mul3A_440 : vector<16xf32>
      %add3A_442 = arith.constant 1920 : i32
      %add3A_443 = arith.addi %add3A_442, %mul3A_340 : i32
      %get3A_444 = arith.constant 0 : i32
      %get3A_445 = tpu.memref_slice %arg17[%scan3A_223, %get3A_444] : memref<1x3840xf32, #tpu.memory_space<vmem>> -> memref<1x3840xf32, #tpu.memory_space<vmem>>
      %get3A_446 = tpu.memref_squeeze %get3A_445 : memref<1x3840xf32, #tpu.memory_space<vmem>> -> memref<3840xf32, #tpu.memory_space<vmem>>
      %get3A_447 = arith.index_cast %add3A_443 : i32 to index
      %get3A_448 = tpu.vector_load %get3A_446[%get3A_447] {strides = array<i32>} : memref<3840xf32, #tpu.memory_space<vmem>>, vector<16xf32>,
      %add3A_449 = arith.constant 30720 : i32
      %add3A_450 = arith.addi %add3A_449, %mul3A_0 : i32
      %add3A_451 = arith.addi %add3A_450, %mul3A_340 : i32
      %get3A_452 = arith.constant 0 : i32
      %get3A_453 = tpu.memref_slice %arg15[%scan3A_224, %get3A_452] : memref<1x40960xf32, #tpu.memory_space<vmem>> -> memref<1x40960xf32, #tpu.memory_space<vmem>>
      %get3A_454 = tpu.memref_squeeze %get3A_453 : memref<1x40960xf32, #tpu.memory_space<vmem>> -> memref<40960xf32, #tpu.memory_space<vmem>>
      %get3A_455 = arith.index_cast %add3A_451 : i32 to index
      %get3A_456 = tpu.vector_load %get3A_454[%get3A_455] {strides = array<i32>} : memref<40960xf32, #tpu.memory_space<vmem>>, vector<16xf32>,
      %add3A_457 = arith.addf %get3A_448, %get3A_456 : vector<16xf32>
      %mul3A_458 = arith.mulf %get3A_341, %add3A_457 : vector<16xf32>
      %get3A_459 = arith.constant 0 : i32
      %get3A_460 = tpu.memref_slice %arg19[%scan3A_225, %get3A_459] : memref<1x144xf32, #tpu.memory_space<vmem>> -> memref<1x144xf32, #tpu.memory_space<vmem>>
      %get3A_461 = tpu.memref_squeeze %get3A_460 : memref<1x144xf32, #tpu.memory_space<vmem>> -> memref<144xf32, #tpu.memory_space<vmem>>
      %get3A_462 = arith.constant 48 : index
      %get3A_463 = tpu.vector_load %get3A_461[%get3A_462] {strides = array<i32>} : memref<144xf32, #tpu.memory_space<vmem>>, vector<16xf32>,
      %add3A_464 = arith.addf %mul3A_458, %get3A_463 : vector<16xf32>
      %max3A_465 = arith.constant 0.000000e+00 : f32
      %max3A_466 = vector.broadcast %max3A_465 : f32 to vector<16xf32>
      %max3A_467 = arith.maximumf %add3A_464, %max3A_466 : vector<16xf32>
      %get3A_468 = arith.constant 0 : i32
      %get3A_469 = tpu.memref_slice %arg19[%scan3A_225, %get3A_468] : memref<1x144xf32, #tpu.memory_space<vmem>> -> memref<1x144xf32, #tpu.memory_space<vmem>>
      %get3A_470 = tpu.memref_squeeze %get3A_469 : memref<1x144xf32, #tpu.memory_space<vmem>> -> memref<144xf32, #tpu.memory_space<vmem>>
      %get3A_471 = arith.constant 112 : index
      %get3A_472 = tpu.vector_load %get3A_470[%get3A_471] {strides = array<i32>} : memref<144xf32, #tpu.memory_space<vmem>>, vector<16xf32>,
      %mul3A_473 = arith.mulf %max3A_467, %get3A_472 : vector<16xf32>
      %add3A_474 = arith.addf %add3A_441, %mul3A_473 : vector<16xf32>
      %mul3A_475 = arith.mulf %get3A_341, %add3A_474 : vector<16xf32>
      %add3A_476 = arith.constant 2560 : i32
      %add3A_477 = arith.addi %add3A_476, %mul3A_340 : i32
      %swap3A = arith.constant 0 : i32
      %swap3A_478 = tpu.memref_slice %arg17[%scan3A_223, %swap3A] : memref<1x3840xf32, #tpu.memory_space<vmem>> -> memref<1x3840xf32, #tpu.memory_space<vmem>>
      %swap3A_479 = tpu.memref_squeeze %swap3A_478 : memref<1x3840xf32, #tpu.memory_space<vmem>> -> memref<3840xf32, #tpu.memory_space<vmem>>
      %swap3A_480 = arith.index_cast %add3A_477 : i32 to index
      %swap3A_481 = tpu.vector_load %swap3A_479[%swap3A_480] {strides = array<i32>} : memref<3840xf32, #tpu.memory_space<vmem>>, vector<16xf32>,
      tpu.vector_store %swap3A_479[%swap3A_480], %mul3A_475 {strides = array<i32>} : memref<3840xf32, #tpu.memory_space<vmem>>, vector<16xf32>,
    }
    %scan3A_230 = arith.constant 40 : i32
    "tpu.trace_stop"() : () -> ()
    "tpu.trace_start"() <{level = 10 : i32, message = "phB2_pub"}> : () -> ()
    "tpu.region"() ({
      %run_scoped3A = tpu.sem_alloc : memref<!tpu.dma_semaphore, #tpu.memory_space<semaphore_mem>>
      %dma_start3A_338 = arith.constant 0 : i32
      %dma_start3A_339 = arith.constant 2560 : i32
      %dma_start3A_340 = tpu.memref_slice %arg17[%dma_start3A_338, %dma_start3A_339] : memref<1x3840xf32, #tpu.memory_space<vmem>> -> memref<1x640xf32, #tpu.memory_space<vmem>>
      %dma_start3A_341 = arith.constant 0 : i32
      %dma_start3A_342 = tpu.memref_slice %arg23[%dma_start3A_341, %mul3A_0] : memref<1x40960xf32, #tpu.memory_space<vmem_shared>> -> memref<1x640xf32, #tpu.memory_space<vmem_shared>>
      %dma_start3A_343 = arith.constant 0 : i32
      %dma_start3A_344 = tpu.memref_slice %arg23[%dma_start3A_343, %mul3A_0] : memref<1x40960xf32, #tpu.memory_space<vmem_shared>> -> memref<1x640xf32, #tpu.memory_space<vmem_shared>>
      %dma_start3A_345 = arith.constant 0 : i32
      %dma_start3A_346 = arith.constant 2560 : i32
      %dma_start3A_347 = tpu.memref_slice %arg17[%dma_start3A_345, %dma_start3A_346] : memref<1x3840xf32, #tpu.memory_space<vmem>> -> memref<1x640xf32, #tpu.memory_space<vmem>>
      tpu.enqueue_dma source(%dma_start3A_347 : memref<1x640xf32, #tpu.memory_space<vmem>>) target(%dma_start3A_344 : memref<1x640xf32, #tpu.memory_space<vmem_shared>>) target_semaphore(%run_scoped3A : memref<!tpu.dma_semaphore, #tpu.memory_space<semaphore_mem>>)
      %dma_wait3A_348 = arith.constant 0 : i32
      %dma_wait3A_349 = arith.constant 2560 : i32
      %dma_wait3A_350 = tpu.memref_slice %arg17[%dma_wait3A_348, %dma_wait3A_349] : memref<1x3840xf32, #tpu.memory_space<vmem>> -> memref<1x640xf32, #tpu.memory_space<vmem>>
      %dma_wait3A_351 = arith.constant 0 : i32
      %dma_wait3A_352 = tpu.memref_slice %arg23[%dma_wait3A_351, %mul3A_0] : memref<1x40960xf32, #tpu.memory_space<vmem_shared>> -> memref<1x640xf32, #tpu.memory_space<vmem_shared>>
      %dma_wait3A_353 = arith.constant 0 : i32
      %dma_wait3A_354 = tpu.memref_slice %arg23[%dma_wait3A_353, %mul3A_0] : memref<1x40960xf32, #tpu.memory_space<vmem_shared>> -> memref<1x640xf32, #tpu.memory_space<vmem_shared>>
      %dma_wait3A_355 = arith.constant 0 : i32
      %dma_wait3A_356 = arith.constant 2560 : i32
      %dma_wait3A_357 = tpu.memref_slice %arg17[%dma_wait3A_355, %dma_wait3A_356] : memref<1x3840xf32, #tpu.memory_space<vmem>> -> memref<1x640xf32, #tpu.memory_space<vmem>>
      tpu.wait_dma2 semaphore(%run_scoped3A : memref<!tpu.dma_semaphore, #tpu.memory_space<semaphore_mem>>) src(%dma_wait3A_357 : memref<1x640xf32, #tpu.memory_space<vmem>>) dst(%dma_wait3A_354 : memref<1x640xf32, #tpu.memory_space<vmem_shared>>)
      tpu.yield
    }) : () -> ()
    "tpu.trace_stop"() : () -> ()
    "tpu.trace_start"() <{level = 10 : i32, message = "bar5"}> : () -> ()
    %barrier3A_231 = arith.constant 0 : index
    tpu.barrier barrier_id(%barrier3A_231)
    "tpu.trace_stop"() : () -> ()
    "tpu.trace_start"() <{level = 10 : i32, message = "phC_q2rd"}> : () -> ()
    "tpu.region"() ({
      %run_scoped3A = tpu.sem_alloc : memref<!tpu.dma_semaphore, #tpu.memory_space<semaphore_mem>>
      %dma_start3A_338 = arith.constant 0 : i32
      %dma_start3A_339 = arith.constant 0 : i32
      %dma_start3A_340 = tpu.memref_slice %arg15[%dma_start3A_338, %dma_start3A_339] : memref<1x40960xf32, #tpu.memory_space<vmem>> -> memref<1x10240xf32, #tpu.memory_space<vmem>>
      %dma_start3A_341 = arith.constant 0 : i32
      %dma_start3A_342 = arith.constant 0 : i32
      %dma_start3A_343 = tpu.memref_slice %arg23[%dma_start3A_341, %dma_start3A_342] : memref<1x40960xf32, #tpu.memory_space<vmem_shared>> -> memref<1x10240xf32, #tpu.memory_space<vmem_shared>>
      %dma_start3A_344 = arith.constant 0 : i32
      %dma_start3A_345 = arith.constant 0 : i32
      %dma_start3A_346 = tpu.memref_slice %arg15[%dma_start3A_344, %dma_start3A_345] : memref<1x40960xf32, #tpu.memory_space<vmem>> -> memref<1x10240xf32, #tpu.memory_space<vmem>>
      %dma_start3A_347 = arith.constant 0 : i32
      %dma_start3A_348 = arith.constant 0 : i32
      %dma_start3A_349 = tpu.memref_slice %arg23[%dma_start3A_347, %dma_start3A_348] : memref<1x40960xf32, #tpu.memory_space<vmem_shared>> -> memref<1x10240xf32, #tpu.memory_space<vmem_shared>>
      tpu.enqueue_dma source(%dma_start3A_349 : memref<1x10240xf32, #tpu.memory_space<vmem_shared>>) target(%dma_start3A_346 : memref<1x10240xf32, #tpu.memory_space<vmem>>) target_semaphore(%run_scoped3A : memref<!tpu.dma_semaphore, #tpu.memory_space<semaphore_mem>>)
      %dma_wait3A_350 = arith.constant 0 : i32
      %dma_wait3A_351 = arith.constant 0 : i32
      %dma_wait3A_352 = tpu.memref_slice %arg15[%dma_wait3A_350, %dma_wait3A_351] : memref<1x40960xf32, #tpu.memory_space<vmem>> -> memref<1x10240xf32, #tpu.memory_space<vmem>>
      %dma_wait3A_353 = arith.constant 0 : i32
      %dma_wait3A_354 = arith.constant 0 : i32
      %dma_wait3A_355 = tpu.memref_slice %arg23[%dma_wait3A_353, %dma_wait3A_354] : memref<1x40960xf32, #tpu.memory_space<vmem_shared>> -> memref<1x10240xf32, #tpu.memory_space<vmem_shared>>
      %dma_wait3A_356 = arith.constant 0 : i32
      %dma_wait3A_357 = arith.constant 0 : i32
      %dma_wait3A_358 = tpu.memref_slice %arg15[%dma_wait3A_356, %dma_wait3A_357] : memref<1x40960xf32, #tpu.memory_space<vmem>> -> memref<1x10240xf32, #tpu.memory_space<vmem>>
      %dma_wait3A_359 = arith.constant 0 : i32
      %dma_wait3A_360 = arith.constant 0 : i32
      %dma_wait3A_361 = tpu.memref_slice %arg23[%dma_wait3A_359, %dma_wait3A_360] : memref<1x40960xf32, #tpu.memory_space<vmem_shared>> -> memref<1x10240xf32, #tpu.memory_space<vmem_shared>>
      tpu.wait_dma2 semaphore(%run_scoped3A : memref<!tpu.dma_semaphore, #tpu.memory_space<semaphore_mem>>) src(%dma_wait3A_361 : memref<1x10240xf32, #tpu.memory_space<vmem_shared>>) dst(%dma_wait3A_358 : memref<1x10240xf32, #tpu.memory_space<vmem>>)
      tpu.yield
    }) : () -> ()
    "tpu.trace_stop"() : () -> ()
    "tpu.trace_start"() <{level = 10 : i32, message = "phC_zwait"}> : () -> ()
    %dma_wait3A_232 = arith.constant 0 : i32
    %dma_wait3A_233 = arith.constant 0 : i32
    %dma_wait3A_234 = tpu.memref_slice %arg16[%dma_wait3A_232, %dma_wait3A_233] : memref<1x40960xf32, #tpu.memory_space<vmem>> -> memref<1x10240xf32, #tpu.memory_space<vmem>>
    %dma_wait3A_235 = arith.constant 0 : i32
    %dma_wait3A_236 = arith.constant 0 : i32
    %dma_wait3A_237 = tpu.memref_slice %arg4[%dma_wait3A_235, %dma_wait3A_236] : memref<1x40960xf32, #tpu.memory_space<hbm>> -> memref<1x10240xf32, #tpu.memory_space<hbm>>
    %dma_wait3A_238 = arith.constant 0 : i32
    %dma_wait3A_239 = arith.constant 0 : i32
    %dma_wait3A_240 = tpu.memref_slice %arg16[%dma_wait3A_238, %dma_wait3A_239] : memref<1x40960xf32, #tpu.memory_space<vmem>> -> memref<1x10240xf32, #tpu.memory_space<vmem>>
    %dma_wait3A_241 = arith.constant 0 : i32
    %dma_wait3A_242 = arith.constant 0 : i32
    %dma_wait3A_243 = tpu.memref_slice %arg4[%dma_wait3A_241, %dma_wait3A_242] : memref<1x40960xf32, #tpu.memory_space<hbm>> -> memref<1x10240xf32, #tpu.memory_space<hbm>>
    tpu.wait_dma2 semaphore(%arg25 : memref<!tpu.dma_semaphore, #tpu.memory_space<semaphore_mem>>) src(%dma_wait3A_243 : memref<1x10240xf32, #tpu.memory_space<hbm>>) dst(%dma_wait3A_240 : memref<1x10240xf32, #tpu.memory_space<vmem>>)
    "tpu.trace_stop"() : () -> ()
    %add3A_244 = arith.constant 0 : i32
    %add3A_245 = arith.addi %mul3A_2, %add3A_244 : i32
    %add3A_246 = arith.constant 320000 : i32
    %add3A_247 = arith.addi %add3A_246, %add3A_245 : i32
    %dma_start3A_248 = tpu.memref_slice %arg3[%add3A_247] : memref<640000xi32, #tpu.memory_space<hbm>> -> memref<4000xi32, #tpu.memory_space<hbm>>
    %dma_start3A_249 = tpu.memref_slice %arg3[%add3A_247] : memref<640000xi32, #tpu.memory_space<hbm>> -> memref<4000xi32, #tpu.memory_space<hbm>>
    tpu.enqueue_dma source(%dma_start3A_249 : memref<4000xi32, #tpu.memory_space<hbm>>) target(%arg12 : memref<4000xi32, #tpu.memory_space<vmem>>) target_semaphore(%arg31 : memref<!tpu.dma_semaphore, #tpu.memory_space<semaphore_mem>>)
    %dma_start3A_250 = tpu.memref_slice %arg3[%add3A_245] : memref<640000xi32, #tpu.memory_space<hbm>> -> memref<4000xi32, #tpu.memory_space<hbm>>
    %dma_start3A_251 = tpu.memref_slice %arg3[%add3A_245] : memref<640000xi32, #tpu.memory_space<hbm>> -> memref<4000xi32, #tpu.memory_space<hbm>>
    tpu.enqueue_dma source(%dma_start3A_251 : memref<4000xi32, #tpu.memory_space<hbm>>) target(%arg9 : memref<4000xi32, #tpu.memory_space<vmem>>) target_semaphore(%arg28 : memref<!tpu.dma_semaphore, #tpu.memory_space<semaphore_mem>>)
    %add3A_252 = arith.constant 4000 : i32
    %add3A_253 = arith.addi %mul3A_2, %add3A_252 : i32
    %add3A_254 = arith.constant 320000 : i32
    %add3A_255 = arith.addi %add3A_254, %add3A_253 : i32
    %dma_start3A_256 = tpu.memref_slice %arg3[%add3A_255] : memref<640000xi32, #tpu.memory_space<hbm>> -> memref<4000xi32, #tpu.memory_space<hbm>>
    %dma_start3A_257 = tpu.memref_slice %arg3[%add3A_255] : memref<640000xi32, #tpu.memory_space<hbm>> -> memref<4000xi32, #tpu.memory_space<hbm>>
    tpu.enqueue_dma source(%dma_start3A_257 : memref<4000xi32, #tpu.memory_space<hbm>>) target(%arg13 : memref<4000xi32, #tpu.memory_space<vmem>>) target_semaphore(%arg32 : memref<!tpu.dma_semaphore, #tpu.memory_space<semaphore_mem>>)
    %dma_start3A_258 = tpu.memref_slice %arg3[%add3A_253] : memref<640000xi32, #tpu.memory_space<hbm>> -> memref<4000xi32, #tpu.memory_space<hbm>>
    %dma_start3A_259 = tpu.memref_slice %arg3[%add3A_253] : memref<640000xi32, #tpu.memory_space<hbm>> -> memref<4000xi32, #tpu.memory_space<hbm>>
    tpu.enqueue_dma source(%dma_start3A_259 : memref<4000xi32, #tpu.memory_space<hbm>>) target(%arg10 : memref<4000xi32, #tpu.memory_space<vmem>>) target_semaphore(%arg29 : memref<!tpu.dma_semaphore, #tpu.memory_space<semaphore_mem>>)
    %add3A_260 = arith.constant 8000 : i32
    %add3A_261 = arith.addi %mul3A_2, %add3A_260 : i32
    %add3A_262 = arith.constant 320000 : i32
    %add3A_263 = arith.addi %add3A_262, %add3A_261 : i32
    %dma_start3A_264 = tpu.memref_slice %arg3[%add3A_263] : memref<640000xi32, #tpu.memory_space<hbm>> -> memref<4000xi32, #tpu.memory_space<hbm>>
    %dma_start3A_265 = tpu.memref_slice %arg3[%add3A_263] : memref<640000xi32, #tpu.memory_space<hbm>> -> memref<4000xi32, #tpu.memory_space<hbm>>
    tpu.enqueue_dma source(%dma_start3A_265 : memref<4000xi32, #tpu.memory_space<hbm>>) target(%arg14 : memref<4000xi32, #tpu.memory_space<vmem>>) target_semaphore(%arg33 : memref<!tpu.dma_semaphore, #tpu.memory_space<semaphore_mem>>)
    %dma_start3A_266 = tpu.memref_slice %arg3[%add3A_261] : memref<640000xi32, #tpu.memory_space<hbm>> -> memref<4000xi32, #tpu.memory_space<hbm>>
    %dma_start3A_267 = tpu.memref_slice %arg3[%add3A_261] : memref<640000xi32, #tpu.memory_space<hbm>> -> memref<4000xi32, #tpu.memory_space<hbm>>
    tpu.enqueue_dma source(%dma_start3A_267 : memref<4000xi32, #tpu.memory_space<hbm>>) target(%arg11 : memref<4000xi32, #tpu.memory_space<vmem>>) target_semaphore(%arg30 : memref<!tpu.dma_semaphore, #tpu.memory_space<semaphore_mem>>)
    %dma_wait3A_268 = tpu.memref_slice %arg3[%add3A_245] : memref<640000xi32, #tpu.memory_space<hbm>> -> memref<4000xi32, #tpu.memory_space<hbm>>
    %dma_wait3A_269 = tpu.memref_slice %arg3[%add3A_245] : memref<640000xi32, #tpu.memory_space<hbm>> -> memref<4000xi32, #tpu.memory_space<hbm>>
    tpu.wait_dma2 semaphore(%arg28 : memref<!tpu.dma_semaphore, #tpu.memory_space<semaphore_mem>>) src(%dma_wait3A_269 : memref<4000xi32, #tpu.memory_space<hbm>>) dst(%arg9 : memref<4000xi32, #tpu.memory_space<vmem>>)
    %dma_wait3A_270 = tpu.memref_slice %arg3[%add3A_247] : memref<640000xi32, #tpu.memory_space<hbm>> -> memref<4000xi32, #tpu.memory_space<hbm>>
    %dma_wait3A_271 = tpu.memref_slice %arg3[%add3A_247] : memref<640000xi32, #tpu.memory_space<hbm>> -> memref<4000xi32, #tpu.memory_space<hbm>>
    tpu.wait_dma2 semaphore(%arg31 : memref<!tpu.dma_semaphore, #tpu.memory_space<semaphore_mem>>) src(%dma_wait3A_271 : memref<4000xi32, #tpu.memory_space<hbm>>) dst(%arg12 : memref<4000xi32, #tpu.memory_space<vmem>>)
    %parallel_loop3A_272 = arith.constant 0 : i32
    %parallel_loop3A_273 = arith.constant 250 : i32
    %parallel_loop3A_274 = arith.constant 1 : i32
    %parallel_loop3A_275 = arith.constant 0 : i32
    %parallel_loop3A_276 = arith.constant 0 : i32
    scf.for %parallel_loop3A_338 = %parallel_loop3A_272 to %parallel_loop3A_273 step %parallel_loop3A_274  : i32 {
      %parallel_loop3A_339 = arith.constant 16 : i32
      %parallel_loop3A_340 = arith.muli %parallel_loop3A_338, %parallel_loop3A_339 : i32
      %parallel_loop3A_341 = arith.index_cast %parallel_loop3A_340 : i32 to index
      %parallel_loop3A_342 = tpu.vector_load %arg9[%parallel_loop3A_341] {strides = array<i32>} : memref<4000xi32, #tpu.memory_space<vmem>>, vector<16xi32>,
      %parallel_loop3A_343 = arith.constant 16 : i32
      %parallel_loop3A_344 = arith.muli %parallel_loop3A_338, %parallel_loop3A_343 : i32
      %parallel_loop3A_345 = arith.index_cast %parallel_loop3A_344 : i32 to index
      %parallel_loop3A_346 = tpu.vector_load %arg12[%parallel_loop3A_345] {strides = array<i32>} : memref<4000xi32, #tpu.memory_space<vmem>>, vector<16xi32>,
      %parallel_loop3A_347 = arith.constant 0 : i32
      %parallel_loop3A_348 = tpu.memref_slice %arg15[%parallel_loop3A_275, %parallel_loop3A_347] : memref<1x40960xf32, #tpu.memory_space<vmem>> -> memref<1x40960xf32, #tpu.memory_space<vmem>>
      %parallel_loop3A_349 = tpu.memref_squeeze %parallel_loop3A_348 : memref<1x40960xf32, #tpu.memory_space<vmem>> -> memref<40960xf32, #tpu.memory_space<vmem>>
      %parallel_loop3A_350 = tpu.vector_load_idx %parallel_loop3A_349[%parallel_loop3A_342] : memref<40960xf32, #tpu.memory_space<vmem>>[vector<16xi32>], vector<16xf32>,
      %parallel_loop3A_351 = arith.constant 0 : i32
      %parallel_loop3A_352 = tpu.memref_slice %arg16[%parallel_loop3A_276, %parallel_loop3A_351] : memref<1x40960xf32, #tpu.memory_space<vmem>> -> memref<1x40960xf32, #tpu.memory_space<vmem>>
      %parallel_loop3A_353 = tpu.memref_squeeze %parallel_loop3A_352 : memref<1x40960xf32, #tpu.memory_space<vmem>> -> memref<40960xf32, #tpu.memory_space<vmem>>
      tpu.vector_store_idx %parallel_loop3A_353[%parallel_loop3A_346], %parallel_loop3A_350 {add = true} : memref<40960xf32, #tpu.memory_space<vmem>>[vector<16xi32>], vector<16xf32>,
    } {sc.loop_unroll_factor = 5 : i64, sc.parallel_access}
    %add3A_277 = arith.constant 12000 : i32
    %add3A_278 = arith.addi %mul3A_2, %add3A_277 : i32
    %add3A_279 = arith.constant 320000 : i32
    %add3A_280 = arith.addi %add3A_279, %add3A_278 : i32
    %dma_start3A_281 = tpu.memref_slice %arg3[%add3A_280] : memref<640000xi32, #tpu.memory_space<hbm>> -> memref<4000xi32, #tpu.memory_space<hbm>>
    %dma_start3A_282 = tpu.memref_slice %arg3[%add3A_280] : memref<640000xi32, #tpu.memory_space<hbm>> -> memref<4000xi32, #tpu.memory_space<hbm>>
    tpu.enqueue_dma source(%dma_start3A_282 : memref<4000xi32, #tpu.memory_space<hbm>>) target(%arg12 : memref<4000xi32, #tpu.memory_space<vmem>>) target_semaphore(%arg31 : memref<!tpu.dma_semaphore, #tpu.memory_space<semaphore_mem>>)
    %dma_start3A_283 = tpu.memref_slice %arg3[%add3A_278] : memref<640000xi32, #tpu.memory_space<hbm>> -> memref<4000xi32, #tpu.memory_space<hbm>>
    %dma_start3A_284 = tpu.memref_slice %arg3[%add3A_278] : memref<640000xi32, #tpu.memory_space<hbm>> -> memref<4000xi32, #tpu.memory_space<hbm>>
    tpu.enqueue_dma source(%dma_start3A_284 : memref<4000xi32, #tpu.memory_space<hbm>>) target(%arg9 : memref<4000xi32, #tpu.memory_space<vmem>>) target_semaphore(%arg28 : memref<!tpu.dma_semaphore, #tpu.memory_space<semaphore_mem>>)
    %dma_wait3A_285 = tpu.memref_slice %arg3[%add3A_253] : memref<640000xi32, #tpu.memory_space<hbm>> -> memref<4000xi32, #tpu.memory_space<hbm>>
    %dma_wait3A_286 = tpu.memref_slice %arg3[%add3A_253] : memref<640000xi32, #tpu.memory_space<hbm>> -> memref<4000xi32, #tpu.memory_space<hbm>>
    tpu.wait_dma2 semaphore(%arg29 : memref<!tpu.dma_semaphore, #tpu.memory_space<semaphore_mem>>) src(%dma_wait3A_286 : memref<4000xi32, #tpu.memory_space<hbm>>) dst(%arg10 : memref<4000xi32, #tpu.memory_space<vmem>>)
    %dma_wait3A_287 = tpu.memref_slice %arg3[%add3A_255] : memref<640000xi32, #tpu.memory_space<hbm>> -> memref<4000xi32, #tpu.memory_space<hbm>>
    %dma_wait3A_288 = tpu.memref_slice %arg3[%add3A_255] : memref<640000xi32, #tpu.memory_space<hbm>> -> memref<4000xi32, #tpu.memory_space<hbm>>
    tpu.wait_dma2 semaphore(%arg32 : memref<!tpu.dma_semaphore, #tpu.memory_space<semaphore_mem>>) src(%dma_wait3A_288 : memref<4000xi32, #tpu.memory_space<hbm>>) dst(%arg13 : memref<4000xi32, #tpu.memory_space<vmem>>)
    %parallel_loop3A_289 = arith.constant 0 : i32
    %parallel_loop3A_290 = arith.constant 250 : i32
    %parallel_loop3A_291 = arith.constant 1 : i32
    %parallel_loop3A_292 = arith.constant 0 : i32
    %parallel_loop3A_293 = arith.constant 0 : i32
    scf.for %parallel_loop3A_338 = %parallel_loop3A_289 to %parallel_loop3A_290 step %parallel_loop3A_291  : i32 {
      %parallel_loop3A_339 = arith.constant 16 : i32
      %parallel_loop3A_340 = arith.muli %parallel_loop3A_338, %parallel_loop3A_339 : i32
      %parallel_loop3A_341 = arith.index_cast %parallel_loop3A_340 : i32 to index
      %parallel_loop3A_342 = tpu.vector_load %arg10[%parallel_loop3A_341] {strides = array<i32>} : memref<4000xi32, #tpu.memory_space<vmem>>, vector<16xi32>,
      %parallel_loop3A_343 = arith.constant 16 : i32
      %parallel_loop3A_344 = arith.muli %parallel_loop3A_338, %parallel_loop3A_343 : i32
      %parallel_loop3A_345 = arith.index_cast %parallel_loop3A_344 : i32 to index
      %parallel_loop3A_346 = tpu.vector_load %arg13[%parallel_loop3A_345] {strides = array<i32>} : memref<4000xi32, #tpu.memory_space<vmem>>, vector<16xi32>,
      %parallel_loop3A_347 = arith.constant 0 : i32
      %parallel_loop3A_348 = tpu.memref_slice %arg15[%parallel_loop3A_292, %parallel_loop3A_347] : memref<1x40960xf32, #tpu.memory_space<vmem>> -> memref<1x40960xf32, #tpu.memory_space<vmem>>
      %parallel_loop3A_349 = tpu.memref_squeeze %parallel_loop3A_348 : memref<1x40960xf32, #tpu.memory_space<vmem>> -> memref<40960xf32, #tpu.memory_space<vmem>>
      %parallel_loop3A_350 = tpu.vector_load_idx %parallel_loop3A_349[%parallel_loop3A_342] : memref<40960xf32, #tpu.memory_space<vmem>>[vector<16xi32>], vector<16xf32>,
      %parallel_loop3A_351 = arith.constant 0 : i32
      %parallel_loop3A_352 = tpu.memref_slice %arg16[%parallel_loop3A_293, %parallel_loop3A_351] : memref<1x40960xf32, #tpu.memory_space<vmem>> -> memref<1x40960xf32, #tpu.memory_space<vmem>>
      %parallel_loop3A_353 = tpu.memref_squeeze %parallel_loop3A_352 : memref<1x40960xf32, #tpu.memory_space<vmem>> -> memref<40960xf32, #tpu.memory_space<vmem>>
      tpu.vector_store_idx %parallel_loop3A_353[%parallel_loop3A_346], %parallel_loop3A_350 {add = true} : memref<40960xf32, #tpu.memory_space<vmem>>[vector<16xi32>], vector<16xf32>,
    } {sc.loop_unroll_factor = 5 : i64, sc.parallel_access}
    %add3A_294 = arith.constant 16000 : i32
    %add3A_295 = arith.addi %mul3A_2, %add3A_294 : i32
    %add3A_296 = arith.constant 320000 : i32
    %add3A_297 = arith.addi %add3A_296, %add3A_295 : i32
    %dma_start3A_298 = tpu.memref_slice %arg3[%add3A_297] : memref<640000xi32, #tpu.memory_space<hbm>> -> memref<4000xi32, #tpu.memory_space<hbm>>
    %dma_start3A_299 = tpu.memref_slice %arg3[%add3A_297] : memref<640000xi32, #tpu.memory_space<hbm>> -> memref<4000xi32, #tpu.memory_space<hbm>>
    tpu.enqueue_dma source(%dma_start3A_299 : memref<4000xi32, #tpu.memory_space<hbm>>) target(%arg13 : memref<4000xi32, #tpu.memory_space<vmem>>) target_semaphore(%arg32 : memref<!tpu.dma_semaphore, #tpu.memory_space<semaphore_mem>>)
    %dma_start3A_300 = tpu.memref_slice %arg3[%add3A_295] : memref<640000xi32, #tpu.memory_space<hbm>> -> memref<4000xi32, #tpu.memory_space<hbm>>
    %dma_start3A_301 = tpu.memref_slice %arg3[%add3A_295] : memref<640000xi32, #tpu.memory_space<hbm>> -> memref<4000xi32, #tpu.memory_space<hbm>>
    tpu.enqueue_dma source(%dma_start3A_301 : memref<4000xi32, #tpu.memory_space<hbm>>) target(%arg10 : memref<4000xi32, #tpu.memory_space<vmem>>) target_semaphore(%arg29 : memref<!tpu.dma_semaphore, #tpu.memory_space<semaphore_mem>>)
    %dma_wait3A_302 = tpu.memref_slice %arg3[%add3A_261] : memref<640000xi32, #tpu.memory_space<hbm>> -> memref<4000xi32, #tpu.memory_space<hbm>>
    %dma_wait3A_303 = tpu.memref_slice %arg3[%add3A_261] : memref<640000xi32, #tpu.memory_space<hbm>> -> memref<4000xi32, #tpu.memory_space<hbm>>
    tpu.wait_dma2 semaphore(%arg30 : memref<!tpu.dma_semaphore, #tpu.memory_space<semaphore_mem>>) src(%dma_wait3A_303 : memref<4000xi32, #tpu.memory_space<hbm>>) dst(%arg11 : memref<4000xi32, #tpu.memory_space<vmem>>)
    %dma_wait3A_304 = tpu.memref_slice %arg3[%add3A_263] : memref<640000xi32, #tpu.memory_space<hbm>> -> memref<4000xi32, #tpu.memory_space<hbm>>
    %dma_wait3A_305 = tpu.memref_slice %arg3[%add3A_263] : memref<640000xi32, #tpu.memory_space<hbm>> -> memref<4000xi32, #tpu.memory_space<hbm>>
    tpu.wait_dma2 semaphore(%arg33 : memref<!tpu.dma_semaphore, #tpu.memory_space<semaphore_mem>>) src(%dma_wait3A_305 : memref<4000xi32, #tpu.memory_space<hbm>>) dst(%arg14 : memref<4000xi32, #tpu.memory_space<vmem>>)
    %parallel_loop3A_306 = arith.constant 0 : i32
    %parallel_loop3A_307 = arith.constant 250 : i32
    %parallel_loop3A_308 = arith.constant 1 : i32
    %parallel_loop3A_309 = arith.constant 0 : i32
    %parallel_loop3A_310 = arith.constant 0 : i32
    scf.for %parallel_loop3A_338 = %parallel_loop3A_306 to %parallel_loop3A_307 step %parallel_loop3A_308  : i32 {
      %parallel_loop3A_339 = arith.constant 16 : i32
      %parallel_loop3A_340 = arith.muli %parallel_loop3A_338, %parallel_loop3A_339 : i32
      %parallel_loop3A_341 = arith.index_cast %parallel_loop3A_340 : i32 to index
      %parallel_loop3A_342 = tpu.vector_load %arg11[%parallel_loop3A_341] {strides = array<i32>} : memref<4000xi32, #tpu.memory_space<vmem>>, vector<16xi32>,
      %parallel_loop3A_343 = arith.constant 16 : i32
      %parallel_loop3A_344 = arith.muli %parallel_loop3A_338, %parallel_loop3A_343 : i32
      %parallel_loop3A_345 = arith.index_cast %parallel_loop3A_344 : i32 to index
      %parallel_loop3A_346 = tpu.vector_load %arg14[%parallel_loop3A_345] {strides = array<i32>} : memref<4000xi32, #tpu.memory_space<vmem>>, vector<16xi32>,
      %parallel_loop3A_347 = arith.constant 0 : i32
      %parallel_loop3A_348 = tpu.memref_slice %arg15[%parallel_loop3A_309, %parallel_loop3A_347] : memref<1x40960xf32, #tpu.memory_space<vmem>> -> memref<1x40960xf32, #tpu.memory_space<vmem>>
      %parallel_loop3A_349 = tpu.memref_squeeze %parallel_loop3A_348 : memref<1x40960xf32, #tpu.memory_space<vmem>> -> memref<40960xf32, #tpu.memory_space<vmem>>
      %parallel_loop3A_350 = tpu.vector_load_idx %parallel_loop3A_349[%parallel_loop3A_342] : memref<40960xf32, #tpu.memory_space<vmem>>[vector<16xi32>], vector<16xf32>,
      %parallel_loop3A_351 = arith.constant 0 : i32
      %parallel_loop3A_352 = tpu.memref_slice %arg16[%parallel_loop3A_310, %parallel_loop3A_351] : memref<1x40960xf32, #tpu.memory_space<vmem>> -> memref<1x40960xf32, #tpu.memory_space<vmem>>
      %parallel_loop3A_353 = tpu.memref_squeeze %parallel_loop3A_352 : memref<1x40960xf32, #tpu.memory_space<vmem>> -> memref<40960xf32, #tpu.memory_space<vmem>>
      tpu.vector_store_idx %parallel_loop3A_353[%parallel_loop3A_346], %parallel_loop3A_350 {add = true} : memref<40960xf32, #tpu.memory_space<vmem>>[vector<16xi32>], vector<16xf32>,
    } {sc.loop_unroll_factor = 5 : i64, sc.parallel_access}
    %dma_wait3A_311 = tpu.memref_slice %arg3[%add3A_278] : memref<640000xi32, #tpu.memory_space<hbm>> -> memref<4000xi32, #tpu.memory_space<hbm>>
    %dma_wait3A_312 = tpu.memref_slice %arg3[%add3A_278] : memref<640000xi32, #tpu.memory_space<hbm>> -> memref<4000xi32, #tpu.memory_space<hbm>>
    tpu.wait_dma2 semaphore(%arg28 : memref<!tpu.dma_semaphore, #tpu.memory_space<semaphore_mem>>) src(%dma_wait3A_312 : memref<4000xi32, #tpu.memory_space<hbm>>) dst(%arg9 : memref<4000xi32, #tpu.memory_space<vmem>>)
    %dma_wait3A_313 = tpu.memref_slice %arg3[%add3A_280] : memref<640000xi32, #tpu.memory_space<hbm>> -> memref<4000xi32, #tpu.memory_space<hbm>>
    %dma_wait3A_314 = tpu.memref_slice %arg3[%add3A_280] : memref<640000xi32, #tpu.memory_space<hbm>> -> memref<4000xi32, #tpu.memory_space<hbm>>
    tpu.wait_dma2 semaphore(%arg31 : memref<!tpu.dma_semaphore, #tpu.memory_space<semaphore_mem>>) src(%dma_wait3A_314 : memref<4000xi32, #tpu.memory_space<hbm>>) dst(%arg12 : memref<4000xi32, #tpu.memory_space<vmem>>)
    %parallel_loop3A_315 = arith.constant 0 : i32
    %parallel_loop3A_316 = arith.constant 250 : i32
    %parallel_loop3A_317 = arith.constant 1 : i32
    %parallel_loop3A_318 = arith.constant 0 : i32
    %parallel_loop3A_319 = arith.constant 0 : i32
    scf.for %parallel_loop3A_338 = %parallel_loop3A_315 to %parallel_loop3A_316 step %parallel_loop3A_317  : i32 {
      %parallel_loop3A_339 = arith.constant 16 : i32
      %parallel_loop3A_340 = arith.muli %parallel_loop3A_338, %parallel_loop3A_339 : i32
      %parallel_loop3A_341 = arith.index_cast %parallel_loop3A_340 : i32 to index
      %parallel_loop3A_342 = tpu.vector_load %arg9[%parallel_loop3A_341] {strides = array<i32>} : memref<4000xi32, #tpu.memory_space<vmem>>, vector<16xi32>,
      %parallel_loop3A_343 = arith.constant 16 : i32
      %parallel_loop3A_344 = arith.muli %parallel_loop3A_338, %parallel_loop3A_343 : i32
      %parallel_loop3A_345 = arith.index_cast %parallel_loop3A_344 : i32 to index
      %parallel_loop3A_346 = tpu.vector_load %arg12[%parallel_loop3A_345] {strides = array<i32>} : memref<4000xi32, #tpu.memory_space<vmem>>, vector<16xi32>,
      %parallel_loop3A_347 = arith.constant 0 : i32
      %parallel_loop3A_348 = tpu.memref_slice %arg15[%parallel_loop3A_318, %parallel_loop3A_347] : memref<1x40960xf32, #tpu.memory_space<vmem>> -> memref<1x40960xf32, #tpu.memory_space<vmem>>
      %parallel_loop3A_349 = tpu.memref_squeeze %parallel_loop3A_348 : memref<1x40960xf32, #tpu.memory_space<vmem>> -> memref<40960xf32, #tpu.memory_space<vmem>>
      %parallel_loop3A_350 = tpu.vector_load_idx %parallel_loop3A_349[%parallel_loop3A_342] : memref<40960xf32, #tpu.memory_space<vmem>>[vector<16xi32>], vector<16xf32>,
      %parallel_loop3A_351 = arith.constant 0 : i32
      %parallel_loop3A_352 = tpu.memref_slice %arg16[%parallel_loop3A_319, %parallel_loop3A_351] : memref<1x40960xf32, #tpu.memory_space<vmem>> -> memref<1x40960xf32, #tpu.memory_space<vmem>>
      %parallel_loop3A_353 = tpu.memref_squeeze %parallel_loop3A_352 : memref<1x40960xf32, #tpu.memory_space<vmem>> -> memref<40960xf32, #tpu.memory_space<vmem>>
      tpu.vector_store_idx %parallel_loop3A_353[%parallel_loop3A_346], %parallel_loop3A_350 {add = true} : memref<40960xf32, #tpu.memory_space<vmem>>[vector<16xi32>], vector<16xf32>,
    } {sc.loop_unroll_factor = 5 : i64, sc.parallel_access}
    %dma_wait3A_320 = tpu.memref_slice %arg3[%add3A_295] : memref<640000xi32, #tpu.memory_space<hbm>> -> memref<4000xi32, #tpu.memory_space<hbm>>
    %dma_wait3A_321 = tpu.memref_slice %arg3[%add3A_295] : memref<640000xi32, #tpu.memory_space<hbm>> -> memref<4000xi32, #tpu.memory_space<hbm>>
    tpu.wait_dma2 semaphore(%arg29 : memref<!tpu.dma_semaphore, #tpu.memory_space<semaphore_mem>>) src(%dma_wait3A_321 : memref<4000xi32, #tpu.memory_space<hbm>>) dst(%arg10 : memref<4000xi32, #tpu.memory_space<vmem>>)
    %dma_wait3A_322 = tpu.memref_slice %arg3[%add3A_297] : memref<640000xi32, #tpu.memory_space<hbm>> -> memref<4000xi32, #tpu.memory_space<hbm>>
    %dma_wait3A_323 = tpu.memref_slice %arg3[%add3A_297] : memref<640000xi32, #tpu.memory_space<hbm>> -> memref<4000xi32, #tpu.memory_space<hbm>>
    tpu.wait_dma2 semaphore(%arg32 : memref<!tpu.dma_semaphore, #tpu.memory_space<semaphore_mem>>) src(%dma_wait3A_323 : memref<4000xi32, #tpu.memory_space<hbm>>) dst(%arg13 : memref<4000xi32, #tpu.memory_space<vmem>>)
    %parallel_loop3A_324 = arith.constant 0 : i32
    %parallel_loop3A_325 = arith.constant 250 : i32
    %parallel_loop3A_326 = arith.constant 1 : i32
    %parallel_loop3A_327 = arith.constant 0 : i32
    %parallel_loop3A_328 = arith.constant 0 : i32
    scf.for %parallel_loop3A_338 = %parallel_loop3A_324 to %parallel_loop3A_325 step %parallel_loop3A_326  : i32 {
      %parallel_loop3A_339 = arith.constant 16 : i32
      %parallel_loop3A_340 = arith.muli %parallel_loop3A_338, %parallel_loop3A_339 : i32
      %parallel_loop3A_341 = arith.index_cast %parallel_loop3A_340 : i32 to index
      %parallel_loop3A_342 = tpu.vector_load %arg10[%parallel_loop3A_341] {strides = array<i32>} : memref<4000xi32, #tpu.memory_space<vmem>>, vector<16xi32>,
      %parallel_loop3A_343 = arith.constant 16 : i32
      %parallel_loop3A_344 = arith.muli %parallel_loop3A_338, %parallel_loop3A_343 : i32
      %parallel_loop3A_345 = arith.index_cast %parallel_loop3A_344 : i32 to index
      %parallel_loop3A_346 = tpu.vector_load %arg13[%parallel_loop3A_345] {strides = array<i32>} : memref<4000xi32, #tpu.memory_space<vmem>>, vector<16xi32>,
      %parallel_loop3A_347 = arith.constant 0 : i32
      %parallel_loop3A_348 = tpu.memref_slice %arg15[%parallel_loop3A_327, %parallel_loop3A_347] : memref<1x40960xf32, #tpu.memory_space<vmem>> -> memref<1x40960xf32, #tpu.memory_space<vmem>>
      %parallel_loop3A_349 = tpu.memref_squeeze %parallel_loop3A_348 : memref<1x40960xf32, #tpu.memory_space<vmem>> -> memref<40960xf32, #tpu.memory_space<vmem>>
      %parallel_loop3A_350 = tpu.vector_load_idx %parallel_loop3A_349[%parallel_loop3A_342] : memref<40960xf32, #tpu.memory_space<vmem>>[vector<16xi32>], vector<16xf32>,
      %parallel_loop3A_351 = arith.constant 0 : i32
      %parallel_loop3A_352 = tpu.memref_slice %arg16[%parallel_loop3A_328, %parallel_loop3A_351] : memref<1x40960xf32, #tpu.memory_space<vmem>> -> memref<1x40960xf32, #tpu.memory_space<vmem>>
      %parallel_loop3A_353 = tpu.memref_squeeze %parallel_loop3A_352 : memref<1x40960xf32, #tpu.memory_space<vmem>> -> memref<40960xf32, #tpu.memory_space<vmem>>
      tpu.vector_store_idx %parallel_loop3A_353[%parallel_loop3A_346], %parallel_loop3A_350 {add = true} : memref<40960xf32, #tpu.memory_space<vmem>>[vector<16xi32>], vector<16xf32>,
    } {sc.loop_unroll_factor = 5 : i64, sc.parallel_access}
    "tpu.region"() ({
      %run_scoped3A = tpu.sem_alloc : memref<!tpu.dma_semaphore, #tpu.memory_space<semaphore_mem>>
      %dma_start3A_338 = arith.constant 0 : i32
      %dma_start3A_339 = arith.constant 0 : i32
      %dma_start3A_340 = tpu.memref_slice %arg16[%dma_start3A_338, %dma_start3A_339] : memref<1x40960xf32, #tpu.memory_space<vmem>> -> memref<1x10240xf32, #tpu.memory_space<vmem>>
      %dma_start3A_341 = arith.constant 0 : i32
      %dma_start3A_342 = arith.constant 0 : i32
      %dma_start3A_343 = tpu.memref_slice %arg21[%dma_start3A_341, %dma_start3A_342] : memref<1x10240xf32, #tpu.memory_space<vmem_shared>> -> memref<1x10240xf32, #tpu.memory_space<vmem_shared>>
      tpu.enqueue_indirect_dma source(%dma_start3A_340 : memref<1x10240xf32, #tpu.memory_space<vmem>>) target(%dma_start3A_343 : memref<1x10240xf32, #tpu.memory_space<vmem_shared>>) offsets(%arg20 : memref<1xi32, #tpu.memory_space<vmem>>) semaphore(%run_scoped3A : memref<!tpu.dma_semaphore, #tpu.memory_space<semaphore_mem>>) {add = true}
      %dma_wait3A_344 = arith.constant 0 : i32
      %dma_wait3A_345 = arith.constant 0 : i32
      %dma_wait3A_346 = tpu.memref_slice %arg16[%dma_wait3A_344, %dma_wait3A_345] : memref<1x40960xf32, #tpu.memory_space<vmem>> -> memref<1x10240xf32, #tpu.memory_space<vmem>>
      %dma_wait3A_347 = arith.constant 0 : i32
      %dma_wait3A_348 = arith.constant 0 : i32
      %dma_wait3A_349 = tpu.memref_slice %arg21[%dma_wait3A_347, %dma_wait3A_348] : memref<1x10240xf32, #tpu.memory_space<vmem_shared>> -> memref<1x10240xf32, #tpu.memory_space<vmem_shared>>
      tpu.wait_indirect_dma semaphore(%run_scoped3A : memref<!tpu.dma_semaphore, #tpu.memory_space<semaphore_mem>>) src(%dma_wait3A_346 : memref<1x10240xf32, #tpu.memory_space<vmem>>) dst(%dma_wait3A_349 : memref<1x10240xf32, #tpu.memory_space<vmem_shared>>)
      tpu.yield
    }) : () -> ()
    %barrier3A_329 = arith.constant 0 : index
    tpu.barrier barrier_id(%barrier3A_329)
    "tpu.region"() ({
      %run_scoped3A = tpu.sem_alloc : memref<!tpu.dma_semaphore, #tpu.memory_space<semaphore_mem>>
      %dma_start3A_338 = arith.constant 0 : i32
      %dma_start3A_339 = arith.constant 3200 : i32
      %dma_start3A_340 = tpu.memref_slice %arg17[%dma_start3A_338, %dma_start3A_339] : memref<1x3840xf32, #tpu.memory_space<vmem>> -> memref<1x640xf32, #tpu.memory_space<vmem>>
      %dma_start3A_341 = arith.constant 0 : i32
      %dma_start3A_342 = tpu.memref_slice %arg21[%dma_start3A_341, %mul3A_0] : memref<1x10240xf32, #tpu.memory_space<vmem_shared>> -> memref<1x640xf32, #tpu.memory_space<vmem_shared>>
      %dma_start3A_343 = arith.constant 0 : i32
      %dma_start3A_344 = arith.constant 3200 : i32
      %dma_start3A_345 = tpu.memref_slice %arg17[%dma_start3A_343, %dma_start3A_344] : memref<1x3840xf32, #tpu.memory_space<vmem>> -> memref<1x640xf32, #tpu.memory_space<vmem>>
      %dma_start3A_346 = arith.constant 0 : i32
      %dma_start3A_347 = tpu.memref_slice %arg21[%dma_start3A_346, %mul3A_0] : memref<1x10240xf32, #tpu.memory_space<vmem_shared>> -> memref<1x640xf32, #tpu.memory_space<vmem_shared>>
      tpu.enqueue_dma source(%dma_start3A_347 : memref<1x640xf32, #tpu.memory_space<vmem_shared>>) target(%dma_start3A_345 : memref<1x640xf32, #tpu.memory_space<vmem>>) target_semaphore(%run_scoped3A : memref<!tpu.dma_semaphore, #tpu.memory_space<semaphore_mem>>)
      %dma_wait3A_348 = arith.constant 0 : i32
      %dma_wait3A_349 = arith.constant 3200 : i32
      %dma_wait3A_350 = tpu.memref_slice %arg17[%dma_wait3A_348, %dma_wait3A_349] : memref<1x3840xf32, #tpu.memory_space<vmem>> -> memref<1x640xf32, #tpu.memory_space<vmem>>
      %dma_wait3A_351 = arith.constant 0 : i32
      %dma_wait3A_352 = tpu.memref_slice %arg21[%dma_wait3A_351, %mul3A_0] : memref<1x10240xf32, #tpu.memory_space<vmem_shared>> -> memref<1x640xf32, #tpu.memory_space<vmem_shared>>
      %dma_wait3A_353 = arith.constant 0 : i32
      %dma_wait3A_354 = arith.constant 3200 : i32
      %dma_wait3A_355 = tpu.memref_slice %arg17[%dma_wait3A_353, %dma_wait3A_354] : memref<1x3840xf32, #tpu.memory_space<vmem>> -> memref<1x640xf32, #tpu.memory_space<vmem>>
      %dma_wait3A_356 = arith.constant 0 : i32
      %dma_wait3A_357 = tpu.memref_slice %arg21[%dma_wait3A_356, %mul3A_0] : memref<1x10240xf32, #tpu.memory_space<vmem_shared>> -> memref<1x640xf32, #tpu.memory_space<vmem_shared>>
      tpu.wait_dma2 semaphore(%run_scoped3A : memref<!tpu.dma_semaphore, #tpu.memory_space<semaphore_mem>>) src(%dma_wait3A_357 : memref<1x640xf32, #tpu.memory_space<vmem_shared>>) dst(%dma_wait3A_355 : memref<1x640xf32, #tpu.memory_space<vmem>>)
      tpu.yield
    }) : () -> ()
    %scan3A_330 = arith.constant 0 : i32
    %scan3A_331 = arith.constant 0 : i32
    %scan3A_332 = arith.constant 0 : i32
    %scan3A_333 = arith.constant 0 : i32
    %scan3A_334 = arith.constant 40 : i32
    %scan3A_335 = arith.addi %scan3A_333, %scan3A_334 : i32
    %scan3A_336 = arith.constant 1 : i32
    scf.for %scan3A_338 = %scan3A_333 to %scan3A_335 step %scan3A_336  : i32 {
      %mul3A_339 = arith.constant 16 : i32
      %mul3A_340 = arith.muli %scan3A_338, %mul3A_339 : i32
      %get3A = arith.index_cast %mul3A_340 : i32 to index
      %get3A_341 = tpu.vector_load %arg18[%get3A] {strides = array<i32>} : memref<640xf32, #tpu.memory_space<vmem>>, vector<16xf32>,
      %add3A_342 = arith.constant 3200 : i32
      %add3A_343 = arith.addi %add3A_342, %mul3A_340 : i32
      %get3A_344 = arith.constant 0 : i32
      %get3A_345 = tpu.memref_slice %arg17[%scan3A_331, %get3A_344] : memref<1x3840xf32, #tpu.memory_space<vmem>> -> memref<1x3840xf32, #tpu.memory_space<vmem>>
      %get3A_346 = tpu.memref_squeeze %get3A_345 : memref<1x3840xf32, #tpu.memory_space<vmem>> -> memref<3840xf32, #tpu.memory_space<vmem>>
      %get3A_347 = arith.index_cast %add3A_343 : i32 to index
      %get3A_348 = tpu.vector_load %get3A_346[%get3A_347] {strides = array<i32>} : memref<3840xf32, #tpu.memory_space<vmem>>, vector<16xf32>,
      %add3A_349 = arith.constant 2560 : i32
      %add3A_350 = arith.addi %add3A_349, %mul3A_340 : i32
      %get3A_351 = arith.constant 0 : i32
      %get3A_352 = tpu.memref_slice %arg17[%scan3A_331, %get3A_351] : memref<1x3840xf32, #tpu.memory_space<vmem>> -> memref<1x3840xf32, #tpu.memory_space<vmem>>
      %get3A_353 = tpu.memref_squeeze %get3A_352 : memref<1x3840xf32, #tpu.memory_space<vmem>> -> memref<3840xf32, #tpu.memory_space<vmem>>
      %get3A_354 = arith.index_cast %add3A_350 : i32 to index
      %get3A_355 = tpu.vector_load %get3A_353[%get3A_354] {strides = array<i32>} : memref<3840xf32, #tpu.memory_space<vmem>>, vector<16xf32>,
      %add3A_356 = arith.addf %get3A_348, %get3A_355 : vector<16xf32>
      %mul3A_357 = arith.mulf %get3A_341, %add3A_356 : vector<16xf32>
      %get3A_358 = arith.constant 0 : i32
      %get3A_359 = tpu.memref_slice %arg19[%scan3A_332, %get3A_358] : memref<1x144xf32, #tpu.memory_space<vmem>> -> memref<1x144xf32, #tpu.memory_space<vmem>>
      %get3A_360 = tpu.memref_squeeze %get3A_359 : memref<1x144xf32, #tpu.memory_space<vmem>> -> memref<144xf32, #tpu.memory_space<vmem>>
      %get3A_361 = arith.constant 128 : index
      %get3A_362 = tpu.vector_load %get3A_360[%get3A_361] {strides = array<i32>} : memref<144xf32, #tpu.memory_space<vmem>>, vector<16xf32>,
      %add3A_363 = arith.addf %mul3A_357, %get3A_362 : vector<16xf32>
      %neg3A = arith.constant 0.000000e+00 : f32
      %neg3A_364 = vector.broadcast %neg3A : f32 to vector<16xf32>
      %neg3A_365 = arith.subf %neg3A_364, %add3A_363 : vector<16xf32>
      %exp3A = math.exp %neg3A_365 : vector<16xf32>
      %add3A_366 = arith.constant 1.000000e+00 : f32
      %add3A_367 = vector.broadcast %add3A_366 : f32 to vector<16xf32>
      %add3A_368 = arith.addf %add3A_367, %exp3A : vector<16xf32>
      %div3A = arith.constant 1.000000e+00 : f32
      %div3A_369 = vector.broadcast %div3A : f32 to vector<16xf32>
      %div3A_370 = arith.divf %div3A_369, %add3A_368 : vector<16xf32>
      %add3A_371 = arith.constant 1920 : i32
      %add3A_372 = arith.addi %add3A_371, %mul3A_340 : i32
      %swap3A = arith.constant 0 : i32
      %swap3A_373 = tpu.memref_slice %arg17[%scan3A_331, %swap3A] : memref<1x3840xf32, #tpu.memory_space<vmem>> -> memref<1x3840xf32, #tpu.memory_space<vmem>>
      %swap3A_374 = tpu.memref_squeeze %swap3A_373 : memref<1x3840xf32, #tpu.memory_space<vmem>> -> memref<3840xf32, #tpu.memory_space<vmem>>
      %swap3A_375 = arith.index_cast %add3A_372 : i32 to index
      %swap3A_376 = tpu.vector_load %swap3A_374[%swap3A_375] {strides = array<i32>} : memref<3840xf32, #tpu.memory_space<vmem>>, vector<16xf32>,
      tpu.vector_store %swap3A_374[%swap3A_375], %div3A_370 {strides = array<i32>} : memref<3840xf32, #tpu.memory_space<vmem>>, vector<16xf32>,
    }
    %scan3A_337 = arith.constant 40 : i32
    "tpu.region"() ({
      %run_scoped3A = tpu.sem_alloc : memref<!tpu.dma_semaphore, #tpu.memory_space<semaphore_mem>>
      %dma_start3A_338 = arith.constant 0 : i32
      %dma_start3A_339 = arith.constant 1920 : i32
      %dma_start3A_340 = tpu.memref_slice %arg17[%dma_start3A_338, %dma_start3A_339] : memref<1x3840xf32, #tpu.memory_space<vmem>> -> memref<1x640xf32, #tpu.memory_space<vmem>>
      %dma_start3A_341 = arith.constant 0 : i32
      %dma_start3A_342 = tpu.memref_slice %arg8[%dma_start3A_341, %mul3A_0] : memref<1x10240xf32, #tpu.memory_space<hbm>> -> memref<1x640xf32, #tpu.memory_space<hbm>>
      %dma_start3A_343 = arith.constant 0 : i32
      %dma_start3A_344 = tpu.memref_slice %arg8[%dma_start3A_343, %mul3A_0] : memref<1x10240xf32, #tpu.memory_space<hbm>> -> memref<1x640xf32, #tpu.memory_space<hbm>>
      %dma_start3A_345 = arith.constant 0 : i32
      %dma_start3A_346 = arith.constant 1920 : i32
      %dma_start3A_347 = tpu.memref_slice %arg17[%dma_start3A_345, %dma_start3A_346] : memref<1x3840xf32, #tpu.memory_space<vmem>> -> memref<1x640xf32, #tpu.memory_space<vmem>>
      tpu.enqueue_dma source(%dma_start3A_347 : memref<1x640xf32, #tpu.memory_space<vmem>>) target(%dma_start3A_344 : memref<1x640xf32, #tpu.memory_space<hbm>>) target_semaphore(%run_scoped3A : memref<!tpu.dma_semaphore, #tpu.memory_space<semaphore_mem>>)
      %dma_wait3A_348 = arith.constant 0 : i32
      %dma_wait3A_349 = arith.constant 1920 : i32
      %dma_wait3A_350 = tpu.memref_slice %arg17[%dma_wait3A_348, %dma_wait3A_349] : memref<1x3840xf32, #tpu.memory_space<vmem>> -> memref<1x640xf32, #tpu.memory_space<vmem>>
      %dma_wait3A_351 = arith.constant 0 : i32
      %dma_wait3A_352 = tpu.memref_slice %arg8[%dma_wait3A_351, %mul3A_0] : memref<1x10240xf32, #tpu.memory_space<hbm>> -> memref<1x640xf32, #tpu.memory_space<hbm>>
      %dma_wait3A_353 = arith.constant 0 : i32
      %dma_wait3A_354 = tpu.memref_slice %arg8[%dma_wait3A_353, %mul3A_0] : memref<1x10240xf32, #tpu.memory_space<hbm>> -> memref<1x640xf32, #tpu.memory_space<hbm>>
      %dma_wait3A_355 = arith.constant 0 : i32
      %dma_wait3A_356 = arith.constant 1920 : i32
      %dma_wait3A_357 = tpu.memref_slice %arg17[%dma_wait3A_355, %dma_wait3A_356] : memref<1x3840xf32, #tpu.memory_space<vmem>> -> memref<1x640xf32, #tpu.memory_space<vmem>>
      tpu.wait_dma2 semaphore(%run_scoped3A : memref<!tpu.dma_semaphore, #tpu.memory_space<semaphore_mem>>) src(%dma_wait3A_357 : memref<1x640xf32, #tpu.memory_space<vmem>>) dst(%dma_wait3A_354 : memref<1x640xf32, #tpu.memory_space<hbm>>)
      tpu.yield
    }) : () -> ()
    return
  }
}

module attributes {stable_mosaic.version = 14 : i64} {
  func.func @_tc0_body(%arg0: memref<10000x128xf32, #tpu.memory_space<vmem>>, %arg1: memref<4x128xf32, #tpu.memory_space<vmem>>, %arg2: memref<4x10240xf32, #tpu.memory_space<vmem>>) attributes {dimension_semantics = [], scalar_prefetch = 0 : i64, scratch_operands = 0 : i64, tpu.core_type = #tpu.core_type<tc>} {
    %broadcast_in_dim3A = arith.constant 0.000000e+00 : f32
    %broadcast_in_dim3A_0 = vector.broadcast %broadcast_in_dim3A : f32 to vector<4x10240xf32>
    %swap3A = arith.constant 0 : index
    %swap3A_1 = arith.constant 0 : index
    %swap3A_2 = vector.load %arg2[%swap3A, %swap3A_1] : memref<4x10240xf32, #tpu.memory_space<vmem>>, vector<4x10240xf32>
    tpu.vector_store %arg2[%swap3A, %swap3A_1], %broadcast_in_dim3A_0 {strides = array<i32>} : memref<4x10240xf32, #tpu.memory_space<vmem>>, vector<4x10240xf32>,
    %get3A = arith.constant 0 : index
    %get3A_3 = arith.constant 0 : index
    %get3A_4 = vector.load %arg1[%get3A, %get3A_3] : memref<4x128xf32, #tpu.memory_space<vmem>>, vector<4x128xf32>
    %get3A_5 = arith.constant 0 : index
    %get3A_6 = arith.constant 0 : index
    %get3A_7 = vector.load %arg0[%get3A_5, %get3A_6] : memref<10000x128xf32, #tpu.memory_space<vmem>>, vector<10000x128xf32>
    %dot_general3A = arith.constant dense<0.000000e+00> : vector<4x10000xf32>
    %dot_general3A_8 = tpu.matmul %get3A_4, %get3A_7, %dot_general3A {dimension_numbers = #tpu.dot_dimension_numbers<[1], [1], [0], [0], [0, 0, 1, 0], [], []>, transpose_lhs_hint = false} : vector<4x128xf32>, vector<10000x128xf32>, vector<4x10000xf32> -> vector<4x10000xf32>
    %swap3A_9 = arith.constant 0 : index
    %swap3A_10 = arith.constant 0 : index
    %swap3A_11 = vector.load %arg2[%swap3A_9, %swap3A_10] : memref<4x10240xf32, #tpu.memory_space<vmem>>, vector<4x10000xf32>
    tpu.vector_store %arg2[%swap3A_9, %swap3A_10], %dot_general3A_8 {strides = array<i32>} : memref<4x10240xf32, #tpu.memory_space<vmem>>, vector<4x10000xf32>,
    return
  }
}

</mosaic_0001>

<sc_bundles>
// kernel: kernel.4.cloned.1.call-start
scs
__scs_entry_jumppad:
0x0: {  	(pc) =	sbr.rel $0x88, $3  }
0x1: {  	(tag) =	ssettag $0x0;
	lr =	simm.s32 $0x1  }
0x2: {  	[smem:$0x3F9B] =	sst lr;
	_ =	strace $0xD0000000  }
0x3: {  	_ = 	snop  }
0x4: {  	_ = 	snop  }
0x5: {  	_ = 	snop  }
0x6: {  	_ = 	snop  }
0x7: {  	_ = 	snop  }
__scs_overlays_trampoline_lowered:
0x8: {  	[smem:$0x3FAA] =	sst s0  }
0x9: {  	[smem:$0x3FAB] =	sst s1  }
0xa: {  	[smem:$0x3FAC] =	sst s2  }
0xb: {  	[smem:$0x3FAD] =	sst s3  }
0xc: {  	[smem:$0x3FAE] =	sst s4  }
0xd: {  	[smem:$0x3FAF] =	sst s5  }
0xe: {  	[smem:$0x3FB0] =	sst s6  }
0xf: {  	[smem:$0x3FB1] =	sst s7  }
0x10: {  	[smem:$0x3FB2] =	sst s8  }
0x11: {  	[smem:$0x3FB3] =	sst s9;
	s0 =	simm.s32 @!p0 $0x0  }
0x12: {  	s1 =	sld [smem:$0x3F99];
	s0 =	simm.s32 @p0 $0x1  }
0x13: {  	[smem:$0x3FB4] =	sst s0;
	s0 =	simm.s32 @!p1 $0x0  }
0x14: {  	s2 =	sld [smem:$0x3F98];
	s0 =	simm.s32 @p1 $0x1  }
0x15: {  	[smem:$0x3FB5] =	sst s0;
	s0 =	simm.s32 @!p2 $0x0  }
0x16: {  	s3 =	sld [smem:$0x3FDB];
	s0 =	simm.s32 @p2 $0x1  }
0x17: {  	s4 =	simm.s32 $0x1BF5;
	[smem:$0x3FB7] =	sst s0  }
0x18: {  	s0 =	sld [smem:$0x3F9A];
	_ =	swait.ge [sflag:s4], $0x0  }
0x19: {  	s7 =	sld [smem:$0x3F9B]  }
0x1a: {  	s8 =	sadd.s32 $0xFFFFE003, lr  }
0x1b: {  	s9 =	sadd.s32 $0xFFFFFEF7, lr;
	s5 =	simm.s32 $0xFFFFFFFF;
	p2 =	slt.u32 s8, $0xFFFFF086  }
0x1c: {  	p1 =	slt.u32 s9, $0xF7A;
	s5 =	simm.s32 @!p2 $0x0  }
0x1d: {  	s5 =	simm.s32 @p1 $0x1;
	p0 =	seq.s32 s7, s2  }
0x1e: {  	s7 =	smul.u32 @!p0 $0xF7A, s2;
	p2 =	seq.s32 @!p0 s5, $0x0  }
0x1f: {  	s9 =	smul.u32 $0xF7A, s1;
	s8 =	simm.s32 @!p0 $0x1BF5;
	p2 =	por !p2, p0  }
0x20: {  	[sflag:s8] =	ssyncset.s32 @!p0 $0xFFFFF086;
	s6 =	sadd.s32 @!p0 s3, s7;
	s7 =	simm.s32 @!p0 $0x108  }
0x21: {  	s3 =	sadd.s32 s3, s9;
	s6 =	sadd.s32 @!p0 $0x88, s6;
	s7 =	simm.s32 @p2 $0x1082  }
0x22: {  	[simem:s7], [sflag:s8] =	dma.local @!p0 [hbm:s6], $0xF7A  }
0x23: {  	s9 =	sor.u32 $0xD0000000, s2;
	s6 =	simm.s32 $0x108;
	_ =	swait.ge @!p0 [sflag:s8], $0x0  }
0x24: {  	s3 =	sadd.s32 $0x88, s3;
	s6 =	simm.s32 @!p1 $0x1082;
	[sflag:s4] =	ssyncset.s32 $0xFFFFF086  }
0x25: {  	[simem:s6], [sflag:s4] =	dma.local [hbm:s3], $0xF7A  }
0x26: {  	[smem:$0x3F9B] =	sst s1;
	(tag) =	ssettag s2;
	_ =	strace s9  }
0x27: {  	s1 =	sld [smem:$0x3FAB]  }
0x28: {  	s2 =	sld [smem:$0x3FAC]  }
0x29: {  	s4 =	sld [smem:$0x3FAE]  }
0x2a: {  	p0 =	seq.s32 s5, $0x0;
	s5 =	sld [smem:$0x3FAF]  }
0x2b: {  	s6 =	sld [smem:$0x3FB0]  }
0x2c: {  	s7 =	sld [smem:$0x3FB1]  }
0x2d: {  	s3 =	simm.s32 $0x108;
	s8 =	sld [smem:$0x3FB2]  }
0x2e: {  	s3 =	simm.s32 @!p0 $0x1082;
	s9 =	sld [smem:$0x3FB3]  }
0x2f: {  	lr =	sadd.s32 s0, s3;
	s0 =	sld [smem:$0x3FAA]  }
0x30: {  	s3 =	sld [smem:$0x3FAD]  }
0x31: {  	[smem:$0x3FB6] =	sst s10  }
0x32: {  	s10 =	sld [smem:$0x3FB4];
	_ =	sdelay $0x3  }
0x33: {  	p0 =	seq.s32 s10, $0x1;
	s10 =	sld [smem:$0x3FB6];
	_ =	sdelay $0x3  }
0x34: {  	[smem:$0x3FB6] =	sst s10  }
0x35: {  	s10 =	sld [smem:$0x3FB5];
	_ =	sdelay $0x3  }
0x36: {  	p1 =	seq.s32 s10, $0x1;
	s10 =	sld [smem:$0x3FB6];
	_ =	sdelay $0x3  }
0x37: {  	[smem:$0x3FB6] =	sst s10  }
0x38: {  	s10 =	sld [smem:$0x3FB7]  }
0x39: {  	_ = 	snop;
	(pc) =	sbr.ind lr, $3  }
0x3a: {  	_ = 	snop  }
0x3b: {  	_ = 	snop  }
0x3c: {  	p2 =	seq.s32 s10, $0x1;
	s10 =	sld [smem:$0x3FB6]  }
0x3d: {  	_ =	shalt  }
0x3e: {  	_ =	shalt  }
0x3f: {  	_ =	shalt  }
0x40: {  	_ =	shalt  }
0x41: {  	_ =	shalt  }
0x42: {  	_ =	shalt  }
0x43: {  	_ =	shalt  }
0x44: {  	_ =	shalt  }
0x45: {  	_ =	shalt  }
0x46: {  	_ =	shalt  }
0x47: {  	_ =	shalt  }
0x48: {  	_ =	shalt  }
0x49: {  	_ =	shalt  }
0x4a: {  	_ =	shalt  }
0x4b: {  	_ =	shalt  }
0x4c: {  	_ =	shalt  }
0x4d: {  	_ =	shalt  }
0x4e: {  	_ =	shalt  }
0x4f: {  	_ =	shalt  }
0x50: {  	_ =	shalt  }
0x51: {  	_ =	shalt  }
0x52: {  	_ =	shalt  }
0x53: {  	_ =	shalt  }
0x54: {  	_ =	shalt  }
0x55: {  	_ =	shalt  }
0x56: {  	_ =	shalt  }
0x57: {  	_ =	shalt  }
0x58: {  	_ =	shalt  }
0x59: {  	_ =	shalt  }
0x5a: {  	_ =	shalt  }
0x5b: {  	_ =	shalt  }
0x5c: {  	_ =	shalt  }
0x5d: {  	_ =	shalt  }
0x5e: {  	_ =	shalt  }
0x5f: {  	_ =	shalt  }
0x60: {  	_ =	shalt  }
0x61: {  	_ =	shalt  }
0x62: {  	_ =	shalt  }
0x63: {  	_ =	shalt  }
0x64: {  	_ =	shalt  }
0x65: {  	_ =	shalt  }
0x66: {  	_ =	shalt  }
0x67: {  	_ =	shalt  }
0x68: {  	_ =	shalt  }
0x69: {  	_ =	shalt  }
0x6a: {  	_ =	shalt  }
0x6b: {  	_ =	shalt  }
0x6c: {  	_ =	shalt  }
0x6d: {  	_ =	shalt  }
0x6e: {  	_ =	shalt  }
0x6f: {  	_ =	shalt  }
0x70: {  	_ =	shalt  }
0x71: {  	_ =	shalt  }
0x72: {  	_ =	shalt  }
0x73: {  	_ =	shalt  }
0x74: {  	_ =	shalt  }
0x75: {  	_ =	shalt  }
0x76: {  	_ =	shalt  }
0x77: {  	_ =	shalt  }
0x78: {  	_ =	shalt  }
0x79: {  	_ =	shalt  }
0x7a: {  	_ =	shalt  }
0x7b: {  	_ =	shalt  }
0x7c: {  	_ =	shalt  }
0x7d: {  	_ =	shalt  }
0x7e: {  	_ =	shalt  }
0x7f: {  	_ =	shalt  }
0x80: {  	_ =	shalt  }
0x81: {  	_ =	shalt  }
0x82: {  	_ =	shalt  }
0x83: {  	_ =	shalt  }
0x84: {  	_ =	shalt  }
0x85: {  	_ =	shalt  }
0x86: {  	_ =	shalt  }
0x87: {  	_ =	shalt  }
.Lfunc_end0:
.L_simem_size_0:
called_computation_lowered:
.L_overlay_start_0:
0x88: {  	s0 =	sld [smem:$0x3FD9]  }
0x89: {  	s1 =	sld [smem:$0x3FFE];
	_ =	sdelay $0x3  }
0x8a: {  	s0 =	sadd.s32 s1, s0  }
0x8b: {  	[smem:$0x3FC2] =	sst s0  }
0x8c: {  	_ = 	snop  }
0x8d: {  	s0 =	sld [smem:$0x3FD0];
	(tm) =	ssettm $0x1  }
0x8e: {  	s16 =	sld [smem:$0x3FFB];
	_ =	sdelay $0x3  }
0x8f: {  	_ =	strace s16  }
0x90: {  	s1 =	sld [smem:$0x3FFC];
	_ =	sdelay $0x3  }
0x91: {  	_ =	strace s1  }
0x92: {  	s1 =	sld [smem:$0x3FFD];
	_ =	sdelay $0x3  }
0x93: {  	_ =	strace s1  }
0x94: {  	_ =	strace $0x8FFFFFFF  }
0x95: {  	s17 =	sld [smem:$0x3FDB];
	_ =	sdelay $0x1  }
0x96: {  	s2 =	simm.s32 $_scs_section_size  }
0x97: {  	s3 =	simm.s32 $_size__tile_overlayer_lowered;
	s4 =	simm.s32 $_tile_overlayer_lowered  }
0x98: {  	s20 =	simm.s32 $0x1BFF;
	s19 =	sshll.u32 s4, $0x1;
	s1 =	sadd.s32 s2, s17  }
0x99: {  	s5 =	simm.s32 $0x0;
	s18 =	sshll.u32 s3, $0x1;
	s3 =	sadd.s32 s19, s1  }
0x9a: {  	[timem:s5], [sflag:s20] =	dma.local [hbm:s3], s18  }
0x9b: {  	_ =	swait.ge [sflag:s20], s18  }
0x9c: {  	s2 =	ssub.s32 $0x0, s18;
	[sflag:s20] =	ssyncset.done $0x0  }
0x9d: {  	[sflag:s20] =	ssyncadd.s32 s2;
	_ =	sdelay $0x1  }
0x9e: {  	s21 =	simm.s32 $0x1B8B  }
0x9f: {  	_ =	swait.ge [sflag:s21], $0x1  }
0xa0: {  	[sflag:s21] =	ssyncset.done $0x0  }
0xa1: {  	s23 =	simm.s32 $0x1B8E;
	s22 =	sld [smem:$0x3FFE];
	[sflag:s21] =	ssyncadd.s32 $0xFFFFFFFF  }
0xa2: {  	s24 =	simm.s32 $execute0_lowered;
	[smem:$0x3FD2] =	sst s23  }
0xa3: {  	s3 =	sshll.u32 s24, $0x1;
	_ =	strace $0x80000046;
	[dreg:$0x1] =	wrdreg $0xFFFFFFFF  }
0xa4: {  	s25 =	simm.s32 $_size_execute0_lowered;
	s1 =	sadd.s32 s1, s3;
	[dreg:$0x0] =	wrdreg $0x0  }
0xa5: {  	s3 =	sshll.u32 s25, $0x1;
	[dreg:$0x2] =	wrdreg s1  }
0xa6: {  	[dreg:$0x3] =	wrdreg s3  }
0xa7: {  	[dreg:$0x4] =	wrdreg $0xC0  }
0xa8: {  	_ =	task [dreg:s5], $0x5FFFF  }
0xa9: {  	[dreg:$0x1] =	wrdreg $0xFFFFFFFF  }
0xaa: {  	[dreg:$0x0] =	wrdreg $0x60  }
0xab: {  	[dreg:$0x2] =	wrdreg s22  }
0xac: {  	[dreg:$0x3] =	wrdreg s0  }
0xad: {  	[dreg:$0x4] =	wrdreg $0x1B3000  }
0xae: {  	[dreg:$0x5] =	wrdreg $0x1B5800  }
0xaf: {  	[dreg:$0x6] =	wrdreg $0x1BF800  }
0xb0: {  	[dreg:$0x7] =	wrdreg $0x9  }
0xb1: {  	_ =	task.clear_ibuf [dreg:s5], $0x8FFFF;
	_ =	strace $0x90000046  }
0xb2: {  	s26 =	simm.s32 $0x9;
	_ =	strace $0x80000059  }
0xb3: {  	_ =	swait.ge [sflag:s26], $0x1  }
0xb4: {  	[sflag:s26] =	ssyncadd.s32 $0xFFFFFFFF  }
0xb5: {  	_ =	strace $0x90000059  }
0xb6: {  	_ =	sfence  }
0xb7: {  	s28 =	sld [smem:$0x0];
	_ =	sdelay $0x1  }
0xb8: {  	s29 =	srdreg.scid  }
0xb9: {  	s30 =	sshll.u32 s29, $0xD;
	s31 =	sshrl.u32 s29, $0x2  }
0xba: {  	s2 =	sand.u32 $0x4000, s30;
	s1 =	sand.u32 $0x1, s29;
	s0 =	sadd.s32 s31, s28  }
0xbb: {  	s1 =	sor.u32 s2, s1;
	s0 =	sshll.u32 s0, $0x11  }
0xbc: {  	s0 =	sor.u32 s0, s1  }
0xbd: {  	s0 =	sadd.s32 $0x8F2B, s0  }
0xbe: {  	[sflag:s0] =	ssyncadd.remote.s32 $0x1  }
0xbf: {  	_ =	sfence.sel $0xFFFF  }
0xc0: {  	[dreg:$0x0] =	wrdreg $0xFFFFFFFF;
	(pc) =	sbr.abs _section_cstart, $3  }
0xc1: {  	[dreg:$0x1] =	wrdreg $0xFFFFFFFF  }
0xc2: {  	_ =	task.clear_ibuf [dreg:s5], $0x2FFFF;
	_ =	strace $0x9FFFFFFF  }
0xc3: {  	(tm) =	ssettm $0x7FFFFFFF  }
tec
execute0_lowered:
.L_overlay_start_1:
0x0: {  	(tag) =	ssettag $0x1  }
0x1: {  	s0 =	rddreg [dreg:$0x0]  }
0x2: {  	s2 =	rddreg [dreg:$0x1]  }
0x3: {  	s23 =	rddreg [dreg:$0x2]  }
0x4: {  	s18 =	rddreg [dreg:$0x3]  }
0x5: {  	s8 =	rddreg [dreg:$0x4];
	s3 =	simm.s32 $0x0  }
0x6: {  	[smem:$0x7FF] =	sst s3  }
0x7: {  	s4 =	simm.s32 $0x6000;
	s1 =	sadd.s32 $0xA00, s0;
	_ =	strace $0x80000047  }
0x8: {  	[tilespmem:s4], [sflag:$0x1] =	stream.linear.gather [hbm4b:s1+s3], $0xA000, $0x38;
	[tilespmem:$0x1C980] =	vst v63  }
0x9: {  	s17 =	sadd.s32 $0x16000, s0;
	s1 =	simm.s32 $0x10000  }
0xa: {  	[tilespmem:s1], [sflag:$0x2] =	stream.linear.gather [hbm4b:s17+s3], $0x2800, $0x38;
	[tilespmem:$0x1C980] =	vst v63  }
0xb: {  	s26 =	stileid.u32;
	s5 =	simm.s32 $0x1B180;
	s9 =	simm.s32 $0x1B280  }
0xc: {  	[tilespmem:s5], [sflag:$0x3] =	stream.linear.gather [hbm4b:s2+s3], $0x100, $0x38;
	[tilespmem:$0x1C980] =	vst v63  }
0xd: {  	s7 =	sadd.s32 $0x15800, s0;
	p0 =	sne.s32 s26, $0x0;
	s5 =	sadd.s32 $0x15A00, s0  }
0xe: {  	s20 =	sshrl.u32 @!p0 s23, $0x3;
	s2 =	simm.s32 @!p0 $0x1C0B;
	[dreg:$0x9] =	wrdreg s5  }
0xf: {  	[tilespmem:s9], [sflag:$0x4] =	stream.linear.gather [hbm4b:s7+s3], $0x80, $0x38;
	[tilespmem:$0x1C980] =	vst v63  }
0x10: {  	[spmem:s20], [sflag:s2] =	dma.local @!p0 [hbm:s5], $0x500  }
0x11: {  	s5 =	simm.s32 @!p0 $0xB  }
0x12: {  	_ =	swait.ge @!p0 [sflag:s5], $0x500  }
0x13: {  	[sflag:s5] =	ssyncset.done @!p0 $0x0  }
0x14: {  	s6 =	sshrl.u32 @!p0 s18, $0x3;
	[sflag:s5] =	ssyncadd.s32 @!p0 $0xFFFFFB00  }
0x15: {  	[spmem:s6], [sflag:s2] =	dma.local @!p0 [hbm:s17], $0x1400  }
0x16: {  	_ =	swait.ge @!p0 [sflag:s5], $0x1400  }
0x17: {  	[sflag:s5] =	ssyncset.done @!p0 $0x0  }
0x18: {  	[sflag:s5] =	ssyncadd.s32 @!p0 $0xFFFFEC00  }
0x19: {  	[bflag:$0x0] =	sbarrier.arrive $0xFFFF  }
0x1a: {  	s10 =	simm.s32 $0x2;
	_ =	strace $0x80000048  }
0x1b: {  	_ =	swait.ge [sflag:s10], $0x2800  }
0x1c: {  	[sflag:s10] =	ssyncset.done $0x0  }
0x1d: {  	s11 =	simm.s32 $0x4;
	[sflag:s10] =	ssyncadd.s32 $0xFFFFD800  }
0x1e: {  	s12 =	smul.u32 $0x4E20, s26;
	_ =	swait.ge [sflag:s11], $0x80  }
0x1f: {  	[sflag:s11] =	ssyncset.done $0x0  }
0x20: {  	s16 =	simm.s32 $0x3000;
	s5 =	sshrl.u32 s12, $0x3;
	[sflag:s11] =	ssyncadd.s32 $0xFFFFFF80  }
0x21: {  	s19 =	simm.s32 $0x4000;
	s13 =	sadd.s32 s5, s0;
	_ =	strace $0x90000048  }
0x22: {  	s21 =	simm.s32 $0x5000;
	s9 =	sadd.s32 $0xBA40, s13;
	_ =	strace $0x80000049  }
0x23: {  	[tilespmem:s16], [sflag:$0x8] =	stream.linear.gather [hbm4b:s9+s3], $0xFA0, $0x200038;
	[tilespmem:$0x1C980] =	vst v63  }
0x24: {  	s22 =	simm.s32 $0x8;
	s24 =	simm.s32 $0x3020;
	s11 =	sadd.s32 $0xBC34, s13  }
0x25: {  	[tilespmem:s19], [sflag:$0x9] =	stream.linear.gather [hbm4b:s11+s3], $0xFA0, $0x200038;
	[tilespmem:$0x1C980] =	vst v63  }
0x26: {  	s6 =	sadd.s32 $0xC01C, s13;
	s5 =	sadd.s32 $0x1FF4, s13;
	s10 =	sadd.s32 $0xBE28, s13  }
0x27: {  	[tilespmem:s21], [sflag:$0xA] =	stream.linear.gather [hbm4b:s10+s3], $0xFA0, $0x200038;
	[tilespmem:$0x1C980] =	vst v63  }
0x28: {  	s14 =	sadd.s32 $0x21E8, s13;
	s16 =	smul.u32 $0x280, s26;
	_ =	swait.ge [sflag:s22], $0xFA0  }
0x29: {  	s7 =	sadd.s32 $0x23DC, s13;
	s12 =	sadd.s32 $0x25D0, s13;
	[sflag:s22] =	ssyncset.done $0x0  }
0x2a: {  	s4 =	sshrl.u32 s16, $0x3;
	s15 =	sadd.s32 $0x2800, s16;
	[sflag:s22] =	ssyncadd.s32 $0xFFFFF060  }
0x2b: {  	s19 =	sadd.s32 $0x1E00, s13;
	s0 =	sadd.s32 s4, s0;
	s4 =	sadd.s32 $0xC210, s13;
	v4 =	vld [tilespmem:s24+$0x20]  }
0x2c: {  	s26 =	sadd.s32 s15, s8;
	s13 =	sadd.s32 s15, s18;
	s21 =	sadd.s32 $0x5000, s16;
	v5 =	vld [tilespmem:s24+$0xFFFFFFF0]  }
0x2d: {  	s15 =	sadd.s32 s21, s18;
	s22 =	sadd.s32 $0x7800, s16;
	[dreg:$0xc] =	wrdreg s13  }
0x2e: {  	s25 =	sadd.s32 s21, s8;
	[dreg:$0xb] =	wrdreg s15;
	s21 =	sadd.s32 s22, s18  }
0x2f: {  	s0 =	sadd.s32 $0x17400, s0;
	v0 =	vld [tilespmem:s24+$0x0];
	[dreg:$0xa] =	wrdreg s21  }
0x30: {  	[dreg:$0x6] =	wrdreg s0  }
0x31: {  	s28 =	sadd.s32 s22, s8;
	s22 =	sadd.s32 s16, s8;
	v2 =	vld [tilespmem:s24+$0x10]  }
0x32: {  	v1 =	vimm.f32 $1.000000000e+00;
	v3 =	vld [tilespmem:s24+$0xFFFFFFE0];
	[dreg:$0x8] =	wrdreg s22  }
0x33: {  	s2 =	simm.s32 $0x0;
	s31 =	sadd.s32 $0x8800, s16;
	s30 =	sadd.s32 $0xB000, s16;
	[tilespmem:v4+s1+$0x0] =	vst.idx.add.f32.msk $0xffff, v1  }
0x34: {  	s29 =	sadd.s32 $0xD800, s16;
	s3 =	sadd.s32 s16, s23;
	s24 =	sadd.s32 s16, s18;
	[tilespmem:v5+s1+$0x0] =	vst.idx.add.f32.msk $0xffff, v1  }
0x35: {  	s0 =	sadd.s32 $0x6000, s16;
	s21 =	simm.s32 $0x3070;
	[dreg:$0xd] =	wrdreg s24  }
.LBB2_1:
0x36: {  	v4 =	vld [tilespmem:s21+$0x20];
	s2 =	sadd.s32 $0x5, s2  }
0x37: {  	v5 =	vld [tilespmem:s21+$0xFFFFFFF0];
	p1 =	slt.u32 s2, $0xF5  }
0x38: {  	v6 =	vld [tilespmem:s21+$0x0]  }
0x39: {  	v7 =	vld [tilespmem:s21+$0x10]  }
0x3a: {  	v8 =	vld [tilespmem:s21+$0xFFFFFFE0]  }
.Ltmp0:
0x3b: {  	[tilespmem:v3+s1+$0x0] =	vst.idx.add.f32.msk $0xffff, v1;
	(pc) =	sbr.rel @p1 .LBB2_1-.Ltmp0, $4  }
0x3c: {  	[tilespmem:v0+s1+$0x0] =	vst.idx.add.f32.msk $0xffff, v1  }
0x3d: {  	[tilespmem:v2+s1+$0x0] =	vst.idx.add.f32.msk $0xffff, v1;
	v0 =	vmov v6  }
0x3e: {  	[tilespmem:v4+s1+$0x0] =	vst.idx.add.f32.msk $0xffff, v1;
	v2 =	vmov v7  }
0x3f: {  	s21 =	sadd.s32 $0x50, s21;
	[tilespmem:v5+s1+$0x0] =	vst.idx.add.f32.msk $0xffff, v1;
	v3 =	vmov v8  }
0x40: {  	_ =	sdelay $0x3  }
0x41: {  	[tilespmem:v3+s1+$0x0] =	vst.idx.add.f32.msk $0xffff, v1  }
0x42: {  	[tilespmem:v0+s1+$0x0] =	vst.idx.add.f32.msk $0xffff, v1  }
0x43: {  	[tilespmem:v2+s1+$0x0] =	vst.idx.add.f32.msk $0xffff, v1;
	s21 =	simm.s32 $0x0;
	s2 =	simm.s32 $0x3000;
	s22 =	simm.s32 $0x9  }
0x44: {  	[tilespmem:s2], [sflag:$0x8] =	stream.linear.gather [hbm4b:s6+s21], $0xFA0, $0x200038;
	[tilespmem:$0x1C980] =	vst v63  }
0x45: {  	_ =	swait.ge [sflag:s22], $0xFA0  }
0x46: {  	[sflag:s22] =	ssyncset.done $0x0  }
0x47: {  	s24 =	simm.s32 $0x4020;
	[sflag:s22] =	ssyncadd.s32 $0xFFFFF060  }
0x48: {  	v4 =	vld [tilespmem:s24+$0x20]  }
0x49: {  	v5 =	vld [tilespmem:s24+$0xFFFFFFF0];
	_ =	sdelay $0x3  }
0x4a: {  	v1 =	vld [tilespmem:s24+$0x0]  }
0x4b: {  	v2 =	vld [tilespmem:s24+$0x10]  }
0x4c: {  	v0 =	vimm.f32 $1.000000000e+00;
	s1 =	simm.s32 $0x10000;
	v3 =	vld [tilespmem:s24+$0xFFFFFFE0]  }
0x4d: {  	[tilespmem:v4+s1+$0x0] =	vst.idx.add.f32.msk $0xffff, v0  }
0x4e: {  	s2 =	simm.s32 $0x0;
	s21 =	simm.s32 $0x4070;
	[tilespmem:v5+s1+$0x0] =	vst.idx.add.f32.msk $0xffff, v0  }
.LBB2_3:
0x4f: {  	v4 =	vld [tilespmem:s21+$0x20];
	s2 =	sadd.s32 $0x5, s2  }
0x50: {  	v5 =	vld [tilespmem:s21+$0xFFFFFFF0];
	p1 =	slt.u32 s2, $0xF5  }
0x51: {  	v6 =	vld [tilespmem:s21+$0x0]  }
0x52: {  	v7 =	vld [tilespmem:s21+$0x10]  }
0x53: {  	v8 =	vld [tilespmem:s21+$0xFFFFFFE0]  }
.Ltmp1:
0x54: {  	[tilespmem:v3+s1+$0x0] =	vst.idx.add.f32.msk $0xffff, v0;
	(pc) =	sbr.rel @p1 .LBB2_3-.Ltmp1, $4  }
0x55: {  	[tilespmem:v1+s1+$0x0] =	vst.idx.add.f32.msk $0xffff, v0  }
0x56: {  	[tilespmem:v2+s1+$0x0] =	vst.idx.add.f32.msk $0xffff, v0;
	v1 =	vmov v6  }
0x57: {  	[tilespmem:v4+s1+$0x0] =	vst.idx.add.f32.msk $0xffff, v0;
	v2 =	vmov v7  }
0x58: {  	s21 =	sadd.s32 $0x50, s21;
	[tilespmem:v5+s1+$0x0] =	vst.idx.add.f32.msk $0xffff, v0;
	v3 =	vmov v8  }
0x59: {  	_ =	sdelay $0x3  }
0x5a: {  	[tilespmem:v3+s1+$0x0] =	vst.idx.add.f32.msk $0xffff, v0  }
0x5b: {  	[tilespmem:v1+s1+$0x0] =	vst.idx.add.f32.msk $0xffff, v0  }
0x5c: {  	[tilespmem:v2+s1+$0x0] =	vst.idx.add.f32.msk $0xffff, v0;
	s21 =	simm.s32 $0x0;
	s2 =	simm.s32 $0x4000;
	s22 =	simm.s32 $0xA  }
0x5d: {  	[tilespmem:s2], [sflag:$0x9] =	stream.linear.gather [hbm4b:s4+s21], $0xFA0, $0x200038;
	[tilespmem:$0x1C980] =	vst v63  }
0x5e: {  	_ =	swait.ge [sflag:s22], $0xFA0  }
0x5f: {  	[sflag:s22] =	ssyncset.done $0x0  }
0x60: {  	s24 =	simm.s32 $0x5020;
	[sflag:s22] =	ssyncadd.s32 $0xFFFFF060  }
0x61: {  	v4 =	vld [tilespmem:s24+$0x20]  }
0x62: {  	v5 =	vld [tilespmem:s24+$0xFFFFFFF0];
	_ =	sdelay $0x3  }
0x63: {  	v1 =	vld [tilespmem:s24+$0x0]  }
0x64: {  	v2 =	vld [tilespmem:s24+$0x10]  }
0x65: {  	v0 =	vimm.f32 $1.000000000e+00;
	s1 =	simm.s32 $0x10000;
	v3 =	vld [tilespmem:s24+$0xFFFFFFE0]  }
0x66: {  	[tilespmem:v4+s1+$0x0] =	vst.idx.add.f32.msk $0xffff, v0  }
0x67: {  	s2 =	simm.s32 $0x0;
	s21 =	simm.s32 $0x5070;
	[tilespmem:v5+s1+$0x0] =	vst.idx.add.f32.msk $0xffff, v0  }
.LBB2_5:
0x68: {  	v4 =	vld [tilespmem:s21+$0x20];
	s2 =	sadd.s32 $0x5, s2  }
0x69: {  	v5 =	vld [tilespmem:s21+$0xFFFFFFF0];
	p1 =	slt.u32 s2, $0xF5  }
0x6a: {  	v6 =	vld [tilespmem:s21+$0x0]  }
0x6b: {  	v7 =	vld [tilespmem:s21+$0x10]  }
0x6c: {  	v8 =	vld [tilespmem:s21+$0xFFFFFFE0]  }
.Ltmp2:
0x6d: {  	[tilespmem:v3+s1+$0x0] =	vst.idx.add.f32.msk $0xffff, v0;
	(pc) =	sbr.rel @p1 .LBB2_5-.Ltmp2, $4  }
0x6e: {  	[tilespmem:v1+s1+$0x0] =	vst.idx.add.f32.msk $0xffff, v0  }
0x6f: {  	[tilespmem:v2+s1+$0x0] =	vst.idx.add.f32.msk $0xffff, v0;
	v1 =	vmov v6  }
0x70: {  	[tilespmem:v4+s1+$0x0] =	vst.idx.add.f32.msk $0xffff, v0;
	v2 =	vmov v7  }
0x71: {  	s21 =	sadd.s32 $0x50, s21;
	[tilespmem:v5+s1+$0x0] =	vst.idx.add.f32.msk $0xffff, v0;
	v3 =	vmov v8  }
0x72: {  	_ =	sdelay $0x3  }
0x73: {  	[tilespmem:v3+s1+$0x0] =	vst.idx.add.f32.msk $0xffff, v0  }
0x74: {  	[tilespmem:v1+s1+$0x0] =	vst.idx.add.f32.msk $0xffff, v0  }
0x75: {  	[tilespmem:v2+s1+$0x0] =	vst.idx.add.f32.msk $0xffff, v0;
	s24 =	simm.s32 $0x8  }
0x76: {  	_ =	swait.ge [sflag:s24], $0xFA0  }
0x77: {  	[sflag:s24] =	ssyncset.done $0x0  }
0x78: {  	s2 =	simm.s32 $0x3020;
	[sflag:s24] =	ssyncadd.s32 $0xFFFFF060  }
0x79: {  	v4 =	vld [tilespmem:s2+$0x20]  }
0x7a: {  	v5 =	vld [tilespmem:s2+$0xFFFFFFF0];
	_ =	sdelay $0x3  }
0x7b: {  	v1 =	vld [tilespmem:s2+$0x0]  }
0x7c: {  	v2 =	vld [tilespmem:s2+$0x10]  }
0x7d: {  	v0 =	vimm.f32 $1.000000000e+00;
	s1 =	simm.s32 $0x10000;
	v3 =	vld [tilespmem:s2+$0xFFFFFFE0]  }
0x7e: {  	[tilespmem:v4+s1+$0x0] =	vst.idx.add.f32.msk $0xffff, v0  }
0x7f: {  	s15 =	smov.u32 s5;
	s21 =	simm.s32 $0x3070;
	s2 =	simm.s32 $0x0;
	[tilespmem:v5+s1+$0x0] =	vst.idx.add.f32.msk $0xffff, v0  }
.LBB2_7:
0x80: {  	v4 =	vld [tilespmem:s21+$0x20];
	s2 =	sadd.s32 $0x5, s2  }
0x81: {  	v5 =	vld [tilespmem:s21+$0xFFFFFFF0];
	p1 =	slt.u32 s2, $0xF5  }
0x82: {  	v6 =	vld [tilespmem:s21+$0x0]  }
0x83: {  	v7 =	vld [tilespmem:s21+$0x10]  }
0x84: {  	v8 =	vld [tilespmem:s21+$0xFFFFFFE0]  }
.Ltmp3:
0x85: {  	[tilespmem:v3+s1+$0x0] =	vst.idx.add.f32.msk $0xffff, v0;
	(pc) =	sbr.rel @p1 .LBB2_7-.Ltmp3, $4  }
0x86: {  	[tilespmem:v1+s1+$0x0] =	vst.idx.add.f32.msk $0xffff, v0  }
0x87: {  	[tilespmem:v2+s1+$0x0] =	vst.idx.add.f32.msk $0xffff, v0;
	v1 =	vmov v6  }
0x88: {  	[tilespmem:v4+s1+$0x0] =	vst.idx.add.f32.msk $0xffff, v0;
	v2 =	vmov v7  }
0x89: {  	s21 =	sadd.s32 $0x50, s21;
	[tilespmem:v5+s1+$0x0] =	vst.idx.add.f32.msk $0xffff, v0;
	v3 =	vmov v8  }
0x8a: {  	_ =	sdelay $0x3  }
0x8b: {  	[tilespmem:v3+s1+$0x0] =	vst.idx.add.f32.msk $0xffff, v0  }
0x8c: {  	[tilespmem:v1+s1+$0x0] =	vst.idx.add.f32.msk $0xffff, v0  }
0x8d: {  	[tilespmem:v2+s1+$0x0] =	vst.idx.add.f32.msk $0xffff, v0;
	s24 =	simm.s32 $0x9  }
0x8e: {  	_ =	swait.ge [sflag:s24], $0xFA0  }
0x8f: {  	[sflag:s24] =	ssyncset.done $0x0  }
0x90: {  	s2 =	simm.s32 $0x4020;
	[sflag:s24] =	ssyncadd.s32 $0xFFFFF060  }
0x91: {  	v4 =	vld [tilespmem:s2+$0x20]  }
0x92: {  	v5 =	vld [tilespmem:s2+$0xFFFFFFF0];
	_ =	sdelay $0x3  }
0x93: {  	v1 =	vld [tilespmem:s2+$0x0]  }
0x94: {  	v2 =	vld [tilespmem:s2+$0x10]  }
0x95: {  	v0 =	vimm.f32 $1.000000000e+00;
	s1 =	simm.s32 $0x10000;
	v3 =	vld [tilespmem:s2+$0xFFFFFFE0]  }
0x96: {  	[tilespmem:v4+s1+$0x0] =	vst.idx.add.f32.msk $0xffff, v0  }
0x97: {  	s21 =	simm.s32 $0x4070;
	s2 =	simm.s32 $0x0;
	[tilespmem:v5+s1+$0x0] =	vst.idx.add.f32.msk $0xffff, v0  }
.LBB2_9:
0x98: {  	v4 =	vld [tilespmem:s21+$0x20];
	s2 =	sadd.s32 $0x5, s2  }
0x99: {  	v5 =	vld [tilespmem:s21+$0xFFFFFFF0];
	p1 =	slt.u32 s2, $0xF5  }
0x9a: {  	v6 =	vld [tilespmem:s21+$0x0]  }
0x9b: {  	v7 =	vld [tilespmem:s21+$0x10]  }
0x9c: {  	v8 =	vld [tilespmem:s21+$0xFFFFFFE0]  }
.Ltmp4:
0x9d: {  	[tilespmem:v3+s1+$0x0] =	vst.idx.add.f32.msk $0xffff, v0;
	(pc) =	sbr.rel @p1 .LBB2_9-.Ltmp4, $4  }
0x9e: {  	[tilespmem:v1+s1+$0x0] =	vst.idx.add.f32.msk $0xffff, v0  }
0x9f: {  	[tilespmem:v2+s1+$0x0] =	vst.idx.add.f32.msk $0xffff, v0;
	v1 =	vmov v6  }
0xa0: {  	[tilespmem:v4+s1+$0x0] =	vst.idx.add.f32.msk $0xffff, v0;
	v2 =	vmov v7  }
0xa1: {  	s21 =	sadd.s32 $0x50, s21;
	[tilespmem:v5+s1+$0x0] =	vst.idx.add.f32.msk $0xffff, v0;
	v3 =	vmov v8  }
0xa2: {  	_ =	sdelay $0x3  }
0xa3: {  	[tilespmem:v3+s1+$0x0] =	vst.idx.add.f32.msk $0xffff, v0  }
0xa4: {  	[tilespmem:v1+s1+$0x0] =	vst.idx.add.f32.msk $0xffff, v0  }
0xa5: {  	[tilespmem:v2+s1+$0x0] =	vst.idx.add.f32.msk $0xffff, v0  }
0xa6: {  	s5 =	simm.s32 $0x1;
	_ =	strace $0x90000049  }
0xa7: {  	s2 =	simm.s32 $0x1B280;
	s21 =	simm.s32 $0x10000;
	_ =	strace $0x8000004A  }
0xa8: {  	[spmem:s23] =	stream.indirect.scatter.add.f32 [tilespmem:s21], [sflag:$0xB], $0x2800, s2, s5, $0x2000b8;
	[tilespmem:$0x1C980] =	vst v63  }
0xa9: {  	s13 =	smov.u32 s23;
	s23 =	simm.s32 $0xB  }
0xaa: {  	_ =	swait.ge [sflag:s23], $0x2800  }
0xab: {  	[sflag:s23] =	ssyncset.done $0x0  }
0xac: {  	[sflag:s23] =	ssyncadd.s32 $0xFFFFD800  }
0xad: {  	s22 =	simm.s32 $0x0;
	_ =	strace $0x9000004A  }
0xae: {  	[tilespmem:s21], [sflag:$0x2] =	stream.linear.gather [hbm4b:s17+s22], $0xA000, $0x38;
	[tilespmem:$0x1C980] =	vst v63  }
0xaf: {  	[bflag:$0x0] =	sbarrier.arrive $0xFFFF  }
0xb0: {  	s24 =	simm.s32 $0x1AC80;
	_ =	strace $0x8000004B;
	[dreg:$0x7] =	wrdreg s3  }
0xb1: {  	[tilespmem:s24], [sflag:$0xB] =	stream.linear.gather [spmem:s3], $0x280, $0x200038;
	[tilespmem:$0x1C980] =	vst v63  }
0xb2: {  	_ =	swait.ge [sflag:s23], $0x280  }
0xb3: {  	[sflag:s23] =	ssyncset.done $0x0  }
0xb4: {  	[sflag:s23] =	ssyncadd.s32 $0xFFFFFD80  }
0xb5: {  	_ =	strace $0x9000004B  }
0xb6: {  	_ =	strace $0x8000004C  }
0xb7: {  	_ =	swait.ge [sflag:s5], $0xA000  }
0xb8: {  	[sflag:s5] =	ssyncset.done $0x0  }
0xb9: {  	[sflag:s5] =	ssyncadd.s32 $0xFFFF6000;
	s5 =	simm.s32 $0x3  }
0xba: {  	_ =	swait.ge [sflag:s5], $0x100  }
0xbb: {  	[sflag:s5] =	ssyncset.done $0x0  }
0xbc: {  	[sflag:s5] =	ssyncadd.s32 $0xFFFFFF00  }
0xbd: {  	_ =	strace $0x9000004C  }
0xbe: {  	s21 =	sand.u32 $0x3F0, s22;
	_ =	strace $0x8000004D  }
0xbf: {  	v0 =	vld [tilespmem:s21+$0x1AC80];
	_ =	sdelay $0x4  }
0xc0: {  	v0 =	vadd.f32 $1.000000000e+00, v0;
	_ =	sdelay $0x1  }
0xc1: {  	v1 =	vshra.s32 v0, $0x1;
	v0 =	vmul.f32 $5.000000000e-01, v0  }
0xc2: {  	v1 =	vsub.s32 $0x5F3759DF, v1  }
0xc3: {  	v2 =	vmul.f32 v1, v0;
	_ =	sdelay $0x1  }
0xc4: {  	v2 =	vmul.f32 v1, v2;
	_ =	sdelay $0x1  }
0xc5: {  	v2 =	vsub.f32 $1.500000000e+00, v2;
	_ =	sdelay $0x1  }
0xc6: {  	v1 =	vmul.f32 v1, v2;
	_ =	sdelay $0x1  }
0xc7: {  	v2 =	vmul.f32 v1, v0;
	_ =	sdelay $0x1  }
0xc8: {  	v2 =	vmul.f32 v2, v1;
	_ =	sdelay $0x1  }
0xc9: {  	v2 =	vsub.f32 $1.500000000e+00, v2;
	_ =	sdelay $0x1  }
0xca: {  	v1 =	vmul.f32 v2, v1;
	_ =	sdelay $0x1  }
0xcb: {  	v0 =	vmul.f32 v1, v0;
	_ =	sdelay $0x1  }
0xcc: {  	v0 =	vmul.f32 v0, v1;
	_ =	sdelay $0x1  }
0xcd: {  	v0 =	vsub.f32 $1.500000000e+00, v0;
	_ =	sdelay $0x1  }
0xce: {  	s2 =	sadd.s32 $0x0, s16;
	v0 =	vmul.f32 v0, v1  }
0xcf: {  	s1 =	simm.s32 $0x1AF00;
	s23 =	sand.u32 $0x7F80, s2;
	s21 =	sand.u32 $0x70, s22  }
0xd0: {  	s22 =	sor.u32 s21, s23;
	[tilespmem:s1+$0x0] =	vst v0  }
0xd1: {  	v1 =	vld [tilespmem:s22+$0x6000];
	_ =	sdelay $0x4  }
0xd2: {  	s24 =	sadd.s32 $0x2800, s2;
	v1 =	vmul.f32 v0, v1  }
0xd3: {  	s23 =	sand.u32 $0xFF80, s24  }
0xd4: {  	s3 =	sor.u32 s21, s23;
	[tilespmem:s22+$0x6000] =	vst v1  }
0xd5: {  	v1 =	vld [tilespmem:s3+$0x6000];
	_ =	sdelay $0x4  }
0xd6: {  	s5 =	sadd.s32 $0x5000, s2;
	v1 =	vmul.f32 v0, v1  }
0xd7: {  	s23 =	sand.u32 $0x1FF80, s5  }
0xd8: {  	s24 =	sor.u32 s21, s23;
	[tilespmem:s3+$0x6000] =	vst v1  }
0xd9: {  	v1 =	vld [tilespmem:s24+$0x6000];
	_ =	sdelay $0x4  }
0xda: {  	s2 =	sadd.s32 $0x7800, s2;
	v1 =	vmul.f32 v0, v1  }
0xdb: {  	s2 =	sand.u32 $0x1FF80, s2  }
0xdc: {  	s22 =	sor.u32 s21, s2;
	[tilespmem:s24+$0x6000] =	vst v1  }
0xdd: {  	v1 =	vld [tilespmem:s22+$0x6000];
	_ =	sdelay $0x4  }
0xde: {  	s2 =	simm.s32 $0x10;
	s21 =	simm.s32 $0x20;
	v0 =	vmul.f32 v0, v1  }
.LBB2_11:
0xdf: {  	s24 =	sand.u32 $0x3F0, s2  }
0xe0: {  	s1 =	sadd.s32 $0x10, s1;
	s23 =	sadd.s32 $0x10, s21;
	[tilespmem:s22+$0x6000] =	vst v0;
	s22 =	smov.u32 s21  }
0xe1: {  	p1 =	sne.s32 s21, $0x270;
	v0 =	vld [tilespmem:s24+$0x1AC80];
	_ =	sdelay $0x4  }
0xe2: {  	v0 =	vadd.f32 $1.000000000e+00, v0;
	_ =	sdelay $0x1  }
0xe3: {  	v1 =	vshra.s32 v0, $0x1;
	v0 =	vmul.f32 $5.000000000e-01, v0  }
0xe4: {  	v1 =	vsub.s32 $0x5F3759DF, v1  }
0xe5: {  	v2 =	vmul.f32 v1, v0;
	_ =	sdelay $0x1  }
0xe6: {  	v2 =	vmul.f32 v1, v2;
	_ =	sdelay $0x1  }
0xe7: {  	v2 =	vsub.f32 $1.500000000e+00, v2;
	_ =	sdelay $0x1  }
0xe8: {  	v1 =	vmul.f32 v1, v2;
	_ =	sdelay $0x1  }
0xe9: {  	v2 =	vmul.f32 v1, v0;
	_ =	sdelay $0x1  }
0xea: {  	v2 =	vmul.f32 v2, v1;
	_ =	sdelay $0x1  }
0xeb: {  	v2 =	vsub.f32 $1.500000000e+00, v2;
	_ =	sdelay $0x1  }
0xec: {  	v1 =	vmul.f32 v2, v1;
	_ =	sdelay $0x1  }
0xed: {  	v0 =	vmul.f32 v1, v0;
	_ =	sdelay $0x1  }
0xee: {  	v0 =	vmul.f32 v0, v1;
	_ =	sdelay $0x1  }
0xef: {  	v0 =	vsub.f32 $1.500000000e+00, v0;
	_ =	sdelay $0x1  }
0xf0: {  	s21 =	sand.u32 $0x70, s2;
	s24 =	sadd.s32 s2, s16;
	s2 =	smov.u32 s22;
	v0 =	vmul.f32 v0, v1  }
0xf1: {  	s22 =	sand.u32 $0x7F80, s24;
	s3 =	sadd.s32 $0x2800, s24;
	s5 =	sadd.s32 $0x5000, s24  }
0xf2: {  	s22 =	sor.u32 s21, s22;
	s3 =	sand.u32 $0xFF80, s3;
	s5 =	sand.u32 $0x1FF80, s5;
	[tilespmem:s1+$0x0] =	vst v0  }
0xf3: {  	s24 =	sadd.s32 $0x7800, s24;
	v1 =	vld [tilespmem:s22+$0x6000]  }
0xf4: {  	s24 =	sand.u32 $0x1FF80, s24;
	_ =	sdelay $0x3  }
0xf5: {  	v1 =	vmul.f32 v0, v1;
	_ =	sdelay $0x1  }
0xf6: {  	s3 =	sor.u32 s21, s3;
	[tilespmem:s22+$0x6000] =	vst v1  }
0xf7: {  	v1 =	vld [tilespmem:s3+$0x6000];
	_ =	sdelay $0x4  }
0xf8: {  	v1 =	vmul.f32 v0, v1;
	_ =	sdelay $0x1  }
0xf9: {  	[tilespmem:s3+$0x6000] =	vst v1;
	s3 =	sor.u32 s21, s5  }
0xfa: {  	v1 =	vld [tilespmem:s3+$0x6000];
	_ =	sdelay $0x4  }
0xfb: {  	v1 =	vmul.f32 v0, v1;
	_ =	sdelay $0x1  }
0xfc: {  	s22 =	sor.u32 s21, s24;
	[tilespmem:s3+$0x6000] =	vst v1  }
0xfd: {  	v1 =	vld [tilespmem:s22+$0x6000]  }
.Ltmp5:
0xfe: {  	(pc) =	sbr.rel @p1 .LBB2_11-.Ltmp5, $2  }
0xff: {  	_ =	sdelay $0x2  }
0x100: {  	s21 =	smov.u32 s23;
	v0 =	vmul.f32 v0, v1  }
0x101: {  	_ = 	snop  }
0x102: {  	s3 =	sand.u32 $0x3F0, s2;
	[tilespmem:s22+$0x6000] =	vst v0  }
0x103: {  	v0 =	vld [tilespmem:s3+$0x1AC80];
	_ =	sdelay $0x4  }
0x104: {  	v0 =	vadd.f32 $1.000000000e+00, v0;
	_ =	sdelay $0x1  }
0x105: {  	v1 =	vshra.s32 v0, $0x1;
	v0 =	vmul.f32 $5.000000000e-01, v0  }
0x106: {  	v1 =	vsub.s32 $0x5F3759DF, v1  }
0x107: {  	v2 =	vmul.f32 v1, v0;
	_ =	sdelay $0x1  }
0x108: {  	v2 =	vmul.f32 v1, v2;
	_ =	sdelay $0x1  }
0x109: {  	v2 =	vsub.f32 $1.500000000e+00, v2;
	_ =	sdelay $0x1  }
0x10a: {  	v1 =	vmul.f32 v1, v2;
	_ =	sdelay $0x1  }
0x10b: {  	v2 =	vmul.f32 v1, v0;
	_ =	sdelay $0x1  }
0x10c: {  	v2 =	vmul.f32 v2, v1;
	_ =	sdelay $0x1  }
0x10d: {  	v2 =	vsub.f32 $1.500000000e+00, v2;
	_ =	sdelay $0x1  }
0x10e: {  	v1 =	vmul.f32 v2, v1;
	_ =	sdelay $0x1  }
0x10f: {  	v0 =	vmul.f32 v1, v0;
	_ =	sdelay $0x1  }
0x110: {  	v0 =	vmul.f32 v0, v1;
	_ =	sdelay $0x1  }
0x111: {  	v0 =	vsub.f32 $1.500000000e+00, v0;
	_ =	sdelay $0x1  }
0x112: {  	s3 =	sadd.s32 s2, s16;
	v0 =	vmul.f32 v0, v1  }
0x113: {  	s1 =	sadd.s32 $0x10, s1;
	s2 =	sand.u32 $0x70, s2;
	s5 =	sand.u32 $0x7F80, s3  }
0x114: {  	s23 =	sor.u32 s2, s5;
	[tilespmem:s1+$0x0] =	vst v0  }
0x115: {  	v1 =	vld [tilespmem:s23+$0x6000];
	_ =	sdelay $0x4  }
0x116: {  	s24 =	sadd.s32 $0x2800, s3;
	v1 =	vmul.f32 v0, v1  }
0x117: {  	s5 =	sand.u32 $0xFF80, s24  }
0x118: {  	s21 =	sor.u32 s2, s5;
	[tilespmem:s23+$0x6000] =	vst v1  }
0x119: {  	v1 =	vld [tilespmem:s21+$0x6000];
	_ =	sdelay $0x4  }
0x11a: {  	s22 =	sadd.s32 $0x5000, s3;
	v1 =	vmul.f32 v0, v1  }
0x11b: {  	s5 =	sand.u32 $0x1FF80, s22  }
0x11c: {  	s23 =	sor.u32 s2, s5;
	[tilespmem:s21+$0x6000] =	vst v1  }
0x11d: {  	v1 =	vld [tilespmem:s23+$0x6000];
	_ =	sdelay $0x4  }
0x11e: {  	s3 =	sadd.s32 $0x7800, s3;
	v1 =	vmul.f32 v0, v1  }
0x11f: {  	s3 =	sand.u32 $0x1FF80, s3  }
0x120: {  	s24 =	sor.u32 s2, s3;
	[tilespmem:s23+$0x6000] =	vst v1  }
0x121: {  	v1 =	vld [tilespmem:s24+$0x6000];
	_ =	sdelay $0x4  }
0x122: {  	v0 =	vmul.f32 v0, v1;
	_ =	sdelay $0x1  }
0x123: {  	[tilespmem:s24+$0x6000] =	vst v0  }
0x124: {  	_ =	strace $0x9000004D  }
0x125: {  	_ =	strace $0x8000004E  }
0x126: {  	s3 =	simm.s32 $0xB;
	s2 =	rddreg [dreg:$0x8]  }
0x127: {  	[spmem:s2] =	stream.linear.scatter [tilespmem:s0], [sflag:$0xB], $0x280, $0x200038;
	[tilespmem:$0x1C980] =	vst v63  }
0x128: {  	_ =	swait.ge [sflag:s3], $0x280  }
0x129: {  	[sflag:s3] =	ssyncset.done $0x0  }
0x12a: {  	[sflag:s3] =	ssyncadd.s32 $0xFFFFFD80  }
0x12b: {  	[spmem:s26] =	stream.linear.scatter [tilespmem:s31], [sflag:$0xB], $0x280, $0x200038;
	[tilespmem:$0x1C980] =	vst v63  }
0x12c: {  	_ =	swait.ge [sflag:s3], $0x280  }
0x12d: {  	[sflag:s3] =	ssyncset.done $0x0  }
0x12e: {  	[sflag:s3] =	ssyncadd.s32 $0xFFFFFD80  }
0x12f: {  	[spmem:s25] =	stream.linear.scatter [tilespmem:s30], [sflag:$0xB], $0x280, $0x200038;
	[tilespmem:$0x1C980] =	vst v63  }
0x130: {  	_ =	swait.ge [sflag:s3], $0x280  }
0x131: {  	[sflag:s3] =	ssyncset.done $0x0  }
0x132: {  	[sflag:s3] =	ssyncadd.s32 $0xFFFFFD80  }
0x133: {  	[spmem:s28] =	stream.linear.scatter [tilespmem:s29], [sflag:$0xB], $0x280, $0x200038;
	[tilespmem:$0x1C980] =	vst v63  }
0x134: {  	_ =	swait.ge [sflag:s3], $0x280  }
0x135: {  	[sflag:s3] =	ssyncset.done $0x0  }
0x136: {  	[sflag:s3] =	ssyncadd.s32 $0xFFFFFD80  }
0x137: {  	_ =	strace $0x9000004E  }
0x138: {  	_ =	strace $0x8000004F  }
0x139: {  	[bflag:$0x0] =	sbarrier.arrive $0xFFFF  }
0x13a: {  	_ =	strace $0x9000004F  }
0x13b: {  	s0 =	simm.s32 $0x6000;
	_ =	strace $0x80000050  }
0x13c: {  	[tilespmem:s0], [sflag:$0xB] =	stream.linear.gather [spmem:s8], $0xA000, $0x200038;
	[tilespmem:$0x1C980] =	vst v63  }
0x13d: {  	_ =	swait.ge [sflag:s3], $0xA000  }
0x13e: {  	[sflag:s3] =	ssyncset.done $0x0  }
0x13f: {  	[sflag:s3] =	ssyncadd.s32 $0xFFFF6000  }
0x140: {  	s5 =	simm.s32 $0x2;
	_ =	strace $0x90000050  }
0x141: {  	_ =	swait.ge [sflag:s5], $0xA000  }
0x142: {  	[sflag:s5] =	ssyncset.done $0x0  }
0x143: {  	[sflag:s5] =	ssyncadd.s32 $0xFFFF6000  }
0x144: {  	s22 =	simm.s32 $0x3000;
	s21 =	simm.s32 $0x0;
	_ =	strace $0x80000051  }
0x145: {  	[tilespmem:s22], [sflag:$0x8] =	stream.linear.gather [hbm4b:s9+s21], $0xFA0, $0x200038;
	[tilespmem:$0x1C980] =	vst v63  }
0x146: {  	_ = 	snop  }
0x147: {  	[tilespmem:s21], [sflag:$0x5] =	stream.linear.gather [hbm4b:s19+s21], $0xFA0, $0x200038;
	[tilespmem:$0x1C980] =	vst v63  }
0x148: {  	s23 =	simm.s32 $0x4000  }
0x149: {  	[tilespmem:s23], [sflag:$0x9] =	stream.linear.gather [hbm4b:s11+s21], $0xFA0, $0x200038;
	[tilespmem:$0x1C980] =	vst v63  }
0x14a: {  	s24 =	simm.s32 $0x1000  }
0x14b: {  	[tilespmem:s24], [sflag:$0x6] =	stream.linear.gather [hbm4b:s15+s21], $0xFA0, $0x200038;
	[tilespmem:$0x1C980] =	vst v63  }
0x14c: {  	s25 =	simm.s32 $0x5000  }
0x14d: {  	[tilespmem:s25], [sflag:$0xA] =	stream.linear.gather [hbm4b:s10+s21], $0xFA0, $0x200038;
	[tilespmem:$0x1C980] =	vst v63  }
0x14e: {  	s26 =	simm.s32 $0x2000;
	s29 =	simm.s32 $0x5  }
0x14f: {  	[tilespmem:s26], [sflag:$0x7] =	stream.linear.gather [hbm4b:s14+s21], $0xFA0, $0x200038;
	[tilespmem:$0x1C980] =	vst v63  }
0x150: {  	_ =	swait.ge [sflag:s29], $0xFA0  }
0x151: {  	[sflag:s29] =	ssyncset.done $0x0  }
0x152: {  	s30 =	simm.s32 $0x8;
	[sflag:s29] =	ssyncadd.s32 $0xFFFFF060  }
0x153: {  	_ =	swait.ge [sflag:s30], $0xFA0  }
0x154: {  	[sflag:s30] =	ssyncset.done $0x0  }
0x155: {  	s31 =	simm.s32 $0x20;
	[sflag:s30] =	ssyncadd.s32 $0xFFFFF060  }
0x156: {  	v0 =	vld [tilespmem:s31+$0x10]  }
0x157: {  	v2 =	vld [tilespmem:s31+$0xFFFFFFE0]  }
0x158: {  	v1 =	vld [tilespmem:s31+$0xFFFFFFF0];
	_ =	sdelay $0x1  }
0x159: {  	s25 =	simm.s32 $0x3020;
	v4 =	vld [tilespmem:s31+$0x0]  }
0x15a: {  	v3 =	vld [tilespmem:s25+$0x10]  }
0x15b: {  	v6 =	vld [tilespmem:s25+$0xFFFFFFE0]  }
0x15c: {  	v9 =	vld [tilespmem:s25+$0xFFFFFFF0]  }
0x15d: {  	v5 =	vld.idx.msk [tilespmem:v0+s0+$0x0], $0xffff  }
0x15e: {  	v10 =	vld.idx.msk [tilespmem:v2+s0+$0x0], $0xffff  }
0x15f: {  	v7 =	vld.idx.msk [tilespmem:v1+s0+$0x0], $0xffff  }
0x160: {  	v12 =	vld [tilespmem:s25+$0x0];
	v8 =	vadd.s32 $0x2800, v0  }
0x161: {  	s26 =	simm.s32 $0x10000;
	v11 =	vadd.s32 $0x2800, v2;
	v13 =	vld.idx.msk [tilespmem:v4+s0+$0x0], $0xffff  }
0x162: {  	v57 =	vadd.s32 $0x2800, v1;
	[tilespmem:v3+s26+$0x0] =	vst.idx.add.f32.msk $0xffff, v5  }
0x163: {  	[tilespmem:v6+s26+$0x0] =	vst.idx.add.f32.msk $0xffff, v10  }
0x164: {  	v15 =	vadd.s32 $0x2800, v4;
	[tilespmem:v9+s26+$0x0] =	vst.idx.add.f32.msk $0xffff, v7  }
0x165: {  	v56 =	vadd.s32 $0x2800, v3;
	v5 =	vld.idx.msk [tilespmem:v8+s0+$0x0], $0xffff  }
0x166: {  	v7 =	vadd.s32 $0x2800, v6;
	v11 =	vld.idx.msk [tilespmem:v11+s0+$0x0], $0xffff  }
0x167: {  	v59 =	vadd.s32 $0x2800, v9;
	v10 =	vld.idx.msk [tilespmem:v57+s0+$0x0], $0xffff  }
0x168: {  	v14 =	vadd.s32 $0x5000, v0;
	[tilespmem:v12+s26+$0x0] =	vst.idx.add.f32.msk $0xffff, v13  }
0x169: {  	v16 =	vadd.s32 $0x2800, v12;
	v15 =	vld.idx.msk [tilespmem:v15+s0+$0x0], $0xffff  }
0x16a: {  	v60 =	vadd.s32 $0x5000, v4;
	[tilespmem:v56+s26+$0x0] =	vst.idx.add.f32.msk $0xffff, v5  }
0x16b: {  	v5 =	vadd.s32 $0x5000, v2;
	[tilespmem:v7+s26+$0x0] =	vst.idx.add.f32.msk $0xffff, v11  }
0x16c: {  	v7 =	vadd.s32 $0x5000, v1;
	[tilespmem:v59+s26+$0x0] =	vst.idx.add.f32.msk $0xffff, v10  }
0x16d: {  	v58 =	vadd.s32 $0x5000, v3;
	v8 =	vld.idx.msk [tilespmem:v14+s0+$0x0], $0xffff  }
0x16e: {  	v0 =	vadd.s32 $0x7800, v0;
	[tilespmem:v16+s26+$0x0] =	vst.idx.add.f32.msk $0xffff, v15  }
0x16f: {  	v63 =	vadd.s32 $0x5000, v12;
	v11 =	vld.idx.msk [tilespmem:v60+s0+$0x0], $0xffff  }
0x170: {  	v61 =	vadd.s32 $0x5000, v6;
	v5 =	vld.idx.msk [tilespmem:v5+s0+$0x0], $0xffff  }
0x171: {  	v62 =	vadd.s32 $0x5000, v9;
	v7 =	vld.idx.msk [tilespmem:v7+s0+$0x0], $0xffff  }
0x172: {  	v2 =	vadd.s32 $0x7800, v2;
	[tilespmem:v58+s26+$0x0] =	vst.idx.add.f32.msk $0xffff, v8  }
0x173: {  	v3 =	vadd.s32 $0x7800, v3;
	v0 =	vld.idx.msk [tilespmem:v0+s0+$0x0], $0xffff  }
0x174: {  	[tilespmem:v63+s26+$0x0] =	vst.idx.add.f32.msk $0xffff, v11  }
0x175: {  	[tilespmem:v61+s26+$0x0] =	vst.idx.add.f32.msk $0xffff, v5  }
0x176: {  	[tilespmem:v62+s26+$0x0] =	vst.idx.add.f32.msk $0xffff, v7  }
0x177: {  	v4 =	vadd.s32 $0x7800, v4;
	v5 =	vld.idx.msk [tilespmem:v2+s0+$0x0], $0xffff;
	v2 =	vadd.s32 $0x7800, v12  }
0x178: {  	s1 =	simm.s32 $0x0;
	s2 =	simm.s32 $0x60;
	s28 =	smov.u32 s19;
	[tilespmem:v3+s26+$0x0] =	vst.idx.add.f32.msk $0xffff, v0;
	v3 =	vadd.s32 $0x7800, v1;
	v0 =	vadd.s32 $0x7800, v6;
	v1 =	vadd.s32 $0x7800, v9  }
.LBB2_13:
0x179: {  	v6 =	vld [tilespmem:s2+$0x10];
	s1 =	sadd.s32 $0x4, s1  }
0x17a: {  	v7 =	vld [tilespmem:s2+$0xFFFFFFF0];
	p1 =	slt.u32 s1, $0xF4  }
0x17b: {  	v8 =	vld [tilespmem:s2+$0x0]  }
0x17c: {  	v9 =	vld [tilespmem:s2+$0xFFFFFFE0]  }
0x17d: {  	v10 =	vld.idx.msk [tilespmem:v3+s0+$0x0], $0xffff  }
0x17e: {  	s25 =	sadd.s32 $0x40, s25;
	v11 =	vld.idx.msk [tilespmem:v4+s0+$0x0], $0xffff  }
0x17f: {  	v12 =	vadd.s32 $0x2800, v7;
	v13 =	vadd.s32 $0x5000, v7;
	v3 =	vadd.s32 $0x7800, v7;
	v14 =	vld [tilespmem:s25+$0x10]  }
0x180: {  	v15 =	vld [tilespmem:s25+$0xFFFFFFE0];
	v16 =	vadd.s32 $0x2800, v8;
	v17 =	vadd.s32 $0x5000, v8;
	v4 =	vadd.s32 $0x7800, v8  }
0x181: {  	v18 =	vadd.s32 $0x2800, v9;
	v19 =	vadd.s32 $0x5000, v9;
	v20 =	vadd.s32 $0x7800, v9;
	v21 =	vld.idx.msk [tilespmem:v6+s0+$0x0], $0xffff  }
0x182: {  	v7 =	vld.idx.msk [tilespmem:v7+s0+$0x0], $0xffff  }
0x183: {  	v22 =	vadd.s32 $0x2800, v6;
	v8 =	vld.idx.msk [tilespmem:v8+s0+$0x0], $0xffff  }
0x184: {  	v9 =	vld.idx.msk [tilespmem:v9+s0+$0x0], $0xffff  }
0x185: {  	v23 =	vadd.s32 $0x2800, v15;
	v24 =	vadd.s32 $0x5000, v15;
	v25 =	vadd.s32 $0x7800, v15;
	v26 =	vld [tilespmem:s25+$0xFFFFFFF0]  }
0x186: {  	v27 =	vld [tilespmem:s25+$0x0]  }
0x187: {  	[tilespmem:v14+s26+$0x0] =	vst.idx.add.f32.msk $0xffff, v21  }
0x188: {  	v21 =	vld.idx.msk [tilespmem:v22+s0+$0x0], $0xffff  }
0x189: {  	v22 =	vadd.s32 $0x2800, v14;
	[tilespmem:v0+s26+$0x0] =	vst.idx.add.f32.msk $0xffff, v5;
	v0 =	vmov v25  }
0x18a: {  	[tilespmem:v15+s26+$0x0] =	vst.idx.add.f32.msk $0xffff, v9;
	v5 =	vadd.s32 $0x2800, v26;
	v9 =	vadd.s32 $0x5000, v26;
	v15 =	vadd.s32 $0x5000, v6  }
0x18b: {  	v25 =	vadd.s32 $0x7800, v26;
	v18 =	vld.idx.msk [tilespmem:v18+s0+$0x0], $0xffff;
	v28 =	vadd.s32 $0x2800, v27;
	v29 =	vadd.s32 $0x5000, v27  }
0x18c: {  	v30 =	vadd.s32 $0x7800, v27;
	[tilespmem:v1+s26+$0x0] =	vst.idx.add.f32.msk $0xffff, v10;
	v1 =	vmov v25  }
0x18d: {  	[tilespmem:v26+s26+$0x0] =	vst.idx.add.f32.msk $0xffff, v7  }
0x18e: {  	[tilespmem:v22+s26+$0x0] =	vst.idx.add.f32.msk $0xffff, v21  }
0x18f: {  	v7 =	vld.idx.msk [tilespmem:v15+s0+$0x0], $0xffff  }
0x190: {  	[tilespmem:v27+s26+$0x0] =	vst.idx.add.f32.msk $0xffff, v8;
	v8 =	vadd.s32 $0x5000, v14  }
0x191: {  	v6 =	vadd.s32 $0x7800, v6;
	v10 =	vld.idx.msk [tilespmem:v12+s0+$0x0], $0xffff  }
0x192: {  	v12 =	vld.idx.msk [tilespmem:v16+s0+$0x0], $0xffff  }
0x193: {  	[tilespmem:v23+s26+$0x0] =	vst.idx.add.f32.msk $0xffff, v18  }
0x194: {  	v15 =	vld.idx.msk [tilespmem:v19+s0+$0x0], $0xffff  }
0x195: {  	[tilespmem:v8+s26+$0x0] =	vst.idx.add.f32.msk $0xffff, v7  }
0x196: {  	v6 =	vld.idx.msk [tilespmem:v6+s0+$0x0], $0xffff  }
0x197: {  	[tilespmem:v5+s26+$0x0] =	vst.idx.add.f32.msk $0xffff, v10;
	v5 =	vadd.s32 $0x7800, v14  }
0x198: {  	[tilespmem:v28+s26+$0x0] =	vst.idx.add.f32.msk $0xffff, v12  }
0x199: {  	v7 =	vld.idx.msk [tilespmem:v13+s0+$0x0], $0xffff  }
0x19a: {  	v8 =	vld.idx.msk [tilespmem:v17+s0+$0x0], $0xffff  }
0x19b: {  	[tilespmem:v24+s26+$0x0] =	vst.idx.add.f32.msk $0xffff, v15  }
.Ltmp6:
0x19c: {  	[tilespmem:v5+s26+$0x0] =	vst.idx.add.f32.msk $0xffff, v6;
	(pc) =	sbr.rel @p1 .LBB2_13-.Ltmp6, $4  }
0x19d: {  	v5 =	vld.idx.msk [tilespmem:v20+s0+$0x0], $0xffff  }
0x19e: {  	[tilespmem:v2+s26+$0x0] =	vst.idx.add.f32.msk $0xffff, v11;
	v2 =	vmov v30  }
0x19f: {  	[tilespmem:v9+s26+$0x0] =	vst.idx.add.f32.msk $0xffff, v7  }
0x1a0: {  	s2 =	sadd.s32 $0x40, s2;
	[tilespmem:v29+s26+$0x0] =	vst.idx.add.f32.msk $0xffff, v8  }
0x1a1: {  	_ =	sdelay $0x3  }
0x1a2: {  	v3 =	vld.idx.msk [tilespmem:v3+s0+$0x0], $0xffff  }
0x1a3: {  	v4 =	vld.idx.msk [tilespmem:v4+s0+$0x0], $0xffff;
	_ =	sdelay $0x2  }
0x1a4: {  	[tilespmem:v0+s26+$0x0] =	vst.idx.add.f32.msk $0xffff, v5  }
0x1a5: {  	[tilespmem:v1+s26+$0x0] =	vst.idx.add.f32.msk $0xffff, v3  }
0x1a6: {  	s0 =	simm.s32 $0x0;
	s1 =	simm.s32 $0x6000;
	s2 =	simm.s32 $0x10000;
	[tilespmem:v2+s26+$0x0] =	vst.idx.add.f32.msk $0xffff, v4  }
.LBB2_15:
0x1a7: {  	s3 =	sshra.s32 s0, $0x2  }
0x1a8: {  	v0 =	vld [tilespmem:s3+$0xF80];
	_ =	sdelay $0x4  }
0x1a9: {  	v1 =	vld [tilespmem:s3+$0x3F80];
	_ =	sdelay $0x2  }
0x1aa: {  	v2 =	vld.idx.msk [tilespmem:v0+s1+$0x0], $0xffff  }
0x1ab: {  	v3 =	vadd.s32 $0x2800, v0;
	_ =	sdelay $0x3  }
0x1ac: {  	[tilespmem:v1+s2+$0x0] =	vst.idx.add.f32.msk $0xffff, v2  }
0x1ad: {  	v62 =	vadd.s32 $0x2800, v1;
	v2 =	vld.idx.msk [tilespmem:v3+s1+$0x0], $0xffff  }
0x1ae: {  	v4 =	vadd.s32 $0x5000, v0;
	_ =	sdelay $0x3  }
0x1af: {  	[tilespmem:v62+s2+$0x0] =	vst.idx.add.f32.msk $0xffff, v2  }
0x1b0: {  	v63 =	vadd.s32 $0x5000, v1;
	v2 =	vld.idx.msk [tilespmem:v4+s1+$0x0], $0xffff  }
0x1b1: {  	v0 =	vadd.s32 $0x7800, v0;
	_ =	sdelay $0x3  }
0x1b2: {  	[tilespmem:v63+s2+$0x0] =	vst.idx.add.f32.msk $0xffff, v2  }
0x1b3: {  	p1 =	sne.s32 s0, $0x40;
	v1 =	vadd.s32 $0x7800, v1;
	v0 =	vld.idx.msk [tilespmem:v0+s1+$0x0], $0xffff  }
.Ltmp7:
0x1b4: {  	_ = 	snop;
	(pc) =	sbr.rel @p1 .LBB2_15-.Ltmp7, $2  }
0x1b5: {  	_ =	sdelay $0x2  }
0x1b6: {  	s0 =	sadd.s32 $0x40, s0;
	[tilespmem:v1+s2+$0x0] =	vst.idx.add.f32.msk $0xffff, v0  }
0x1b7: {  	s0 =	simm.s32 $0x0;
	s1 =	simm.s32 $0x3000  }
0x1b8: {  	[tilespmem:s1], [sflag:$0x8] =	stream.linear.gather [hbm4b:s6+s0], $0xFA0, $0x200038;
	[tilespmem:$0x1C980] =	vst v63  }
0x1b9: {  	s29 =	simm.s32 $0x6  }
0x1ba: {  	[tilespmem:s0], [sflag:$0x5] =	stream.linear.gather [hbm4b:s7+s0], $0xFA0, $0x200038;
	[tilespmem:$0x1C980] =	vst v63  }
0x1bb: {  	_ =	swait.ge [sflag:s29], $0xFA0  }
0x1bc: {  	[sflag:s29] =	ssyncset.done $0x0  }
0x1bd: {  	s30 =	simm.s32 $0x9;
	[sflag:s29] =	ssyncadd.s32 $0xFFFFF060  }
0x1be: {  	_ =	swait.ge [sflag:s30], $0xFA0  }
0x1bf: {  	[sflag:s30] =	ssyncset.done $0x0  }
0x1c0: {  	s31 =	simm.s32 $0x1020;
	[sflag:s30] =	ssyncadd.s32 $0xFFFFF060  }
0x1c1: {  	v0 =	vld [tilespmem:s31+$0x10]  }
0x1c2: {  	v2 =	vld [tilespmem:s31+$0xFFFFFFE0]  }
0x1c3: {  	v1 =	vld [tilespmem:s31+$0xFFFFFFF0];
	_ =	sdelay $0x1  }
0x1c4: {  	s0 =	simm.s32 $0x4020;
	v4 =	vld [tilespmem:s31+$0x0]  }
0x1c5: {  	v3 =	vld [tilespmem:s0+$0x10]  }
0x1c6: {  	v6 =	vld [tilespmem:s0+$0xFFFFFFE0]  }
0x1c7: {  	s25 =	simm.s32 $0x6000;
	v9 =	vld [tilespmem:s0+$0xFFFFFFF0]  }
0x1c8: {  	v5 =	vld.idx.msk [tilespmem:v0+s25+$0x0], $0xffff  }
0x1c9: {  	v10 =	vld.idx.msk [tilespmem:v2+s25+$0x0], $0xffff  }
0x1ca: {  	v7 =	vld.idx.msk [tilespmem:v1+s25+$0x0], $0xffff  }
0x1cb: {  	v12 =	vld [tilespmem:s0+$0x0];
	v8 =	vadd.s32 $0x2800, v0  }
0x1cc: {  	s26 =	simm.s32 $0x10000;
	v11 =	vadd.s32 $0x2800, v2;
	v13 =	vld.idx.msk [tilespmem:v4+s25+$0x0], $0xffff  }
0x1cd: {  	v57 =	vadd.s32 $0x2800, v1;
	[tilespmem:v3+s26+$0x0] =	vst.idx.add.f32.msk $0xffff, v5  }
0x1ce: {  	[tilespmem:v6+s26+$0x0] =	vst.idx.add.f32.msk $0xffff, v10  }
0x1cf: {  	v15 =	vadd.s32 $0x2800, v4;
	[tilespmem:v9+s26+$0x0] =	vst.idx.add.f32.msk $0xffff, v7  }
0x1d0: {  	v56 =	vadd.s32 $0x2800, v3;
	v5 =	vld.idx.msk [tilespmem:v8+s25+$0x0], $0xffff  }
0x1d1: {  	v7 =	vadd.s32 $0x2800, v6;
	v11 =	vld.idx.msk [tilespmem:v11+s25+$0x0], $0xffff  }
0x1d2: {  	v59 =	vadd.s32 $0x2800, v9;
	v10 =	vld.idx.msk [tilespmem:v57+s25+$0x0], $0xffff  }
0x1d3: {  	v14 =	vadd.s32 $0x5000, v0;
	[tilespmem:v12+s26+$0x0] =	vst.idx.add.f32.msk $0xffff, v13  }
0x1d4: {  	v16 =	vadd.s32 $0x2800, v12;
	v15 =	vld.idx.msk [tilespmem:v15+s25+$0x0], $0xffff  }
0x1d5: {  	v60 =	vadd.s32 $0x5000, v4;
	[tilespmem:v56+s26+$0x0] =	vst.idx.add.f32.msk $0xffff, v5  }
0x1d6: {  	v5 =	vadd.s32 $0x5000, v2;
	[tilespmem:v7+s26+$0x0] =	vst.idx.add.f32.msk $0xffff, v11  }
0x1d7: {  	v7 =	vadd.s32 $0x5000, v1;
	[tilespmem:v59+s26+$0x0] =	vst.idx.add.f32.msk $0xffff, v10  }
0x1d8: {  	v58 =	vadd.s32 $0x5000, v3;
	v8 =	vld.idx.msk [tilespmem:v14+s25+$0x0], $0xffff  }
0x1d9: {  	v0 =	vadd.s32 $0x7800, v0;
	[tilespmem:v16+s26+$0x0] =	vst.idx.add.f32.msk $0xffff, v15  }
0x1da: {  	v63 =	vadd.s32 $0x5000, v12;
	v11 =	vld.idx.msk [tilespmem:v60+s25+$0x0], $0xffff  }
0x1db: {  	v61 =	vadd.s32 $0x5000, v6;
	v5 =	vld.idx.msk [tilespmem:v5+s25+$0x0], $0xffff  }
0x1dc: {  	v62 =	vadd.s32 $0x5000, v9;
	v7 =	vld.idx.msk [tilespmem:v7+s25+$0x0], $0xffff  }
0x1dd: {  	v2 =	vadd.s32 $0x7800, v2;
	[tilespmem:v58+s26+$0x0] =	vst.idx.add.f32.msk $0xffff, v8  }
0x1de: {  	v3 =	vadd.s32 $0x7800, v3;
	v0 =	vld.idx.msk [tilespmem:v0+s25+$0x0], $0xffff  }
0x1df: {  	[tilespmem:v63+s26+$0x0] =	vst.idx.add.f32.msk $0xffff, v11  }
0x1e0: {  	[tilespmem:v61+s26+$0x0] =	vst.idx.add.f32.msk $0xffff, v5  }
0x1e1: {  	[tilespmem:v62+s26+$0x0] =	vst.idx.add.f32.msk $0xffff, v7  }
0x1e2: {  	v4 =	vadd.s32 $0x7800, v4;
	v5 =	vld.idx.msk [tilespmem:v2+s25+$0x0], $0xffff;
	v2 =	vadd.s32 $0x7800, v12  }
0x1e3: {  	s2 =	simm.s32 $0x1060;
	s1 =	simm.s32 $0x0;
	[tilespmem:v3+s26+$0x0] =	vst.idx.add.f32.msk $0xffff, v0;
	v3 =	vadd.s32 $0x7800, v1;
	v0 =	vadd.s32 $0x7800, v6;
	v1 =	vadd.s32 $0x7800, v9  }
.LBB2_17:
0x1e4: {  	v6 =	vld [tilespmem:s2+$0x10];
	s1 =	sadd.s32 $0x4, s1  }
0x1e5: {  	v7 =	vld [tilespmem:s2+$0xFFFFFFF0];
	p1 =	slt.u32 s1, $0xF4  }
0x1e6: {  	v8 =	vld [tilespmem:s2+$0x0]  }
0x1e7: {  	v9 =	vld [tilespmem:s2+$0xFFFFFFE0]  }
0x1e8: {  	v10 =	vld.idx.msk [tilespmem:v3+s25+$0x0], $0xffff  }
0x1e9: {  	s0 =	sadd.s32 $0x40, s0;
	v11 =	vld.idx.msk [tilespmem:v4+s25+$0x0], $0xffff  }
0x1ea: {  	v12 =	vadd.s32 $0x2800, v7;
	v13 =	vadd.s32 $0x5000, v7;
	v3 =	vadd.s32 $0x7800, v7;
	v14 =	vld [tilespmem:s0+$0x10]  }
0x1eb: {  	v15 =	vld [tilespmem:s0+$0xFFFFFFE0];
	v16 =	vadd.s32 $0x2800, v8;
	v17 =	vadd.s32 $0x5000, v8;
	v4 =	vadd.s32 $0x7800, v8  }
0x1ec: {  	v18 =	vadd.s32 $0x2800, v9;
	v19 =	vadd.s32 $0x5000, v9;
	v20 =	vadd.s32 $0x7800, v9;
	v21 =	vld.idx.msk [tilespmem:v6+s25+$0x0], $0xffff  }
0x1ed: {  	v7 =	vld.idx.msk [tilespmem:v7+s25+$0x0], $0xffff  }
0x1ee: {  	v22 =	vadd.s32 $0x2800, v6;
	v8 =	vld.idx.msk [tilespmem:v8+s25+$0x0], $0xffff  }
0x1ef: {  	v9 =	vld.idx.msk [tilespmem:v9+s25+$0x0], $0xffff  }
0x1f0: {  	v23 =	vadd.s32 $0x2800, v15;
	v24 =	vadd.s32 $0x5000, v15;
	v25 =	vadd.s32 $0x7800, v15;
	v26 =	vld [tilespmem:s0+$0xFFFFFFF0]  }
0x1f1: {  	v27 =	vld [tilespmem:s0+$0x0]  }
0x1f2: {  	[tilespmem:v14+s26+$0x0] =	vst.idx.add.f32.msk $0xffff, v21  }
0x1f3: {  	v21 =	vld.idx.msk [tilespmem:v22+s25+$0x0], $0xffff  }
0x1f4: {  	v22 =	vadd.s32 $0x2800, v14;
	[tilespmem:v0+s26+$0x0] =	vst.idx.add.f32.msk $0xffff, v5;
	v0 =	vmov v25  }
0x1f5: {  	[tilespmem:v15+s26+$0x0] =	vst.idx.add.f32.msk $0xffff, v9;
	v5 =	vadd.s32 $0x2800, v26;
	v9 =	vadd.s32 $0x5000, v26;
	v15 =	vadd.s32 $0x5000, v6  }
0x1f6: {  	v25 =	vadd.s32 $0x7800, v26;
	v18 =	vld.idx.msk [tilespmem:v18+s25+$0x0], $0xffff;
	v28 =	vadd.s32 $0x2800, v27;
	v29 =	vadd.s32 $0x5000, v27  }
0x1f7: {  	v30 =	vadd.s32 $0x7800, v27;
	[tilespmem:v1+s26+$0x0] =	vst.idx.add.f32.msk $0xffff, v10;
	v1 =	vmov v25  }
0x1f8: {  	[tilespmem:v26+s26+$0x0] =	vst.idx.add.f32.msk $0xffff, v7  }
0x1f9: {  	[tilespmem:v22+s26+$0x0] =	vst.idx.add.f32.msk $0xffff, v21  }
0x1fa: {  	v7 =	vld.idx.msk [tilespmem:v15+s25+$0x0], $0xffff  }
0x1fb: {  	[tilespmem:v27+s26+$0x0] =	vst.idx.add.f32.msk $0xffff, v8;
	v8 =	vadd.s32 $0x5000, v14  }
0x1fc: {  	v6 =	vadd.s32 $0x7800, v6;
	v10 =	vld.idx.msk [tilespmem:v12+s25+$0x0], $0xffff  }
0x1fd: {  	v12 =	vld.idx.msk [tilespmem:v16+s25+$0x0], $0xffff  }
0x1fe: {  	[tilespmem:v23+s26+$0x0] =	vst.idx.add.f32.msk $0xffff, v18  }
0x1ff: {  	v15 =	vld.idx.msk [tilespmem:v19+s25+$0x0], $0xffff  }
0x200: {  	[tilespmem:v8+s26+$0x0] =	vst.idx.add.f32.msk $0xffff, v7  }
0x201: {  	v6 =	vld.idx.msk [tilespmem:v6+s25+$0x0], $0xffff  }
0x202: {  	[tilespmem:v5+s26+$0x0] =	vst.idx.add.f32.msk $0xffff, v10;
	v5 =	vadd.s32 $0x7800, v14  }
0x203: {  	[tilespmem:v28+s26+$0x0] =	vst.idx.add.f32.msk $0xffff, v12  }
0x204: {  	v7 =	vld.idx.msk [tilespmem:v13+s25+$0x0], $0xffff  }
0x205: {  	v8 =	vld.idx.msk [tilespmem:v17+s25+$0x0], $0xffff  }
0x206: {  	[tilespmem:v24+s26+$0x0] =	vst.idx.add.f32.msk $0xffff, v15  }
.Ltmp8:
0x207: {  	[tilespmem:v5+s26+$0x0] =	vst.idx.add.f32.msk $0xffff, v6;
	(pc) =	sbr.rel @p1 .LBB2_17-.Ltmp8, $4  }
0x208: {  	v5 =	vld.idx.msk [tilespmem:v20+s25+$0x0], $0xffff  }
0x209: {  	[tilespmem:v2+s26+$0x0] =	vst.idx.add.f32.msk $0xffff, v11;
	v2 =	vmov v30  }
0x20a: {  	[tilespmem:v9+s26+$0x0] =	vst.idx.add.f32.msk $0xffff, v7  }
0x20b: {  	s2 =	sadd.s32 $0x40, s2;
	[tilespmem:v29+s26+$0x0] =	vst.idx.add.f32.msk $0xffff, v8  }
0x20c: {  	_ =	sdelay $0x3  }
0x20d: {  	v3 =	vld.idx.msk [tilespmem:v3+s25+$0x0], $0xffff  }
0x20e: {  	v4 =	vld.idx.msk [tilespmem:v4+s25+$0x0], $0xffff;
	_ =	sdelay $0x2  }
0x20f: {  	[tilespmem:v0+s26+$0x0] =	vst.idx.add.f32.msk $0xffff, v5  }
0x210: {  	[tilespmem:v1+s26+$0x0] =	vst.idx.add.f32.msk $0xffff, v3  }
0x211: {  	s0 =	simm.s32 $0x0;
	s1 =	simm.s32 $0x6000;
	s2 =	simm.s32 $0x10000;
	[tilespmem:v2+s26+$0x0] =	vst.idx.add.f32.msk $0xffff, v4  }
.LBB2_19:
0x212: {  	s3 =	sshra.s32 s0, $0x2  }
0x213: {  	v0 =	vld [tilespmem:s3+$0x1F80];
	_ =	sdelay $0x4  }
0x214: {  	v1 =	vld [tilespmem:s3+$0x4F80];
	_ =	sdelay $0x2  }
0x215: {  	v2 =	vld.idx.msk [tilespmem:v0+s1+$0x0], $0xffff  }
0x216: {  	v3 =	vadd.s32 $0x2800, v0;
	_ =	sdelay $0x3  }
0x217: {  	[tilespmem:v1+s2+$0x0] =	vst.idx.add.f32.msk $0xffff, v2  }
0x218: {  	v62 =	vadd.s32 $0x2800, v1;
	v2 =	vld.idx.msk [tilespmem:v3+s1+$0x0], $0xffff  }
0x219: {  	v4 =	vadd.s32 $0x5000, v0;
	_ =	sdelay $0x3  }
0x21a: {  	[tilespmem:v62+s2+$0x0] =	vst.idx.add.f32.msk $0xffff, v2  }
0x21b: {  	v63 =	vadd.s32 $0x5000, v1;
	v2 =	vld.idx.msk [tilespmem:v4+s1+$0x0], $0xffff  }
0x21c: {  	v0 =	vadd.s32 $0x7800, v0;
	_ =	sdelay $0x3  }
0x21d: {  	[tilespmem:v63+s2+$0x0] =	vst.idx.add.f32.msk $0xffff, v2  }
0x21e: {  	p1 =	sne.s32 s0, $0x40;
	v1 =	vadd.s32 $0x7800, v1;
	v0 =	vld.idx.msk [tilespmem:v0+s1+$0x0], $0xffff  }
.Ltmp9:
0x21f: {  	_ = 	snop;
	(pc) =	sbr.rel @p1 .LBB2_19-.Ltmp9, $2  }
0x220: {  	_ =	sdelay $0x2  }
0x221: {  	s0 =	sadd.s32 $0x40, s0;
	[tilespmem:v1+s2+$0x0] =	vst.idx.add.f32.msk $0xffff, v0  }
0x222: {  	s0 =	simm.s32 $0x0;
	s1 =	simm.s32 $0x4000  }
0x223: {  	[tilespmem:s1], [sflag:$0x9] =	stream.linear.gather [hbm4b:s4+s0], $0xFA0, $0x200038;
	[tilespmem:$0x1C980] =	vst v63  }
0x224: {  	s26 =	simm.s32 $0x1000;
	s29 =	simm.s32 $0x7  }
0x225: {  	[tilespmem:s26], [sflag:$0x6] =	stream.linear.gather [hbm4b:s12+s0], $0xFA0, $0x200038;
	[tilespmem:$0x1C980] =	vst v63  }
0x226: {  	_ =	swait.ge [sflag:s29], $0xFA0  }
0x227: {  	[sflag:s29] =	ssyncset.done $0x0  }
0x228: {  	s30 =	simm.s32 $0xA;
	[sflag:s29] =	ssyncadd.s32 $0xFFFFF060  }
0x229: {  	_ =	swait.ge [sflag:s30], $0xFA0  }
0x22a: {  	[sflag:s30] =	ssyncset.done $0x0  }
0x22b: {  	s31 =	simm.s32 $0x2020;
	[sflag:s30] =	ssyncadd.s32 $0xFFFFF060  }
0x22c: {  	v0 =	vld [tilespmem:s31+$0x10]  }
0x22d: {  	v2 =	vld [tilespmem:s31+$0xFFFFFFE0]  }
0x22e: {  	v1 =	vld [tilespmem:s31+$0xFFFFFFF0];
	_ =	sdelay $0x1  }
0x22f: {  	s0 =	simm.s32 $0x5020;
	v4 =	vld [tilespmem:s31+$0x0]  }
0x230: {  	v3 =	vld [tilespmem:s0+$0x10]  }
0x231: {  	v6 =	vld [tilespmem:s0+$0xFFFFFFE0]  }
0x232: {  	s25 =	simm.s32 $0x6000;
	v9 =	vld [tilespmem:s0+$0xFFFFFFF0]  }
0x233: {  	v5 =	vld.idx.msk [tilespmem:v0+s25+$0x0], $0xffff  }
0x234: {  	v10 =	vld.idx.msk [tilespmem:v2+s25+$0x0], $0xffff  }
0x235: {  	v7 =	vld.idx.msk [tilespmem:v1+s25+$0x0], $0xffff  }
0x236: {  	v12 =	vld [tilespmem:s0+$0x0];
	v8 =	vadd.s32 $0x2800, v0  }
0x237: {  	s26 =	simm.s32 $0x10000;
	v11 =	vadd.s32 $0x2800, v2;
	v13 =	vld.idx.msk [tilespmem:v4+s25+$0x0], $0xffff  }
0x238: {  	v57 =	vadd.s32 $0x2800, v1;
	[tilespmem:v3+s26+$0x0] =	vst.idx.add.f32.msk $0xffff, v5  }
0x239: {  	[tilespmem:v6+s26+$0x0] =	vst.idx.add.f32.msk $0xffff, v10  }
0x23a: {  	v15 =	vadd.s32 $0x2800, v4;
	[tilespmem:v9+s26+$0x0] =	vst.idx.add.f32.msk $0xffff, v7  }
0x23b: {  	v56 =	vadd.s32 $0x2800, v3;
	v5 =	vld.idx.msk [tilespmem:v8+s25+$0x0], $0xffff  }
0x23c: {  	v7 =	vadd.s32 $0x2800, v6;
	v11 =	vld.idx.msk [tilespmem:v11+s25+$0x0], $0xffff  }
0x23d: {  	v59 =	vadd.s32 $0x2800, v9;
	v10 =	vld.idx.msk [tilespmem:v57+s25+$0x0], $0xffff  }
0x23e: {  	v14 =	vadd.s32 $0x5000, v0;
	[tilespmem:v12+s26+$0x0] =	vst.idx.add.f32.msk $0xffff, v13  }
0x23f: {  	v16 =	vadd.s32 $0x2800, v12;
	v15 =	vld.idx.msk [tilespmem:v15+s25+$0x0], $0xffff  }
0x240: {  	v60 =	vadd.s32 $0x5000, v4;
	[tilespmem:v56+s26+$0x0] =	vst.idx.add.f32.msk $0xffff, v5  }
0x241: {  	v5 =	vadd.s32 $0x5000, v2;
	[tilespmem:v7+s26+$0x0] =	vst.idx.add.f32.msk $0xffff, v11  }
0x242: {  	v7 =	vadd.s32 $0x5000, v1;
	[tilespmem:v59+s26+$0x0] =	vst.idx.add.f32.msk $0xffff, v10  }
0x243: {  	v58 =	vadd.s32 $0x5000, v3;
	v8 =	vld.idx.msk [tilespmem:v14+s25+$0x0], $0xffff  }
0x244: {  	v0 =	vadd.s32 $0x7800, v0;
	[tilespmem:v16+s26+$0x0] =	vst.idx.add.f32.msk $0xffff, v15  }
0x245: {  	v63 =	vadd.s32 $0x5000, v12;
	v11 =	vld.idx.msk [tilespmem:v60+s25+$0x0], $0xffff  }
0x246: {  	v61 =	vadd.s32 $0x5000, v6;
	v5 =	vld.idx.msk [tilespmem:v5+s25+$0x0], $0xffff  }
0x247: {  	v62 =	vadd.s32 $0x5000, v9;
	v7 =	vld.idx.msk [tilespmem:v7+s25+$0x0], $0xffff  }
0x248: {  	v2 =	vadd.s32 $0x7800, v2;
	[tilespmem:v58+s26+$0x0] =	vst.idx.add.f32.msk $0xffff, v8  }
0x249: {  	v3 =	vadd.s32 $0x7800, v3;
	v0 =	vld.idx.msk [tilespmem:v0+s25+$0x0], $0xffff  }
0x24a: {  	[tilespmem:v63+s26+$0x0] =	vst.idx.add.f32.msk $0xffff, v11  }
0x24b: {  	[tilespmem:v61+s26+$0x0] =	vst.idx.add.f32.msk $0xffff, v5  }
0x24c: {  	[tilespmem:v62+s26+$0x0] =	vst.idx.add.f32.msk $0xffff, v7  }
0x24d: {  	v4 =	vadd.s32 $0x7800, v4;
	v5 =	vld.idx.msk [tilespmem:v2+s25+$0x0], $0xffff;
	v2 =	vadd.s32 $0x7800, v12  }
0x24e: {  	s2 =	simm.s32 $0x2060;
	s1 =	simm.s32 $0x0;
	[tilespmem:v3+s26+$0x0] =	vst.idx.add.f32.msk $0xffff, v0;
	v3 =	vadd.s32 $0x7800, v1;
	v0 =	vadd.s32 $0x7800, v6;
	v1 =	vadd.s32 $0x7800, v9  }
.LBB2_21:
0x24f: {  	v6 =	vld [tilespmem:s2+$0x10];
	s1 =	sadd.s32 $0x4, s1  }
0x250: {  	v7 =	vld [tilespmem:s2+$0xFFFFFFF0];
	p1 =	slt.u32 s1, $0xF4  }
0x251: {  	v8 =	vld [tilespmem:s2+$0x0]  }
0x252: {  	v9 =	vld [tilespmem:s2+$0xFFFFFFE0]  }
0x253: {  	v10 =	vld.idx.msk [tilespmem:v3+s25+$0x0], $0xffff  }
0x254: {  	s0 =	sadd.s32 $0x40, s0;
	v11 =	vld.idx.msk [tilespmem:v4+s25+$0x0], $0xffff  }
0x255: {  	v12 =	vadd.s32 $0x2800, v7;
	v13 =	vadd.s32 $0x5000, v7;
	v3 =	vadd.s32 $0x7800, v7;
	v14 =	vld [tilespmem:s0+$0x10]  }
0x256: {  	v15 =	vld [tilespmem:s0+$0xFFFFFFE0];
	v16 =	vadd.s32 $0x2800, v8;
	v17 =	vadd.s32 $0x5000, v8;
	v4 =	vadd.s32 $0x7800, v8  }
0x257: {  	v18 =	vadd.s32 $0x2800, v9;
	v19 =	vadd.s32 $0x5000, v9;
	v20 =	vadd.s32 $0x7800, v9;
	v21 =	vld.idx.msk [tilespmem:v6+s25+$0x0], $0xffff  }
0x258: {  	v7 =	vld.idx.msk [tilespmem:v7+s25+$0x0], $0xffff  }
0x259: {  	v22 =	vadd.s32 $0x2800, v6;
	v8 =	vld.idx.msk [tilespmem:v8+s25+$0x0], $0xffff  }
0x25a: {  	v9 =	vld.idx.msk [tilespmem:v9+s25+$0x0], $0xffff  }
0x25b: {  	v23 =	vadd.s32 $0x2800, v15;
	v24 =	vadd.s32 $0x5000, v15;
	v25 =	vadd.s32 $0x7800, v15;
	v26 =	vld [tilespmem:s0+$0xFFFFFFF0]  }
0x25c: {  	v27 =	vld [tilespmem:s0+$0x0]  }
0x25d: {  	[tilespmem:v14+s26+$0x0] =	vst.idx.add.f32.msk $0xffff, v21  }
0x25e: {  	v21 =	vld.idx.msk [tilespmem:v22+s25+$0x0], $0xffff  }
0x25f: {  	v22 =	vadd.s32 $0x2800, v14;
	[tilespmem:v0+s26+$0x0] =	vst.idx.add.f32.msk $0xffff, v5;
	v0 =	vmov v25  }
0x260: {  	[tilespmem:v15+s26+$0x0] =	vst.idx.add.f32.msk $0xffff, v9;
	v5 =	vadd.s32 $0x2800, v26;
	v9 =	vadd.s32 $0x5000, v26;
	v15 =	vadd.s32 $0x5000, v6  }
0x261: {  	v25 =	vadd.s32 $0x7800, v26;
	v18 =	vld.idx.msk [tilespmem:v18+s25+$0x0], $0xffff;
	v28 =	vadd.s32 $0x2800, v27;
	v29 =	vadd.s32 $0x5000, v27  }
0x262: {  	v30 =	vadd.s32 $0x7800, v27;
	[tilespmem:v1+s26+$0x0] =	vst.idx.add.f32.msk $0xffff, v10;
	v1 =	vmov v25  }
0x263: {  	[tilespmem:v26+s26+$0x0] =	vst.idx.add.f32.msk $0xffff, v7  }
0x264: {  	[tilespmem:v22+s26+$0x0] =	vst.idx.add.f32.msk $0xffff, v21  }
0x265: {  	v7 =	vld.idx.msk [tilespmem:v15+s25+$0x0], $0xffff  }
0x266: {  	[tilespmem:v27+s26+$0x0] =	vst.idx.add.f32.msk $0xffff, v8;
	v8 =	vadd.s32 $0x5000, v14  }
0x267: {  	v6 =	vadd.s32 $0x7800, v6;
	v10 =	vld.idx.msk [tilespmem:v12+s25+$0x0], $0xffff  }
0x268: {  	v12 =	vld.idx.msk [tilespmem:v16+s25+$0x0], $0xffff  }
0x269: {  	[tilespmem:v23+s26+$0x0] =	vst.idx.add.f32.msk $0xffff, v18  }
0x26a: {  	v15 =	vld.idx.msk [tilespmem:v19+s25+$0x0], $0xffff  }
0x26b: {  	[tilespmem:v8+s26+$0x0] =	vst.idx.add.f32.msk $0xffff, v7  }
0x26c: {  	v6 =	vld.idx.msk [tilespmem:v6+s25+$0x0], $0xffff  }
0x26d: {  	[tilespmem:v5+s26+$0x0] =	vst.idx.add.f32.msk $0xffff, v10;
	v5 =	vadd.s32 $0x7800, v14  }
0x26e: {  	[tilespmem:v28+s26+$0x0] =	vst.idx.add.f32.msk $0xffff, v12  }
0x26f: {  	v7 =	vld.idx.msk [tilespmem:v13+s25+$0x0], $0xffff  }
0x270: {  	v8 =	vld.idx.msk [tilespmem:v17+s25+$0x0], $0xffff  }
0x271: {  	[tilespmem:v24+s26+$0x0] =	vst.idx.add.f32.msk $0xffff, v15  }
.Ltmp10:
0x272: {  	[tilespmem:v5+s26+$0x0] =	vst.idx.add.f32.msk $0xffff, v6;
	(pc) =	sbr.rel @p1 .LBB2_21-.Ltmp10, $4  }
0x273: {  	v5 =	vld.idx.msk [tilespmem:v20+s25+$0x0], $0xffff  }
0x274: {  	[tilespmem:v2+s26+$0x0] =	vst.idx.add.f32.msk $0xffff, v11;
	v2 =	vmov v30  }
0x275: {  	[tilespmem:v9+s26+$0x0] =	vst.idx.add.f32.msk $0xffff, v7  }
0x276: {  	s2 =	sadd.s32 $0x40, s2;
	[tilespmem:v29+s26+$0x0] =	vst.idx.add.f32.msk $0xffff, v8  }
0x277: {  	_ =	sdelay $0x3  }
0x278: {  	v3 =	vld.idx.msk [tilespmem:v3+s25+$0x0], $0xffff  }
0x279: {  	v4 =	vld.idx.msk [tilespmem:v4+s25+$0x0], $0xffff;
	_ =	sdelay $0x2  }
0x27a: {  	[tilespmem:v0+s26+$0x0] =	vst.idx.add.f32.msk $0xffff, v5  }
0x27b: {  	[tilespmem:v1+s26+$0x0] =	vst.idx.add.f32.msk $0xffff, v3  }
0x27c: {  	s0 =	simm.s32 $0x0;
	s1 =	simm.s32 $0x6000;
	s2 =	simm.s32 $0x10000;
	[tilespmem:v2+s26+$0x0] =	vst.idx.add.f32.msk $0xffff, v4  }
.LBB2_23:
0x27d: {  	s3 =	sshra.s32 s0, $0x2  }
0x27e: {  	v0 =	vld [tilespmem:s3+$0x2F80];
	_ =	sdelay $0x4  }
0x27f: {  	v1 =	vld [tilespmem:s3+$0x5F80];
	_ =	sdelay $0x2  }
0x280: {  	v2 =	vld.idx.msk [tilespmem:v0+s1+$0x0], $0xffff  }
0x281: {  	v3 =	vadd.s32 $0x2800, v0;
	_ =	sdelay $0x3  }
0x282: {  	[tilespmem:v1+s2+$0x0] =	vst.idx.add.f32.msk $0xffff, v2  }
0x283: {  	v62 =	vadd.s32 $0x2800, v1;
	v2 =	vld.idx.msk [tilespmem:v3+s1+$0x0], $0xffff  }
0x284: {  	v4 =	vadd.s32 $0x5000, v0;
	_ =	sdelay $0x3  }
0x285: {  	[tilespmem:v62+s2+$0x0] =	vst.idx.add.f32.msk $0xffff, v2  }
0x286: {  	v63 =	vadd.s32 $0x5000, v1;
	v2 =	vld.idx.msk [tilespmem:v4+s1+$0x0], $0xffff  }
0x287: {  	v0 =	vadd.s32 $0x7800, v0;
	_ =	sdelay $0x3  }
0x288: {  	[tilespmem:v63+s2+$0x0] =	vst.idx.add.f32.msk $0xffff, v2  }
0x289: {  	p1 =	sne.s32 s0, $0x40;
	v1 =	vadd.s32 $0x7800, v1;
	v0 =	vld.idx.msk [tilespmem:v0+s1+$0x0], $0xffff  }
.Ltmp11:
0x28a: {  	_ = 	snop;
	(pc) =	sbr.rel @p1 .LBB2_23-.Ltmp11, $2  }
0x28b: {  	_ =	sdelay $0x2  }
0x28c: {  	s0 =	sadd.s32 $0x40, s0;
	[tilespmem:v1+s2+$0x0] =	vst.idx.add.f32.msk $0xffff, v0  }
0x28d: {  	s0 =	simm.s32 $0x5  }
0x28e: {  	_ =	swait.ge [sflag:s0], $0xFA0  }
0x28f: {  	[sflag:s0] =	ssyncset.done $0x0  }
0x290: {  	s31 =	simm.s32 $0x8;
	[sflag:s0] =	ssyncadd.s32 $0xFFFFF060  }
0x291: {  	_ =	swait.ge [sflag:s31], $0xFA0  }
0x292: {  	[sflag:s31] =	ssyncset.done $0x0  }
0x293: {  	s1 =	simm.s32 $0x20;
	[sflag:s31] =	ssyncadd.s32 $0xFFFFF060  }
0x294: {  	v0 =	vld [tilespmem:s1+$0x10]  }
0x295: {  	v2 =	vld [tilespmem:s1+$0xFFFFFFE0]  }
0x296: {  	v1 =	vld [tilespmem:s1+$0xFFFFFFF0];
	_ =	sdelay $0x1  }
0x297: {  	s0 =	simm.s32 $0x3020;
	v4 =	vld [tilespmem:s1+$0x0]  }
0x298: {  	v3 =	vld [tilespmem:s0+$0x10]  }
0x299: {  	v6 =	vld [tilespmem:s0+$0xFFFFFFE0]  }
0x29a: {  	s25 =	simm.s32 $0x6000;
	v9 =	vld [tilespmem:s0+$0xFFFFFFF0]  }
0x29b: {  	v5 =	vld.idx.msk [tilespmem:v0+s25+$0x0], $0xffff  }
0x29c: {  	v10 =	vld.idx.msk [tilespmem:v2+s25+$0x0], $0xffff  }
0x29d: {  	v7 =	vld.idx.msk [tilespmem:v1+s25+$0x0], $0xffff  }
0x29e: {  	v12 =	vld [tilespmem:s0+$0x0];
	v8 =	vadd.s32 $0x2800, v0  }
0x29f: {  	s26 =	simm.s32 $0x10000;
	v11 =	vadd.s32 $0x2800, v2;
	v13 =	vld.idx.msk [tilespmem:v4+s25+$0x0], $0xffff  }
0x2a0: {  	v57 =	vadd.s32 $0x2800, v1;
	[tilespmem:v3+s26+$0x0] =	vst.idx.add.f32.msk $0xffff, v5  }
0x2a1: {  	[tilespmem:v6+s26+$0x0] =	vst.idx.add.f32.msk $0xffff, v10  }
0x2a2: {  	v15 =	vadd.s32 $0x2800, v4;
	[tilespmem:v9+s26+$0x0] =	vst.idx.add.f32.msk $0xffff, v7  }
0x2a3: {  	v56 =	vadd.s32 $0x2800, v3;
	v5 =	vld.idx.msk [tilespmem:v8+s25+$0x0], $0xffff  }
0x2a4: {  	v7 =	vadd.s32 $0x2800, v6;
	v11 =	vld.idx.msk [tilespmem:v11+s25+$0x0], $0xffff  }
0x2a5: {  	v59 =	vadd.s32 $0x2800, v9;
	v10 =	vld.idx.msk [tilespmem:v57+s25+$0x0], $0xffff  }
0x2a6: {  	v14 =	vadd.s32 $0x5000, v0;
	[tilespmem:v12+s26+$0x0] =	vst.idx.add.f32.msk $0xffff, v13  }
0x2a7: {  	v16 =	vadd.s32 $0x2800, v12;
	v15 =	vld.idx.msk [tilespmem:v15+s25+$0x0], $0xffff  }
0x2a8: {  	v60 =	vadd.s32 $0x5000, v4;
	[tilespmem:v56+s26+$0x0] =	vst.idx.add.f32.msk $0xffff, v5  }
0x2a9: {  	v5 =	vadd.s32 $0x5000, v2;
	[tilespmem:v7+s26+$0x0] =	vst.idx.add.f32.msk $0xffff, v11  }
0x2aa: {  	v7 =	vadd.s32 $0x5000, v1;
	[tilespmem:v59+s26+$0x0] =	vst.idx.add.f32.msk $0xffff, v10  }
0x2ab: {  	v58 =	vadd.s32 $0x5000, v3;
	v8 =	vld.idx.msk [tilespmem:v14+s25+$0x0], $0xffff  }
0x2ac: {  	v0 =	vadd.s32 $0x7800, v0;
	[tilespmem:v16+s26+$0x0] =	vst.idx.add.f32.msk $0xffff, v15  }
0x2ad: {  	v63 =	vadd.s32 $0x5000, v12;
	v11 =	vld.idx.msk [tilespmem:v60+s25+$0x0], $0xffff  }
0x2ae: {  	v61 =	vadd.s32 $0x5000, v6;
	v5 =	vld.idx.msk [tilespmem:v5+s25+$0x0], $0xffff  }
0x2af: {  	v62 =	vadd.s32 $0x5000, v9;
	v7 =	vld.idx.msk [tilespmem:v7+s25+$0x0], $0xffff  }
0x2b0: {  	v2 =	vadd.s32 $0x7800, v2;
	[tilespmem:v58+s26+$0x0] =	vst.idx.add.f32.msk $0xffff, v8  }
0x2b1: {  	v3 =	vadd.s32 $0x7800, v3;
	v0 =	vld.idx.msk [tilespmem:v0+s25+$0x0], $0xffff  }
0x2b2: {  	[tilespmem:v63+s26+$0x0] =	vst.idx.add.f32.msk $0xffff, v11  }
0x2b3: {  	[tilespmem:v61+s26+$0x0] =	vst.idx.add.f32.msk $0xffff, v5  }
0x2b4: {  	[tilespmem:v62+s26+$0x0] =	vst.idx.add.f32.msk $0xffff, v7  }
0x2b5: {  	v4 =	vadd.s32 $0x7800, v4;
	v5 =	vld.idx.msk [tilespmem:v2+s25+$0x0], $0xffff;
	v2 =	vadd.s32 $0x7800, v12  }
0x2b6: {  	s2 =	simm.s32 $0x60;
	s1 =	simm.s32 $0x0;
	[tilespmem:v3+s26+$0x0] =	vst.idx.add.f32.msk $0xffff, v0;
	v3 =	vadd.s32 $0x7800, v1;
	v0 =	vadd.s32 $0x7800, v6;
	v1 =	vadd.s32 $0x7800, v9  }
.LBB2_25:
0x2b7: {  	v6 =	vld [tilespmem:s2+$0x10];
	s1 =	sadd.s32 $0x4, s1  }
0x2b8: {  	v7 =	vld [tilespmem:s2+$0xFFFFFFF0];
	p1 =	slt.u32 s1, $0xF4  }
0x2b9: {  	v8 =	vld [tilespmem:s2+$0x0]  }
0x2ba: {  	v9 =	vld [tilespmem:s2+$0xFFFFFFE0]  }
0x2bb: {  	v10 =	vld.idx.msk [tilespmem:v3+s25+$0x0], $0xffff  }
0x2bc: {  	s0 =	sadd.s32 $0x40, s0;
	v11 =	vld.idx.msk [tilespmem:v4+s25+$0x0], $0xffff  }
0x2bd: {  	v12 =	vadd.s32 $0x2800, v7;
	v13 =	vadd.s32 $0x5000, v7;
	v3 =	vadd.s32 $0x7800, v7;
	v14 =	vld [tilespmem:s0+$0x10]  }
0x2be: {  	v15 =	vld [tilespmem:s0+$0xFFFFFFE0];
	v16 =	vadd.s32 $0x2800, v8;
	v17 =	vadd.s32 $0x5000, v8;
	v4 =	vadd.s32 $0x7800, v8  }
0x2bf: {  	v18 =	vadd.s32 $0x2800, v9;
	v19 =	vadd.s32 $0x5000, v9;
	v20 =	vadd.s32 $0x7800, v9;
	v21 =	vld.idx.msk [tilespmem:v6+s25+$0x0], $0xffff  }
0x2c0: {  	v7 =	vld.idx.msk [tilespmem:v7+s25+$0x0], $0xffff  }
0x2c1: {  	v22 =	vadd.s32 $0x2800, v6;
	v8 =	vld.idx.msk [tilespmem:v8+s25+$0x0], $0xffff  }
0x2c2: {  	v9 =	vld.idx.msk [tilespmem:v9+s25+$0x0], $0xffff  }
0x2c3: {  	v23 =	vadd.s32 $0x2800, v15;
	v24 =	vadd.s32 $0x5000, v15;
	v25 =	vadd.s32 $0x7800, v15;
	v26 =	vld [tilespmem:s0+$0xFFFFFFF0]  }
0x2c4: {  	v27 =	vld [tilespmem:s0+$0x0]  }
0x2c5: {  	[tilespmem:v14+s26+$0x0] =	vst.idx.add.f32.msk $0xffff, v21  }
0x2c6: {  	v21 =	vld.idx.msk [tilespmem:v22+s25+$0x0], $0xffff  }
0x2c7: {  	v22 =	vadd.s32 $0x2800, v14;
	[tilespmem:v0+s26+$0x0] =	vst.idx.add.f32.msk $0xffff, v5;
	v0 =	vmov v25  }
0x2c8: {  	[tilespmem:v15+s26+$0x0] =	vst.idx.add.f32.msk $0xffff, v9;
	v5 =	vadd.s32 $0x2800, v26;
	v9 =	vadd.s32 $0x5000, v26;
	v15 =	vadd.s32 $0x5000, v6  }
0x2c9: {  	v25 =	vadd.s32 $0x7800, v26;
	v18 =	vld.idx.msk [tilespmem:v18+s25+$0x0], $0xffff;
	v28 =	vadd.s32 $0x2800, v27;
	v29 =	vadd.s32 $0x5000, v27  }
0x2ca: {  	v30 =	vadd.s32 $0x7800, v27;
	[tilespmem:v1+s26+$0x0] =	vst.idx.add.f32.msk $0xffff, v10;
	v1 =	vmov v25  }
0x2cb: {  	[tilespmem:v26+s26+$0x0] =	vst.idx.add.f32.msk $0xffff, v7  }
0x2cc: {  	[tilespmem:v22+s26+$0x0] =	vst.idx.add.f32.msk $0xffff, v21  }
0x2cd: {  	v7 =	vld.idx.msk [tilespmem:v15+s25+$0x0], $0xffff  }
0x2ce: {  	[tilespmem:v27+s26+$0x0] =	vst.idx.add.f32.msk $0xffff, v8;
	v8 =	vadd.s32 $0x5000, v14  }
0x2cf: {  	v6 =	vadd.s32 $0x7800, v6;
	v10 =	vld.idx.msk [tilespmem:v12+s25+$0x0], $0xffff  }
0x2d0: {  	v12 =	vld.idx.msk [tilespmem:v16+s25+$0x0], $0xffff  }
0x2d1: {  	[tilespmem:v23+s26+$0x0] =	vst.idx.add.f32.msk $0xffff, v18  }
0x2d2: {  	v15 =	vld.idx.msk [tilespmem:v19+s25+$0x0], $0xffff  }
0x2d3: {  	[tilespmem:v8+s26+$0x0] =	vst.idx.add.f32.msk $0xffff, v7  }
0x2d4: {  	v6 =	vld.idx.msk [tilespmem:v6+s25+$0x0], $0xffff  }
0x2d5: {  	[tilespmem:v5+s26+$0x0] =	vst.idx.add.f32.msk $0xffff, v10;
	v5 =	vadd.s32 $0x7800, v14  }
0x2d6: {  	[tilespmem:v28+s26+$0x0] =	vst.idx.add.f32.msk $0xffff, v12  }
0x2d7: {  	v7 =	vld.idx.msk [tilespmem:v13+s25+$0x0], $0xffff  }
0x2d8: {  	v8 =	vld.idx.msk [tilespmem:v17+s25+$0x0], $0xffff  }
0x2d9: {  	[tilespmem:v24+s26+$0x0] =	vst.idx.add.f32.msk $0xffff, v15  }
.Ltmp12:
0x2da: {  	[tilespmem:v5+s26+$0x0] =	vst.idx.add.f32.msk $0xffff, v6;
	(pc) =	sbr.rel @p1 .LBB2_25-.Ltmp12, $4  }
0x2db: {  	v5 =	vld.idx.msk [tilespmem:v20+s25+$0x0], $0xffff  }
0x2dc: {  	[tilespmem:v2+s26+$0x0] =	vst.idx.add.f32.msk $0xffff, v11;
	v2 =	vmov v30  }
0x2dd: {  	[tilespmem:v9+s26+$0x0] =	vst.idx.add.f32.msk $0xffff, v7  }
0x2de: {  	s2 =	sadd.s32 $0x40, s2;
	[tilespmem:v29+s26+$0x0] =	vst.idx.add.f32.msk $0xffff, v8  }
0x2df: {  	_ =	sdelay $0x3  }
0x2e0: {  	v3 =	vld.idx.msk [tilespmem:v3+s25+$0x0], $0xffff  }
0x2e1: {  	v4 =	vld.idx.msk [tilespmem:v4+s25+$0x0], $0xffff;
	_ =	sdelay $0x2  }
0x2e2: {  	[tilespmem:v0+s26+$0x0] =	vst.idx.add.f32.msk $0xffff, v5  }
0x2e3: {  	[tilespmem:v1+s26+$0x0] =	vst.idx.add.f32.msk $0xffff, v3  }
0x2e4: {  	s0 =	simm.s32 $0x0;
	s1 =	simm.s32 $0x6000;
	s2 =	simm.s32 $0x10000;
	[tilespmem:v2+s26+$0x0] =	vst.idx.add.f32.msk $0xffff, v4  }
.LBB2_27:
0x2e5: {  	s3 =	sshra.s32 s0, $0x2  }
0x2e6: {  	v0 =	vld [tilespmem:s3+$0xF80];
	_ =	sdelay $0x4  }
0x2e7: {  	v1 =	vld [tilespmem:s3+$0x3F80];
	_ =	sdelay $0x2  }
0x2e8: {  	v2 =	vld.idx.msk [tilespmem:v0+s1+$0x0], $0xffff  }
0x2e9: {  	v3 =	vadd.s32 $0x2800, v0;
	_ =	sdelay $0x3  }
0x2ea: {  	[tilespmem:v1+s2+$0x0] =	vst.idx.add.f32.msk $0xffff, v2  }
0x2eb: {  	v62 =	vadd.s32 $0x2800, v1;
	v2 =	vld.idx.msk [tilespmem:v3+s1+$0x0], $0xffff  }
0x2ec: {  	v4 =	vadd.s32 $0x5000, v0;
	_ =	sdelay $0x3  }
0x2ed: {  	[tilespmem:v62+s2+$0x0] =	vst.idx.add.f32.msk $0xffff, v2  }
0x2ee: {  	v63 =	vadd.s32 $0x5000, v1;
	v2 =	vld.idx.msk [tilespmem:v4+s1+$0x0], $0xffff  }
0x2ef: {  	v0 =	vadd.s32 $0x7800, v0;
	_ =	sdelay $0x3  }
0x2f0: {  	[tilespmem:v63+s2+$0x0] =	vst.idx.add.f32.msk $0xffff, v2  }
0x2f1: {  	p1 =	sne.s32 s0, $0x40;
	v1 =	vadd.s32 $0x7800, v1;
	v0 =	vld.idx.msk [tilespmem:v0+s1+$0x0], $0xffff  }
.Ltmp13:
0x2f2: {  	_ = 	snop;
	(pc) =	sbr.rel @p1 .LBB2_27-.Ltmp13, $2  }
0x2f3: {  	_ =	sdelay $0x2  }
0x2f4: {  	s0 =	sadd.s32 $0x40, s0;
	[tilespmem:v1+s2+$0x0] =	vst.idx.add.f32.msk $0xffff, v0  }
0x2f5: {  	s0 =	simm.s32 $0x6  }
0x2f6: {  	_ =	swait.ge [sflag:s0], $0xFA0  }
0x2f7: {  	[sflag:s0] =	ssyncset.done $0x0  }
0x2f8: {  	s31 =	simm.s32 $0x9;
	[sflag:s0] =	ssyncadd.s32 $0xFFFFF060  }
0x2f9: {  	_ =	swait.ge [sflag:s31], $0xFA0  }
0x2fa: {  	[sflag:s31] =	ssyncset.done $0x0  }
0x2fb: {  	s1 =	simm.s32 $0x1020;
	[sflag:s31] =	ssyncadd.s32 $0xFFFFF060  }
0x2fc: {  	v0 =	vld [tilespmem:s1+$0x10]  }
0x2fd: {  	v2 =	vld [tilespmem:s1+$0xFFFFFFE0]  }
0x2fe: {  	v1 =	vld [tilespmem:s1+$0xFFFFFFF0];
	_ =	sdelay $0x1  }
0x2ff: {  	s0 =	simm.s32 $0x4020;
	v4 =	vld [tilespmem:s1+$0x0]  }
0x300: {  	v3 =	vld [tilespmem:s0+$0x10]  }
0x301: {  	v6 =	vld [tilespmem:s0+$0xFFFFFFE0]  }
0x302: {  	s25 =	simm.s32 $0x6000;
	v9 =	vld [tilespmem:s0+$0xFFFFFFF0]  }
0x303: {  	v5 =	vld.idx.msk [tilespmem:v0+s25+$0x0], $0xffff  }
0x304: {  	v10 =	vld.idx.msk [tilespmem:v2+s25+$0x0], $0xffff  }
0x305: {  	v7 =	vld.idx.msk [tilespmem:v1+s25+$0x0], $0xffff  }
0x306: {  	v12 =	vld [tilespmem:s0+$0x0];
	v8 =	vadd.s32 $0x2800, v0  }
0x307: {  	s26 =	simm.s32 $0x10000;
	v11 =	vadd.s32 $0x2800, v2;
	v13 =	vld.idx.msk [tilespmem:v4+s25+$0x0], $0xffff  }
0x308: {  	v57 =	vadd.s32 $0x2800, v1;
	[tilespmem:v3+s26+$0x0] =	vst.idx.add.f32.msk $0xffff, v5  }
0x309: {  	[tilespmem:v6+s26+$0x0] =	vst.idx.add.f32.msk $0xffff, v10  }
0x30a: {  	v15 =	vadd.s32 $0x2800, v4;
	[tilespmem:v9+s26+$0x0] =	vst.idx.add.f32.msk $0xffff, v7  }
0x30b: {  	v56 =	vadd.s32 $0x2800, v3;
	v5 =	vld.idx.msk [tilespmem:v8+s25+$0x0], $0xffff  }
0x30c: {  	v7 =	vadd.s32 $0x2800, v6;
	v11 =	vld.idx.msk [tilespmem:v11+s25+$0x0], $0xffff  }
0x30d: {  	v59 =	vadd.s32 $0x2800, v9;
	v10 =	vld.idx.msk [tilespmem:v57+s25+$0x0], $0xffff  }
0x30e: {  	v14 =	vadd.s32 $0x5000, v0;
	[tilespmem:v12+s26+$0x0] =	vst.idx.add.f32.msk $0xffff, v13  }
0x30f: {  	v16 =	vadd.s32 $0x2800, v12;
	v15 =	vld.idx.msk [tilespmem:v15+s25+$0x0], $0xffff  }
0x310: {  	v60 =	vadd.s32 $0x5000, v4;
	[tilespmem:v56+s26+$0x0] =	vst.idx.add.f32.msk $0xffff, v5  }
0x311: {  	v5 =	vadd.s32 $0x5000, v2;
	[tilespmem:v7+s26+$0x0] =	vst.idx.add.f32.msk $0xffff, v11  }
0x312: {  	v7 =	vadd.s32 $0x5000, v1;
	[tilespmem:v59+s26+$0x0] =	vst.idx.add.f32.msk $0xffff, v10  }
0x313: {  	v58 =	vadd.s32 $0x5000, v3;
	v8 =	vld.idx.msk [tilespmem:v14+s25+$0x0], $0xffff  }
0x314: {  	v0 =	vadd.s32 $0x7800, v0;
	[tilespmem:v16+s26+$0x0] =	vst.idx.add.f32.msk $0xffff, v15  }
0x315: {  	v63 =	vadd.s32 $0x5000, v12;
	v11 =	vld.idx.msk [tilespmem:v60+s25+$0x0], $0xffff  }
0x316: {  	v61 =	vadd.s32 $0x5000, v6;
	v5 =	vld.idx.msk [tilespmem:v5+s25+$0x0], $0xffff  }
0x317: {  	v62 =	vadd.s32 $0x5000, v9;
	v7 =	vld.idx.msk [tilespmem:v7+s25+$0x0], $0xffff  }
0x318: {  	v2 =	vadd.s32 $0x7800, v2;
	[tilespmem:v58+s26+$0x0] =	vst.idx.add.f32.msk $0xffff, v8  }
0x319: {  	v3 =	vadd.s32 $0x7800, v3;
	v0 =	vld.idx.msk [tilespmem:v0+s25+$0x0], $0xffff  }
0x31a: {  	[tilespmem:v63+s26+$0x0] =	vst.idx.add.f32.msk $0xffff, v11  }
0x31b: {  	[tilespmem:v61+s26+$0x0] =	vst.idx.add.f32.msk $0xffff, v5  }
0x31c: {  	[tilespmem:v62+s26+$0x0] =	vst.idx.add.f32.msk $0xffff, v7  }
0x31d: {  	v4 =	vadd.s32 $0x7800, v4;
	v5 =	vld.idx.msk [tilespmem:v2+s25+$0x0], $0xffff;
	v2 =	vadd.s32 $0x7800, v12  }
0x31e: {  	s2 =	simm.s32 $0x1060;
	s1 =	simm.s32 $0x0;
	[tilespmem:v3+s26+$0x0] =	vst.idx.add.f32.msk $0xffff, v0;
	v3 =	vadd.s32 $0x7800, v1;
	v0 =	vadd.s32 $0x7800, v6;
	v1 =	vadd.s32 $0x7800, v9  }
.LBB2_29:
0x31f: {  	v6 =	vld [tilespmem:s2+$0x10];
	s1 =	sadd.s32 $0x4, s1  }
0x320: {  	v7 =	vld [tilespmem:s2+$0xFFFFFFF0];
	p1 =	slt.u32 s1, $0xF4  }
0x321: {  	v8 =	vld [tilespmem:s2+$0x0]  }
0x322: {  	v9 =	vld [tilespmem:s2+$0xFFFFFFE0]  }
0x323: {  	v10 =	vld.idx.msk [tilespmem:v3+s25+$0x0], $0xffff  }
0x324: {  	s0 =	sadd.s32 $0x40, s0;
	v11 =	vld.idx.msk [tilespmem:v4+s25+$0x0], $0xffff  }
0x325: {  	v12 =	vadd.s32 $0x2800, v7;
	v13 =	vadd.s32 $0x5000, v7;
	v3 =	vadd.s32 $0x7800, v7;
	v14 =	vld [tilespmem:s0+$0x10]  }
0x326: {  	v15 =	vld [tilespmem:s0+$0xFFFFFFE0];
	v16 =	vadd.s32 $0x2800, v8;
	v17 =	vadd.s32 $0x5000, v8;
	v4 =	vadd.s32 $0x7800, v8  }
0x327: {  	v18 =	vadd.s32 $0x2800, v9;
	v19 =	vadd.s32 $0x5000, v9;
	v20 =	vadd.s32 $0x7800, v9;
	v21 =	vld.idx.msk [tilespmem:v6+s25+$0x0], $0xffff  }
0x328: {  	v7 =	vld.idx.msk [tilespmem:v7+s25+$0x0], $0xffff  }
0x329: {  	v22 =	vadd.s32 $0x2800, v6;
	v8 =	vld.idx.msk [tilespmem:v8+s25+$0x0], $0xffff  }
0x32a: {  	v9 =	vld.idx.msk [tilespmem:v9+s25+$0x0], $0xffff  }
0x32b: {  	v23 =	vadd.s32 $0x2800, v15;
	v24 =	vadd.s32 $0x5000, v15;
	v25 =	vadd.s32 $0x7800, v15;
	v26 =	vld [tilespmem:s0+$0xFFFFFFF0]  }
0x32c: {  	v27 =	vld [tilespmem:s0+$0x0]  }
0x32d: {  	[tilespmem:v14+s26+$0x0] =	vst.idx.add.f32.msk $0xffff, v21  }
0x32e: {  	v21 =	vld.idx.msk [tilespmem:v22+s25+$0x0], $0xffff  }
0x32f: {  	v22 =	vadd.s32 $0x2800, v14;
	[tilespmem:v0+s26+$0x0] =	vst.idx.add.f32.msk $0xffff, v5;
	v0 =	vmov v25  }
0x330: {  	[tilespmem:v15+s26+$0x0] =	vst.idx.add.f32.msk $0xffff, v9;
	v5 =	vadd.s32 $0x2800, v26;
	v9 =	vadd.s32 $0x5000, v26;
	v15 =	vadd.s32 $0x5000, v6  }
0x331: {  	v25 =	vadd.s32 $0x7800, v26;
	v18 =	vld.idx.msk [tilespmem:v18+s25+$0x0], $0xffff;
	v28 =	vadd.s32 $0x2800, v27;
	v29 =	vadd.s32 $0x5000, v27  }
0x332: {  	v30 =	vadd.s32 $0x7800, v27;
	[tilespmem:v1+s26+$0x0] =	vst.idx.add.f32.msk $0xffff, v10;
	v1 =	vmov v25  }
0x333: {  	[tilespmem:v26+s26+$0x0] =	vst.idx.add.f32.msk $0xffff, v7  }
0x334: {  	[tilespmem:v22+s26+$0x0] =	vst.idx.add.f32.msk $0xffff, v21  }
0x335: {  	v7 =	vld.idx.msk [tilespmem:v15+s25+$0x0], $0xffff  }
0x336: {  	[tilespmem:v27+s26+$0x0] =	vst.idx.add.f32.msk $0xffff, v8;
	v8 =	vadd.s32 $0x5000, v14  }
0x337: {  	v6 =	vadd.s32 $0x7800, v6;
	v10 =	vld.idx.msk [tilespmem:v12+s25+$0x0], $0xffff  }
0x338: {  	v12 =	vld.idx.msk [tilespmem:v16+s25+$0x0], $0xffff  }
0x339: {  	[tilespmem:v23+s26+$0x0] =	vst.idx.add.f32.msk $0xffff, v18  }
0x33a: {  	v15 =	vld.idx.msk [tilespmem:v19+s25+$0x0], $0xffff  }
0x33b: {  	[tilespmem:v8+s26+$0x0] =	vst.idx.add.f32.msk $0xffff, v7  }
0x33c: {  	v6 =	vld.idx.msk [tilespmem:v6+s25+$0x0], $0xffff  }
0x33d: {  	[tilespmem:v5+s26+$0x0] =	vst.idx.add.f32.msk $0xffff, v10;
	v5 =	vadd.s32 $0x7800, v14  }
0x33e: {  	[tilespmem:v28+s26+$0x0] =	vst.idx.add.f32.msk $0xffff, v12  }
0x33f: {  	v7 =	vld.idx.msk [tilespmem:v13+s25+$0x0], $0xffff  }
0x340: {  	v8 =	vld.idx.msk [tilespmem:v17+s25+$0x0], $0xffff  }
0x341: {  	[tilespmem:v24+s26+$0x0] =	vst.idx.add.f32.msk $0xffff, v15  }
.Ltmp14:
0x342: {  	[tilespmem:v5+s26+$0x0] =	vst.idx.add.f32.msk $0xffff, v6;
	(pc) =	sbr.rel @p1 .LBB2_29-.Ltmp14, $4  }
0x343: {  	v5 =	vld.idx.msk [tilespmem:v20+s25+$0x0], $0xffff  }
0x344: {  	[tilespmem:v2+s26+$0x0] =	vst.idx.add.f32.msk $0xffff, v11;
	v2 =	vmov v30  }
0x345: {  	[tilespmem:v9+s26+$0x0] =	vst.idx.add.f32.msk $0xffff, v7  }
0x346: {  	s2 =	sadd.s32 $0x40, s2;
	[tilespmem:v29+s26+$0x0] =	vst.idx.add.f32.msk $0xffff, v8  }
0x347: {  	_ =	sdelay $0x3  }
0x348: {  	v3 =	vld.idx.msk [tilespmem:v3+s25+$0x0], $0xffff  }
0x349: {  	v4 =	vld.idx.msk [tilespmem:v4+s25+$0x0], $0xffff;
	_ =	sdelay $0x2  }
0x34a: {  	[tilespmem:v0+s26+$0x0] =	vst.idx.add.f32.msk $0xffff, v5  }
0x34b: {  	[tilespmem:v1+s26+$0x0] =	vst.idx.add.f32.msk $0xffff, v3  }
0x34c: {  	s0 =	simm.s32 $0x0;
	s1 =	simm.s32 $0x6000;
	s2 =	simm.s32 $0x10000;
	[tilespmem:v2+s26+$0x0] =	vst.idx.add.f32.msk $0xffff, v4  }
.LBB2_31:
0x34d: {  	s3 =	sshra.s32 s0, $0x2  }
0x34e: {  	v0 =	vld [tilespmem:s3+$0x1F80];
	_ =	sdelay $0x4  }
0x34f: {  	v1 =	vld [tilespmem:s3+$0x4F80];
	_ =	sdelay $0x2  }
0x350: {  	v2 =	vld.idx.msk [tilespmem:v0+s1+$0x0], $0xffff  }
0x351: {  	v3 =	vadd.s32 $0x2800, v0;
	_ =	sdelay $0x3  }
0x352: {  	[tilespmem:v1+s2+$0x0] =	vst.idx.add.f32.msk $0xffff, v2  }
0x353: {  	v62 =	vadd.s32 $0x2800, v1;
	v2 =	vld.idx.msk [tilespmem:v3+s1+$0x0], $0xffff  }
0x354: {  	v4 =	vadd.s32 $0x5000, v0;
	_ =	sdelay $0x3  }
0x355: {  	[tilespmem:v62+s2+$0x0] =	vst.idx.add.f32.msk $0xffff, v2  }
0x356: {  	v63 =	vadd.s32 $0x5000, v1;
	v2 =	vld.idx.msk [tilespmem:v4+s1+$0x0], $0xffff  }
0x357: {  	v0 =	vadd.s32 $0x7800, v0;
	_ =	sdelay $0x3  }
0x358: {  	[tilespmem:v63+s2+$0x0] =	vst.idx.add.f32.msk $0xffff, v2  }
0x359: {  	p1 =	sne.s32 s0, $0x40;
	v1 =	vadd.s32 $0x7800, v1;
	v0 =	vld.idx.msk [tilespmem:v0+s1+$0x0], $0xffff  }
.Ltmp15:
0x35a: {  	_ = 	snop;
	(pc) =	sbr.rel @p1 .LBB2_31-.Ltmp15, $2  }
0x35b: {  	_ =	sdelay $0x2  }
0x35c: {  	s0 =	sadd.s32 $0x40, s0;
	[tilespmem:v1+s2+$0x0] =	vst.idx.add.f32.msk $0xffff, v0  }
0x35d: {  	_ =	strace $0x90000051;
	s0 =	simm.s32 $0x1;
	s1 =	simm.s32 $0x1B280  }
0x35e: {  	s2 =	simm.s32 $0x10000;
	s26 =	simm.s32 $0xB;
	_ =	strace $0x80000052  }
0x35f: {  	[spmem:s18] =	stream.indirect.scatter.add.f32 [tilespmem:s2], [sflag:$0xB], $0xA000, s1, s0, $0x2000b8;
	[tilespmem:$0x1C980] =	vst v63  }
0x360: {  	_ =	swait.ge [sflag:s26], $0xA000  }
0x361: {  	[sflag:s26] =	ssyncset.done $0x0  }
0x362: {  	[sflag:s26] =	ssyncadd.s32 $0xFFFF6000  }
0x363: {  	_ =	strace $0x90000052  }
0x364: {  	s1 =	simm.s32 @!p0 $0x1C0B;
	s3 =	rddreg [dreg:$0x9]  }
0x365: {  	[spmem:s20], [sflag:s1] =	dma.local @!p0 [hbm:s3], $0x500  }
0x366: {  	s1 =	simm.s32 @!p0 $0xB  }
0x367: {  	_ =	swait.ge @!p0 [sflag:s1], $0x500  }
0x368: {  	[sflag:s1] =	ssyncset.done @!p0 $0x0  }
0x369: {  	[sflag:s1] =	ssyncadd.s32 @!p0 $0xFFFFFB00  }
0x36a: {  	[bflag:$0x0] =	sbarrier.arrive $0xFFFF  }
0x36b: {  	_ =	strace $0x80000053  }
0x36c: {  	s29 =	simm.s32 $0x1A000;
	s30 =	rddreg [dreg:$0xd]  }
0x36d: {  	[tilespmem:s29], [sflag:$0xB] =	stream.linear.gather [spmem:s30], $0x280, $0x200038;
	[tilespmem:$0x1C980] =	vst v63  }
0x36e: {  	_ =	swait.ge [sflag:s26], $0x280  }
0x36f: {  	[sflag:s26] =	ssyncset.done $0x0  }
0x370: {  	s31 =	simm.s32 $0x1A280;
	s5 =	rddreg [dreg:$0xc];
	[sflag:s26] =	ssyncadd.s32 $0xFFFFFD80  }
0x371: {  	[tilespmem:s31], [sflag:$0xB] =	stream.linear.gather [spmem:s5], $0x280, $0x200038;
	[tilespmem:$0x1C980] =	vst v63  }
0x372: {  	_ =	swait.ge [sflag:s26], $0x280  }
0x373: {  	[sflag:s26] =	ssyncset.done $0x0  }
0x374: {  	s18 =	simm.s32 $0x1A500;
	s19 =	rddreg [dreg:$0xb];
	[sflag:s26] =	ssyncadd.s32 $0xFFFFFD80  }
0x375: {  	[tilespmem:s18], [sflag:$0xB] =	stream.linear.gather [spmem:s19], $0x280, $0x200038;
	[tilespmem:$0x1C980] =	vst v63  }
0x376: {  	_ =	swait.ge [sflag:s26], $0x280  }
0x377: {  	[sflag:s26] =	ssyncset.done $0x0  }
0x378: {  	s20 =	simm.s32 $0x1A780;
	s21 =	rddreg [dreg:$0xa];
	[sflag:s26] =	ssyncadd.s32 $0xFFFFFD80  }
0x379: {  	[tilespmem:s20], [sflag:$0xB] =	stream.linear.gather [spmem:s21], $0x280, $0x200038;
	[tilespmem:$0x1C980] =	vst v63  }
0x37a: {  	_ =	swait.ge [sflag:s26], $0x280  }
0x37b: {  	[sflag:s26] =	ssyncset.done $0x0  }
0x37c: {  	[sflag:s26] =	ssyncadd.s32 $0xFFFFFD80  }
0x37d: {  	s22 =	simm.s32 $0x0;
	_ =	strace $0x90000053  }
0x37e: {  	[tilespmem:s2], [sflag:$0x2] =	stream.linear.gather [hbm4b:s17+s22], $0x2800, $0x38;
	[tilespmem:$0x1C980] =	vst v63  }
0x37f: {  	s0 =	sand.u32 $0x3F0, s22;
	_ =	strace $0x80000054  }
0x380: {  	v0 =	vld [tilespmem:s0+$0x1A780]  }
0x381: {  	s23 =	sadd.s32 $0x0, s16;
	v1 =	vld [tilespmem:s0+$0x1A500]  }
0x382: {  	s24 =	sand.u32 $0x7F80, s23;
	s3 =	sand.u32 $0x70, s22;
	v2 =	vld [tilespmem:s0+$0x1A280]  }
0x383: {  	s25 =	sadd.s32 $0x2800, s23;
	s26 =	sor.u32 s3, s24;
	v3 =	vld [tilespmem:s29+$0x0]  }
0x384: {  	s1 =	simm.s32 $0x1AF00;
	s29 =	sand.u32 $0xFF80, s25;
	v4 =	vld [tilespmem:s26+$0x6000]  }
0x385: {  	s30 =	sadd.s32 $0x5000, s23;
	v6 =	vld [tilespmem:s1+$0x0];
	s5 =	sor.u32 s3, s29  }
0x386: {  	s2 =	sadd.s32 $0x7800, s23;
	v5 =	vld [tilespmem:s5+$0x6000];
	s5 =	sand.u32 $0x1FF80, s30  }
0x387: {  	s2 =	sand.u32 $0x1FF80, s2;
	v7 =	vld [tilespmem:$0x1B180];
	s5 =	sor.u32 s3, s5  }
0x388: {  	s2 =	sor.u32 s3, s2;
	v8 =	vld [tilespmem:s5+$0x6000]  }
0x389: {  	v58 =	vld [tilespmem:s2+$0x6000];
	v3 =	vadd.f32 v4, v3  }
0x38a: {  	v9 =	vld [tilespmem:$0x1B190]  }
0x38b: {  	v10 =	vld [tilespmem:$0x1B1C0];
	v3 =	vmul.f32 v3, v6;
	v2 =	vadd.f32 v5, v2  }
0x38c: {  	v59 =	vld [tilespmem:$0x1B1A0]  }
0x38d: {  	v60 =	vld [tilespmem:$0x1B1D0];
	v3 =	vadd.f32 v3, v7;
	v2 =	vmul.f32 v2, v6;
	v1 =	vadd.f32 v8, v1  }
0x38e: {  	v61 =	vld [tilespmem:$0x1B1B0];
	v0 =	vadd.f32 v58, v0  }
0x38f: {  	v62 =	vld [tilespmem:$0x1B1E0];
	v3 =	vmax.f32 v3, $0.0e+00;
	v2 =	vadd.f32 v2, v9;
	v1 =	vmul.f32 v1, v6  }
0x390: {  	v3 =	vmul.f32 v3, v10  }
0x391: {  	v63 =	vld [tilespmem:$0x1B1F0];
	v0 =	vmul.f32 v0, v6;
	v2 =	vmax.f32 v2, $0.0e+00;
	v1 =	vadd.f32 v1, v59  }
0x392: {  	v3 =	vadd.f32 $0.0e+00, v3;
	v2 =	vmul.f32 v2, v60  }
0x393: {  	v0 =	vadd.f32 v0, v61;
	v1 =	vmax.f32 v1, $0.0e+00  }
0x394: {  	v2 =	vadd.f32 v2, v3;
	v1 =	vmul.f32 v1, v62  }
0x395: {  	v0 =	vmax.f32 v0, $0.0e+00  }
0x396: {  	v0 =	vmul.f32 v0, v63;
	v1 =	vadd.f32 v1, v2;
	_ =	sdelay $0x1  }
0x397: {  	s31 =	simm.s32 $0x10;
	v1 =	vadd.f32 v0, v1  }
0x398: {  	s18 =	sand.u32 $0x3F0, s31  }
0x399: {  	s19 =	sand.u32 $0x70, s31;
	v0 =	vld [tilespmem:s18+$0x1A780];
	v2 =	vmul.f32 v1, v6  }
0x39a: {  	s20 =	sadd.s32 $0x10, s16;
	s17 =	simm.s32 $0x20;
	s2 =	simm.s32 $0x1A010;
	v1 =	vld [tilespmem:s18+$0x1A500]  }
.LBB2_33:
0x39b: {  	p1 =	sne.s32 s17, $0x270;
	s3 =	sand.u32 $0x7F80, s20;
	v3 =	vld [tilespmem:s18+$0x1A280];
	s5 =	sadd.s32 $0x2800, s20;
	[tilespmem:s0+$0x1AA00] =	vst v2  }
0x39c: {  	s0 =	smov.u32 s18;
	v2 =	vld [tilespmem:s2+$0x0];
	s3 =	sor.u32 s19, s3;
	s5 =	sand.u32 $0xFF80, s5  }
0x39d: {  	v4 =	vld [tilespmem:s3+$0x6000];
	s3 =	sor.u32 s19, s5  }
0x39e: {  	s1 =	sadd.s32 $0x10, s1;
	v5 =	vld [tilespmem:s3+$0x6000];
	s3 =	sadd.s32 $0x5000, s20  }
0x39f: {  	s5 =	sadd.s32 $0x7800, s20;
	v6 =	vld [tilespmem:s1+$0x0];
	s3 =	sand.u32 $0x1FF80, s3  }
0x3a0: {  	s5 =	sand.u32 $0x1FF80, s5;
	v7 =	vld [tilespmem:$0x1B180];
	s3 =	sor.u32 s19, s3  }
0x3a1: {  	v8 =	vld [tilespmem:s3+$0x6000];
	s3 =	sor.u32 s19, s5  }
0x3a2: {  	v2 =	vadd.f32 v4, v2;
	v4 =	vld [tilespmem:s3+$0x6000]  }
0x3a3: {  	v9 =	vld [tilespmem:$0x1B190]  }
0x3a4: {  	v3 =	vadd.f32 v5, v3;
	v2 =	vmul.f32 v2, v6;
	v10 =	vld [tilespmem:$0x1B1C0]  }
0x3a5: {  	v5 =	vld [tilespmem:$0x1B1A0]  }
0x3a6: {  	v3 =	vmul.f32 v3, v6;
	v2 =	vadd.f32 v2, v7;
	v7 =	vld [tilespmem:$0x1B1D0];
	v1 =	vadd.f32 v8, v1  }
0x3a7: {  	v0 =	vadd.f32 v4, v0;
	v4 =	vld [tilespmem:$0x1B1B0]  }
0x3a8: {  	v2 =	vmax.f32 v2, $0.0e+00;
	v3 =	vadd.f32 v3, v9;
	v1 =	vmul.f32 v1, v6;
	v8 =	vld [tilespmem:$0x1B1E0]  }
0x3a9: {  	v2 =	vmul.f32 v2, v10  }
0x3aa: {  	v0 =	vmul.f32 v0, v6;
	v3 =	vmax.f32 v3, $0.0e+00;
	v1 =	vadd.f32 v1, v5;
	v5 =	vld [tilespmem:$0x1B1F0]  }
0x3ab: {  	v2 =	vadd.f32 $0.0e+00, v2;
	v3 =	vmul.f32 v3, v7  }
0x3ac: {  	v1 =	vmax.f32 v1, $0.0e+00;
	v0 =	vadd.f32 v0, v4  }
0x3ad: {  	v2 =	vadd.f32 v3, v2;
	v1 =	vmul.f32 v1, v8  }
0x3ae: {  	v0 =	vmax.f32 v0, $0.0e+00  }
0x3af: {  	v1 =	vadd.f32 v1, v2;
	v0 =	vmul.f32 v0, v5  }
.Ltmp16:
0x3b0: {  	(pc) =	sbr.rel @p1 .LBB2_33-.Ltmp16, $4  }
0x3b1: {  	v1 =	vadd.f32 v0, v1  }
0x3b2: {  	s18 =	sand.u32 $0x3F0, s17  }
0x3b3: {  	s2 =	sadd.s32 $0x10, s2;
	v0 =	vld [tilespmem:s18+$0x1A780];
	v2 =	vmul.f32 v1, v6  }
0x3b4: {  	s20 =	sadd.s32 s17, s16;
	s19 =	sand.u32 $0x70, s17;
	s17 =	sadd.s32 $0x10, s17;
	v1 =	vld [tilespmem:s18+$0x1A500]  }
0x3b5: {  	v3 =	vld [tilespmem:s18+$0x1A280];
	s3 =	sand.u32 $0x7F80, s20;
	[tilespmem:s0+$0x1AA00] =	vst v2  }
0x3b6: {  	s5 =	sadd.s32 $0x2800, s20;
	v2 =	vld [tilespmem:s2+$0x0];
	s30 =	sor.u32 s19, s3  }
0x3b7: {  	s1 =	sadd.s32 $0x10, s1;
	s31 =	sand.u32 $0xFF80, s5;
	v4 =	vld [tilespmem:s30+$0x6000]  }
0x3b8: {  	s5 =	sadd.s32 $0x5000, s20;
	v6 =	vld [tilespmem:s1+$0x0];
	s3 =	sor.u32 s19, s31  }
0x3b9: {  	s16 =	sadd.s32 $0x7800, s20;
	s0 =	sand.u32 $0x1FF80, s5;
	v5 =	vld [tilespmem:s3+$0x6000]  }
0x3ba: {  	v7 =	vld [tilespmem:$0x1B180];
	s1 =	sand.u32 $0x1FF80, s16;
	s0 =	sor.u32 s19, s0  }
0x3bb: {  	s17 =	sor.u32 s19, s1;
	v8 =	vld [tilespmem:s0+$0x6000]  }
0x3bc: {  	v2 =	vadd.f32 v4, v2;
	v4 =	vld [tilespmem:s17+$0x6000]  }
0x3bd: {  	v9 =	vld [tilespmem:$0x1B190]  }
0x3be: {  	v10 =	vld [tilespmem:$0x1B1C0];
	v3 =	vadd.f32 v5, v3;
	v2 =	vmul.f32 v2, v6  }
0x3bf: {  	v5 =	vld [tilespmem:$0x1B1A0]  }
0x3c0: {  	v1 =	vadd.f32 v8, v1;
	v3 =	vmul.f32 v3, v6;
	v2 =	vadd.f32 v2, v7;
	v7 =	vld [tilespmem:$0x1B1D0]  }
0x3c1: {  	v0 =	vadd.f32 v4, v0;
	v4 =	vld [tilespmem:$0x1B1B0]  }
0x3c2: {  	v61 =	vld [tilespmem:$0x1B1E0];
	v1 =	vmul.f32 v1, v6;
	v3 =	vadd.f32 v3, v9;
	v2 =	vmax.f32 v2, $0.0e+00  }
0x3c3: {  	v2 =	vmul.f32 v2, v10  }
0x3c4: {  	v1 =	vadd.f32 v1, v5;
	v5 =	vld [tilespmem:$0x1B1F0];
	v3 =	vmax.f32 v3, $0.0e+00;
	v0 =	vmul.f32 v0, v6  }
0x3c5: {  	v2 =	vadd.f32 $0.0e+00, v2;
	v3 =	vmul.f32 v3, v7  }
0x3c6: {  	v1 =	vmax.f32 v1, $0.0e+00;
	v0 =	vadd.f32 v0, v4  }
0x3c7: {  	v1 =	vmul.f32 v1, v61;
	v2 =	vadd.f32 v3, v2  }
0x3c8: {  	v0 =	vmax.f32 v0, $0.0e+00  }
0x3c9: {  	v1 =	vadd.f32 v1, v2;
	v0 =	vmul.f32 v0, v5;
	_ =	sdelay $0x1  }
0x3ca: {  	v0 =	vadd.f32 v0, v1;
	_ =	sdelay $0x1  }
0x3cb: {  	v0 =	vmul.f32 v0, v6;
	_ =	sdelay $0x1  }
0x3cc: {  	[tilespmem:s18+$0x1AA00] =	vst v0  }
0x3cd: {  	_ =	strace $0x90000054  }
0x3ce: {  	_ =	strace $0x80000055  }
0x3cf: {  	s20 =	simm.s32 $0xB;
	s18 =	simm.s32 $0x1AA00;
	s19 =	rddreg [dreg:$0x8]  }
0x3d0: {  	[spmem:s19] =	stream.linear.scatter [tilespmem:s18], [sflag:$0xB], $0x280, $0x200038;
	[tilespmem:$0x1C980] =	vst v63  }
0x3d1: {  	_ =	swait.ge [sflag:s20], $0x280  }
0x3d2: {  	[sflag:s20] =	ssyncset.done $0x0  }
0x3d3: {  	[sflag:s20] =	ssyncadd.s32 $0xFFFFFD80  }
0x3d4: {  	_ =	strace $0x90000055  }
0x3d5: {  	_ =	strace $0x80000056  }
0x3d6: {  	[bflag:$0x0] =	sbarrier.arrive $0xFFFF  }
0x3d7: {  	_ =	strace $0x90000056  }
0x3d8: {  	s0 =	simm.s32 $0x6000;
	_ =	strace $0x80000057  }
0x3d9: {  	[tilespmem:s0], [sflag:$0xB] =	stream.linear.gather [spmem:s8], $0x2800, $0x200038;
	[tilespmem:$0x1C980] =	vst v63  }
0x3da: {  	_ =	swait.ge [sflag:s20], $0x2800  }
0x3db: {  	[sflag:s20] =	ssyncset.done $0x0  }
0x3dc: {  	[sflag:s20] =	ssyncadd.s32 $0xFFFFD800  }
0x3dd: {  	_ =	strace $0x90000057  }
0x3de: {  	s21 =	simm.s32 $0x2;
	_ =	strace $0x80000058  }
0x3df: {  	_ =	swait.ge [sflag:s21], $0x2800  }
0x3e0: {  	[sflag:s21] =	ssyncset.done $0x0  }
0x3e1: {  	[sflag:s21] =	ssyncadd.s32 $0xFFFFD800  }
0x3e2: {  	s22 =	simm.s32 $0x0;
	s23 =	simm.s32 $0x3000;
	_ =	strace $0x90000058  }
0x3e3: {  	[tilespmem:s23], [sflag:$0x8] =	stream.linear.gather [hbm4b:s9+s22], $0xFA0, $0x38;
	[tilespmem:$0x1C980] =	vst v63  }
0x3e4: {  	_ = 	snop  }
0x3e5: {  	[tilespmem:s22], [sflag:$0x5] =	stream.linear.gather [hbm4b:s28+s22], $0xFA0, $0x38;
	[tilespmem:$0x1C980] =	vst v63  }
0x3e6: {  	s24 =	simm.s32 $0x4000  }
0x3e7: {  	[tilespmem:s24], [sflag:$0x9] =	stream.linear.gather [hbm4b:s11+s22], $0xFA0, $0x38;
	[tilespmem:$0x1C980] =	vst v63  }
0x3e8: {  	s25 =	simm.s32 $0x1000  }
0x3e9: {  	[tilespmem:s25], [sflag:$0x6] =	stream.linear.gather [hbm4b:s15+s22], $0xFA0, $0x38;
	[tilespmem:$0x1C980] =	vst v63  }
0x3ea: {  	s26 =	simm.s32 $0x5000  }
0x3eb: {  	[tilespmem:s26], [sflag:$0xA] =	stream.linear.gather [hbm4b:s10+s22], $0xFA0, $0x38;
	[tilespmem:$0x1C980] =	vst v63  }
0x3ec: {  	s29 =	simm.s32 $0x5;
	s28 =	simm.s32 $0x2000  }
0x3ed: {  	[tilespmem:s28], [sflag:$0x7] =	stream.linear.gather [hbm4b:s14+s22], $0xFA0, $0x38;
	[tilespmem:$0x1C980] =	vst v63  }
0x3ee: {  	_ =	swait.ge [sflag:s29], $0xFA0  }
0x3ef: {  	[sflag:s29] =	ssyncset.done $0x0  }
0x3f0: {  	s30 =	simm.s32 $0x8;
	[sflag:s29] =	ssyncadd.s32 $0xFFFFF060  }
0x3f1: {  	_ =	swait.ge [sflag:s30], $0xFA0  }
0x3f2: {  	[sflag:s30] =	ssyncset.done $0x0  }
0x3f3: {  	s31 =	simm.s32 $0x20;
	[sflag:s30] =	ssyncadd.s32 $0xFFFFF060  }
0x3f4: {  	v0 =	vld [tilespmem:s31+$0x20]  }
0x3f5: {  	v1 =	vld [tilespmem:s31+$0xFFFFFFF0]  }
0x3f6: {  	v3 =	vld [tilespmem:s31+$0x0]  }
0x3f7: {  	v4 =	vld [tilespmem:s31+$0x10]  }
0x3f8: {  	v5 =	vld [tilespmem:s31+$0xFFFFFFE0]  }
0x3f9: {  	s1 =	simm.s32 $0x3020  }
0x3fa: {  	v6 =	vld [tilespmem:s1+$0x20]  }
0x3fb: {  	v7 =	vld [tilespmem:s1+$0xFFFFFFE0]  }
0x3fc: {  	v62 =	vld.idx.msk [tilespmem:v0+s0+$0x0], $0xffff  }
0x3fd: {  	v2 =	vld.idx.msk [tilespmem:v1+s0+$0x0], $0xffff  }
0x3fe: {  	v0 =	vld.idx.msk [tilespmem:v3+s0+$0x0], $0xffff  }
0x3ff: {  	v1 =	vld.idx.msk [tilespmem:v4+s0+$0x0], $0xffff  }
0x400: {  	v63 =	vld.idx.msk [tilespmem:v5+s0+$0x0], $0xffff  }
0x401: {  	v5 =	vld [tilespmem:s1+$0x0]  }
0x402: {  	v4 =	vld [tilespmem:s1+$0x10]  }
0x403: {  	s2 =	simm.s32 $0x10000;
	v3 =	vld [tilespmem:s1+$0xFFFFFFF0]  }
0x404: {  	[tilespmem:v6+s2+$0x0] =	vst.idx.add.f32.msk $0xffff, v62  }
0x405: {  	s8 =	simm.s32 $0x0;
	s9 =	simm.s32 $0x70;
	[tilespmem:v7+s2+$0x0] =	vst.idx.add.f32.msk $0xffff, v63  }
.LBB2_35:
0x406: {  	v6 =	vld [tilespmem:s9+$0x20];
	s8 =	sadd.s32 $0x5, s8;
	v7 =	vmov v5  }
0x407: {  	v5 =	vld [tilespmem:s9+$0xFFFFFFF0];
	p1 =	slt.u32 s8, $0xF5;
	v8 =	vmov v4  }
0x408: {  	v4 =	vld [tilespmem:s9+$0x0]  }
0x409: {  	v9 =	vld [tilespmem:s9+$0x10]  }
0x40a: {  	v10 =	vld [tilespmem:s9+$0xFFFFFFE0]  }
0x40b: {  	s1 =	sadd.s32 $0x50, s1;
	[tilespmem:v3+s2+$0x0] =	vst.idx.add.f32.msk $0xffff, v2  }
0x40c: {  	v11 =	vld [tilespmem:s1+$0x20]  }
0x40d: {  	v12 =	vld [tilespmem:s1+$0xFFFFFFE0]  }
0x40e: {  	v6 =	vld.idx.msk [tilespmem:v6+s0+$0x0], $0xffff  }
0x40f: {  	v2 =	vld.idx.msk [tilespmem:v5+s0+$0x0], $0xffff  }
0x410: {  	v13 =	vld.idx.msk [tilespmem:v4+s0+$0x0], $0xffff  }
0x411: {  	v9 =	vld.idx.msk [tilespmem:v9+s0+$0x0], $0xffff  }
0x412: {  	v10 =	vld.idx.msk [tilespmem:v10+s0+$0x0], $0xffff  }
0x413: {  	v3 =	vld [tilespmem:s1+$0xFFFFFFF0]  }
0x414: {  	[tilespmem:v11+s2+$0x0] =	vst.idx.add.f32.msk $0xffff, v6  }
.Ltmp17:
0x415: {  	v5 =	vld [tilespmem:s1+$0x0];
	(pc) =	sbr.rel @p1 .LBB2_35-.Ltmp17, $4  }
0x416: {  	v4 =	vld [tilespmem:s1+$0x10]  }
0x417: {  	[tilespmem:v7+s2+$0x0] =	vst.idx.add.f32.msk $0xffff, v0;
	v0 =	vmov v13  }
0x418: {  	[tilespmem:v12+s2+$0x0] =	vst.idx.add.f32.msk $0xffff, v10  }
0x419: {  	s9 =	sadd.s32 $0x50, s9;
	[tilespmem:v8+s2+$0x0] =	vst.idx.add.f32.msk $0xffff, v1;
	v1 =	vmov v9  }
0x41a: {  	_ =	sdelay $0x3  }
0x41b: {  	[tilespmem:v3+s2+$0x0] =	vst.idx.add.f32.msk $0xffff, v2  }
0x41c: {  	[tilespmem:v5+s2+$0x0] =	vst.idx.add.f32.msk $0xffff, v0  }
0x41d: {  	s0 =	simm.s32 $0x0;
	s1 =	simm.s32 $0x3000;
	[tilespmem:v4+s2+$0x0] =	vst.idx.add.f32.msk $0xffff, v1  }
0x41e: {  	[tilespmem:s1], [sflag:$0x8] =	stream.linear.gather [hbm4b:s6+s0], $0xFA0, $0x38;
	[tilespmem:$0x1C980] =	vst v63  }
0x41f: {  	s29 =	simm.s32 $0x6  }
0x420: {  	[tilespmem:s0], [sflag:$0x5] =	stream.linear.gather [hbm4b:s7+s0], $0xFA0, $0x38;
	[tilespmem:$0x1C980] =	vst v63  }
0x421: {  	_ =	swait.ge [sflag:s29], $0xFA0  }
0x422: {  	[sflag:s29] =	ssyncset.done $0x0  }
0x423: {  	s30 =	simm.s32 $0x9;
	[sflag:s29] =	ssyncadd.s32 $0xFFFFF060  }
0x424: {  	_ =	swait.ge [sflag:s30], $0xFA0  }
0x425: {  	[sflag:s30] =	ssyncset.done $0x0  }
0x426: {  	s31 =	simm.s32 $0x1020;
	[sflag:s30] =	ssyncadd.s32 $0xFFFFF060  }
0x427: {  	v0 =	vld [tilespmem:s31+$0x20]  }
0x428: {  	v1 =	vld [tilespmem:s31+$0xFFFFFFF0]  }
0x429: {  	v3 =	vld [tilespmem:s31+$0x0]  }
0x42a: {  	v4 =	vld [tilespmem:s31+$0x10]  }
0x42b: {  	v5 =	vld [tilespmem:s31+$0xFFFFFFE0]  }
0x42c: {  	s0 =	simm.s32 $0x4020  }
0x42d: {  	v6 =	vld [tilespmem:s0+$0x20]  }
0x42e: {  	s1 =	simm.s32 $0x6000;
	v7 =	vld [tilespmem:s0+$0xFFFFFFE0]  }
0x42f: {  	v8 =	vld.idx.msk [tilespmem:v0+s1+$0x0], $0xffff  }
0x430: {  	v2 =	vld.idx.msk [tilespmem:v1+s1+$0x0], $0xffff  }
0x431: {  	v0 =	vld.idx.msk [tilespmem:v3+s1+$0x0], $0xffff  }
0x432: {  	v1 =	vld.idx.msk [tilespmem:v4+s1+$0x0], $0xffff  }
0x433: {  	v9 =	vld.idx.msk [tilespmem:v5+s1+$0x0], $0xffff  }
0x434: {  	v3 =	vld [tilespmem:s0+$0xFFFFFFF0]  }
0x435: {  	v5 =	vld [tilespmem:s0+$0x0]  }
0x436: {  	s2 =	simm.s32 $0x10000;
	v4 =	vld [tilespmem:s0+$0x10]  }
0x437: {  	[tilespmem:v6+s2+$0x0] =	vst.idx.add.f32.msk $0xffff, v8  }
0x438: {  	[tilespmem:v7+s2+$0x0] =	vst.idx.add.f32.msk $0xffff, v9  }
0x439: {  	s6 =	simm.s32 $0x0;
	s7 =	simm.s32 $0x1070;
	s3 =	rddreg [dreg:$0x7]  }
.LBB2_37:
0x43a: {  	v6 =	vld [tilespmem:s7+$0x20];
	s6 =	sadd.s32 $0x5, s6;
	v7 =	vmov v5  }
0x43b: {  	v5 =	vld [tilespmem:s7+$0xFFFFFFF0];
	p1 =	slt.u32 s6, $0xF5;
	v8 =	vmov v4  }
0x43c: {  	v4 =	vld [tilespmem:s7+$0x0]  }
0x43d: {  	v9 =	vld [tilespmem:s7+$0x10]  }
0x43e: {  	v10 =	vld [tilespmem:s7+$0xFFFFFFE0]  }
0x43f: {  	s0 =	sadd.s32 $0x50, s0;
	[tilespmem:v3+s2+$0x0] =	vst.idx.add.f32.msk $0xffff, v2  }
0x440: {  	v11 =	vld [tilespmem:s0+$0x20]  }
0x441: {  	v12 =	vld [tilespmem:s0+$0xFFFFFFE0]  }
0x442: {  	v6 =	vld.idx.msk [tilespmem:v6+s1+$0x0], $0xffff  }
0x443: {  	v2 =	vld.idx.msk [tilespmem:v5+s1+$0x0], $0xffff  }
0x444: {  	v13 =	vld.idx.msk [tilespmem:v4+s1+$0x0], $0xffff  }
0x445: {  	v9 =	vld.idx.msk [tilespmem:v9+s1+$0x0], $0xffff  }
0x446: {  	v10 =	vld.idx.msk [tilespmem:v10+s1+$0x0], $0xffff  }
0x447: {  	v3 =	vld [tilespmem:s0+$0xFFFFFFF0]  }
0x448: {  	[tilespmem:v11+s2+$0x0] =	vst.idx.add.f32.msk $0xffff, v6  }
.Ltmp18:
0x449: {  	v5 =	vld [tilespmem:s0+$0x0];
	(pc) =	sbr.rel @p1 .LBB2_37-.Ltmp18, $4  }
0x44a: {  	v4 =	vld [tilespmem:s0+$0x10]  }
0x44b: {  	[tilespmem:v7+s2+$0x0] =	vst.idx.add.f32.msk $0xffff, v0;
	v0 =	vmov v13  }
0x44c: {  	[tilespmem:v12+s2+$0x0] =	vst.idx.add.f32.msk $0xffff, v10  }
0x44d: {  	s7 =	sadd.s32 $0x50, s7;
	[tilespmem:v8+s2+$0x0] =	vst.idx.add.f32.msk $0xffff, v1;
	v1 =	vmov v9  }
0x44e: {  	_ =	sdelay $0x3  }
0x44f: {  	[tilespmem:v3+s2+$0x0] =	vst.idx.add.f32.msk $0xffff, v2  }
0x450: {  	[tilespmem:v5+s2+$0x0] =	vst.idx.add.f32.msk $0xffff, v0  }
0x451: {  	s0 =	simm.s32 $0x0;
	s1 =	simm.s32 $0x4000;
	[tilespmem:v4+s2+$0x0] =	vst.idx.add.f32.msk $0xffff, v1  }
0x452: {  	[tilespmem:s1], [sflag:$0x9] =	stream.linear.gather [hbm4b:s4+s0], $0xFA0, $0x38;
	[tilespmem:$0x1C980] =	vst v63  }
0x453: {  	s28 =	simm.s32 $0x1000;
	s29 =	simm.s32 $0x7  }
0x454: {  	[tilespmem:s28], [sflag:$0x6] =	stream.linear.gather [hbm4b:s12+s0], $0xFA0, $0x38;
	[tilespmem:$0x1C980] =	vst v63  }
0x455: {  	_ =	swait.ge [sflag:s29], $0xFA0  }
0x456: {  	[sflag:s29] =	ssyncset.done $0x0  }
0x457: {  	s30 =	simm.s32 $0xA;
	[sflag:s29] =	ssyncadd.s32 $0xFFFFF060  }
0x458: {  	_ =	swait.ge [sflag:s30], $0xFA0  }
0x459: {  	[sflag:s30] =	ssyncset.done $0x0  }
0x45a: {  	s31 =	simm.s32 $0x2020;
	[sflag:s30] =	ssyncadd.s32 $0xFFFFF060  }
0x45b: {  	v0 =	vld [tilespmem:s31+$0x20]  }
0x45c: {  	v1 =	vld [tilespmem:s31+$0xFFFFFFF0]  }
0x45d: {  	v3 =	vld [tilespmem:s31+$0x0]  }
0x45e: {  	v4 =	vld [tilespmem:s31+$0x10]  }
0x45f: {  	v5 =	vld [tilespmem:s31+$0xFFFFFFE0]  }
0x460: {  	s0 =	simm.s32 $0x5020  }
0x461: {  	v6 =	vld [tilespmem:s0+$0x20]  }
0x462: {  	s1 =	simm.s32 $0x6000;
	v7 =	vld [tilespmem:s0+$0xFFFFFFE0]  }
0x463: {  	v8 =	vld.idx.msk [tilespmem:v0+s1+$0x0], $0xffff  }
0x464: {  	v2 =	vld.idx.msk [tilespmem:v1+s1+$0x0], $0xffff  }
0x465: {  	v0 =	vld.idx.msk [tilespmem:v3+s1+$0x0], $0xffff  }
0x466: {  	v1 =	vld.idx.msk [tilespmem:v4+s1+$0x0], $0xffff  }
0x467: {  	v9 =	vld.idx.msk [tilespmem:v5+s1+$0x0], $0xffff  }
0x468: {  	v5 =	vld [tilespmem:s0+$0x0]  }
0x469: {  	v4 =	vld [tilespmem:s0+$0x10]  }
0x46a: {  	s2 =	simm.s32 $0x10000;
	v3 =	vld [tilespmem:s0+$0xFFFFFFF0]  }
0x46b: {  	[tilespmem:v6+s2+$0x0] =	vst.idx.add.f32.msk $0xffff, v8  }
0x46c: {  	s5 =	simm.s32 $0x2070;
	s4 =	simm.s32 $0x0;
	[tilespmem:v7+s2+$0x0] =	vst.idx.add.f32.msk $0xffff, v9  }
.LBB2_39:
0x46d: {  	v6 =	vld [tilespmem:s5+$0x20];
	s4 =	sadd.s32 $0x5, s4;
	v7 =	vmov v5  }
0x46e: {  	v5 =	vld [tilespmem:s5+$0xFFFFFFF0];
	p1 =	slt.u32 s4, $0xF5;
	v8 =	vmov v4  }
0x46f: {  	v4 =	vld [tilespmem:s5+$0x0]  }
0x470: {  	v9 =	vld [tilespmem:s5+$0x10]  }
0x471: {  	v10 =	vld [tilespmem:s5+$0xFFFFFFE0]  }
0x472: {  	s0 =	sadd.s32 $0x50, s0;
	[tilespmem:v3+s2+$0x0] =	vst.idx.add.f32.msk $0xffff, v2  }
0x473: {  	v11 =	vld [tilespmem:s0+$0x20]  }
0x474: {  	v12 =	vld [tilespmem:s0+$0xFFFFFFE0]  }
0x475: {  	v6 =	vld.idx.msk [tilespmem:v6+s1+$0x0], $0xffff  }
0x476: {  	v2 =	vld.idx.msk [tilespmem:v5+s1+$0x0], $0xffff  }
0x477: {  	v13 =	vld.idx.msk [tilespmem:v4+s1+$0x0], $0xffff  }
0x478: {  	v9 =	vld.idx.msk [tilespmem:v9+s1+$0x0], $0xffff  }
0x479: {  	v10 =	vld.idx.msk [tilespmem:v10+s1+$0x0], $0xffff  }
0x47a: {  	v3 =	vld [tilespmem:s0+$0xFFFFFFF0]  }
0x47b: {  	[tilespmem:v11+s2+$0x0] =	vst.idx.add.f32.msk $0xffff, v6  }
.Ltmp19:
0x47c: {  	v5 =	vld [tilespmem:s0+$0x0];
	(pc) =	sbr.rel @p1 .LBB2_39-.Ltmp19, $4  }
0x47d: {  	v4 =	vld [tilespmem:s0+$0x10]  }
0x47e: {  	[tilespmem:v7+s2+$0x0] =	vst.idx.add.f32.msk $0xffff, v0;
	v0 =	vmov v13  }
0x47f: {  	[tilespmem:v12+s2+$0x0] =	vst.idx.add.f32.msk $0xffff, v10  }
0x480: {  	s5 =	sadd.s32 $0x50, s5;
	[tilespmem:v8+s2+$0x0] =	vst.idx.add.f32.msk $0xffff, v1;
	v1 =	vmov v9  }
0x481: {  	_ =	sdelay $0x3  }
0x482: {  	[tilespmem:v3+s2+$0x0] =	vst.idx.add.f32.msk $0xffff, v2  }
0x483: {  	[tilespmem:v5+s2+$0x0] =	vst.idx.add.f32.msk $0xffff, v0  }
0x484: {  	s0 =	simm.s32 $0x5;
	[tilespmem:v4+s2+$0x0] =	vst.idx.add.f32.msk $0xffff, v1  }
0x485: {  	_ =	swait.ge [sflag:s0], $0xFA0  }
0x486: {  	[sflag:s0] =	ssyncset.done $0x0  }
0x487: {  	s30 =	simm.s32 $0x8;
	[sflag:s0] =	ssyncadd.s32 $0xFFFFF060  }
0x488: {  	_ =	swait.ge [sflag:s30], $0xFA0  }
0x489: {  	[sflag:s30] =	ssyncset.done $0x0  }
0x48a: {  	s31 =	simm.s32 $0x20;
	[sflag:s30] =	ssyncadd.s32 $0xFFFFF060  }
0x48b: {  	v0 =	vld [tilespmem:s31+$0x20]  }
0x48c: {  	v1 =	vld [tilespmem:s31+$0xFFFFFFF0]  }
0x48d: {  	v3 =	vld [tilespmem:s31+$0x0]  }
0x48e: {  	v4 =	vld [tilespmem:s31+$0x10]  }
0x48f: {  	v5 =	vld [tilespmem:s31+$0xFFFFFFE0]  }
0x490: {  	s0 =	simm.s32 $0x3020  }
0x491: {  	v6 =	vld [tilespmem:s0+$0x20]  }
0x492: {  	s1 =	simm.s32 $0x6000;
	v7 =	vld [tilespmem:s0+$0xFFFFFFE0]  }
0x493: {  	v8 =	vld.idx.msk [tilespmem:v0+s1+$0x0], $0xffff  }
0x494: {  	v2 =	vld.idx.msk [tilespmem:v1+s1+$0x0], $0xffff  }
0x495: {  	v0 =	vld.idx.msk [tilespmem:v3+s1+$0x0], $0xffff  }
0x496: {  	v1 =	vld.idx.msk [tilespmem:v4+s1+$0x0], $0xffff  }
0x497: {  	v9 =	vld.idx.msk [tilespmem:v5+s1+$0x0], $0xffff  }
0x498: {  	v5 =	vld [tilespmem:s0+$0x0]  }
0x499: {  	v4 =	vld [tilespmem:s0+$0x10]  }
0x49a: {  	s2 =	simm.s32 $0x10000;
	v3 =	vld [tilespmem:s0+$0xFFFFFFF0]  }
0x49b: {  	[tilespmem:v6+s2+$0x0] =	vst.idx.add.f32.msk $0xffff, v8  }
0x49c: {  	s4 =	simm.s32 $0x0;
	s5 =	simm.s32 $0x70;
	[tilespmem:v7+s2+$0x0] =	vst.idx.add.f32.msk $0xffff, v9  }
.LBB2_41:
0x49d: {  	v6 =	vld [tilespmem:s5+$0x20];
	s4 =	sadd.s32 $0x5, s4;
	v7 =	vmov v5  }
0x49e: {  	v5 =	vld [tilespmem:s5+$0xFFFFFFF0];
	p1 =	slt.u32 s4, $0xF5;
	v8 =	vmov v4  }
0x49f: {  	v4 =	vld [tilespmem:s5+$0x0]  }
0x4a0: {  	v9 =	vld [tilespmem:s5+$0x10]  }
0x4a1: {  	v10 =	vld [tilespmem:s5+$0xFFFFFFE0]  }
0x4a2: {  	s0 =	sadd.s32 $0x50, s0;
	[tilespmem:v3+s2+$0x0] =	vst.idx.add.f32.msk $0xffff, v2  }
0x4a3: {  	v11 =	vld [tilespmem:s0+$0x20]  }
0x4a4: {  	v12 =	vld [tilespmem:s0+$0xFFFFFFE0]  }
0x4a5: {  	v6 =	vld.idx.msk [tilespmem:v6+s1+$0x0], $0xffff  }
0x4a6: {  	v2 =	vld.idx.msk [tilespmem:v5+s1+$0x0], $0xffff  }
0x4a7: {  	v13 =	vld.idx.msk [tilespmem:v4+s1+$0x0], $0xffff  }
0x4a8: {  	v9 =	vld.idx.msk [tilespmem:v9+s1+$0x0], $0xffff  }
0x4a9: {  	v10 =	vld.idx.msk [tilespmem:v10+s1+$0x0], $0xffff  }
0x4aa: {  	v3 =	vld [tilespmem:s0+$0xFFFFFFF0]  }
0x4ab: {  	[tilespmem:v11+s2+$0x0] =	vst.idx.add.f32.msk $0xffff, v6  }
.Ltmp20:
0x4ac: {  	v5 =	vld [tilespmem:s0+$0x0];
	(pc) =	sbr.rel @p1 .LBB2_41-.Ltmp20, $4  }
0x4ad: {  	v4 =	vld [tilespmem:s0+$0x10]  }
0x4ae: {  	[tilespmem:v7+s2+$0x0] =	vst.idx.add.f32.msk $0xffff, v0;
	v0 =	vmov v13  }
0x4af: {  	[tilespmem:v12+s2+$0x0] =	vst.idx.add.f32.msk $0xffff, v10  }
0x4b0: {  	s5 =	sadd.s32 $0x50, s5;
	[tilespmem:v8+s2+$0x0] =	vst.idx.add.f32.msk $0xffff, v1;
	v1 =	vmov v9  }
0x4b1: {  	_ =	sdelay $0x3  }
0x4b2: {  	[tilespmem:v3+s2+$0x0] =	vst.idx.add.f32.msk $0xffff, v2  }
0x4b3: {  	[tilespmem:v5+s2+$0x0] =	vst.idx.add.f32.msk $0xffff, v0  }
0x4b4: {  	s0 =	simm.s32 $0x6;
	[tilespmem:v4+s2+$0x0] =	vst.idx.add.f32.msk $0xffff, v1  }
0x4b5: {  	_ =	swait.ge [sflag:s0], $0xFA0  }
0x4b6: {  	[sflag:s0] =	ssyncset.done $0x0  }
0x4b7: {  	s30 =	simm.s32 $0x9;
	[sflag:s0] =	ssyncadd.s32 $0xFFFFF060  }
0x4b8: {  	_ =	swait.ge [sflag:s30], $0xFA0  }
0x4b9: {  	[sflag:s30] =	ssyncset.done $0x0  }
0x4ba: {  	s31 =	simm.s32 $0x1020;
	[sflag:s30] =	ssyncadd.s32 $0xFFFFF060  }
0x4bb: {  	v0 =	vld [tilespmem:s31+$0x20]  }
0x4bc: {  	v1 =	vld [tilespmem:s31+$0xFFFFFFF0]  }
0x4bd: {  	v3 =	vld [tilespmem:s31+$0x0]  }
0x4be: {  	v4 =	vld [tilespmem:s31+$0x10]  }
0x4bf: {  	v5 =	vld [tilespmem:s31+$0xFFFFFFE0]  }
0x4c0: {  	s0 =	simm.s32 $0x4020  }
0x4c1: {  	v6 =	vld [tilespmem:s0+$0x20]  }
0x4c2: {  	s1 =	simm.s32 $0x6000;
	v7 =	vld [tilespmem:s0+$0xFFFFFFE0]  }
0x4c3: {  	v8 =	vld.idx.msk [tilespmem:v0+s1+$0x0], $0xffff  }
0x4c4: {  	v2 =	vld.idx.msk [tilespmem:v1+s1+$0x0], $0xffff  }
0x4c5: {  	v0 =	vld.idx.msk [tilespmem:v3+s1+$0x0], $0xffff  }
0x4c6: {  	v1 =	vld.idx.msk [tilespmem:v4+s1+$0x0], $0xffff  }
0x4c7: {  	v9 =	vld.idx.msk [tilespmem:v5+s1+$0x0], $0xffff  }
0x4c8: {  	v5 =	vld [tilespmem:s0+$0x0]  }
0x4c9: {  	v4 =	vld [tilespmem:s0+$0x10]  }
0x4ca: {  	s2 =	simm.s32 $0x10000;
	v3 =	vld [tilespmem:s0+$0xFFFFFFF0]  }
0x4cb: {  	[tilespmem:v6+s2+$0x0] =	vst.idx.add.f32.msk $0xffff, v8  }
0x4cc: {  	s4 =	simm.s32 $0x0;
	s5 =	simm.s32 $0x1070;
	[tilespmem:v7+s2+$0x0] =	vst.idx.add.f32.msk $0xffff, v9  }
.LBB2_43:
0x4cd: {  	v6 =	vld [tilespmem:s5+$0x20];
	s4 =	sadd.s32 $0x5, s4;
	v7 =	vmov v5  }
0x4ce: {  	v5 =	vld [tilespmem:s5+$0xFFFFFFF0];
	p1 =	slt.u32 s4, $0xF5;
	v8 =	vmov v4  }
0x4cf: {  	v4 =	vld [tilespmem:s5+$0x0]  }
0x4d0: {  	v9 =	vld [tilespmem:s5+$0x10]  }
0x4d1: {  	v10 =	vld [tilespmem:s5+$0xFFFFFFE0]  }
0x4d2: {  	s0 =	sadd.s32 $0x50, s0;
	[tilespmem:v3+s2+$0x0] =	vst.idx.add.f32.msk $0xffff, v2  }
0x4d3: {  	v11 =	vld [tilespmem:s0+$0x20]  }
0x4d4: {  	v12 =	vld [tilespmem:s0+$0xFFFFFFE0]  }
0x4d5: {  	v6 =	vld.idx.msk [tilespmem:v6+s1+$0x0], $0xffff  }
0x4d6: {  	v2 =	vld.idx.msk [tilespmem:v5+s1+$0x0], $0xffff  }
0x4d7: {  	v13 =	vld.idx.msk [tilespmem:v4+s1+$0x0], $0xffff  }
0x4d8: {  	v9 =	vld.idx.msk [tilespmem:v9+s1+$0x0], $0xffff  }
0x4d9: {  	v10 =	vld.idx.msk [tilespmem:v10+s1+$0x0], $0xffff  }
0x4da: {  	v3 =	vld [tilespmem:s0+$0xFFFFFFF0]  }
0x4db: {  	[tilespmem:v11+s2+$0x0] =	vst.idx.add.f32.msk $0xffff, v6  }
.Ltmp21:
0x4dc: {  	v5 =	vld [tilespmem:s0+$0x0];
	(pc) =	sbr.rel @p1 .LBB2_43-.Ltmp21, $4  }
0x4dd: {  	v4 =	vld [tilespmem:s0+$0x10]  }
0x4de: {  	[tilespmem:v7+s2+$0x0] =	vst.idx.add.f32.msk $0xffff, v0;
	v0 =	vmov v13  }
0x4df: {  	[tilespmem:v12+s2+$0x0] =	vst.idx.add.f32.msk $0xffff, v10  }
0x4e0: {  	s5 =	sadd.s32 $0x50, s5;
	[tilespmem:v8+s2+$0x0] =	vst.idx.add.f32.msk $0xffff, v1;
	v1 =	vmov v9  }
0x4e1: {  	_ =	sdelay $0x3  }
0x4e2: {  	[tilespmem:v3+s2+$0x0] =	vst.idx.add.f32.msk $0xffff, v2  }
0x4e3: {  	[tilespmem:v5+s2+$0x0] =	vst.idx.add.f32.msk $0xffff, v0;
	s0 =	simm.s32 $0x1  }
0x4e4: {  	s1 =	simm.s32 $0x1B280;
	s26 =	simm.s32 $0x10000;
	s28 =	simm.s32 $0xB;
	[tilespmem:v4+s2+$0x0] =	vst.idx.add.f32.msk $0xffff, v1  }
0x4e5: {  	[spmem:s13] =	stream.indirect.scatter.add.f32 [tilespmem:s26], [sflag:$0xB], $0x2800, s1, s0, $0xb8;
	[tilespmem:$0x1C980] =	vst v63  }
0x4e6: {  	_ =	swait.ge [sflag:s28], $0x2800  }
0x4e7: {  	[sflag:s28] =	ssyncset.done $0x0  }
0x4e8: {  	[sflag:s28] =	ssyncadd.s32 $0xFFFFD800  }
0x4e9: {  	s29 =	simm.s32 $0x1AC80;
	[bflag:$0x0] =	sbarrier.arrive $0xFFFF  }
0x4ea: {  	[tilespmem:s29], [sflag:$0xB] =	stream.linear.gather [spmem:s3], $0x280, $0x38;
	[tilespmem:$0x1C980] =	vst v63  }
0x4eb: {  	_ =	swait.ge [sflag:s28], $0x280  }
0x4ec: {  	s30 =	simm.s32 $0x0;
	[sflag:s28] =	ssyncset.done $0x0  }
0x4ed: {  	s0 =	sand.u32 $0x3F0, s30;
	[sflag:s28] =	ssyncadd.s32 $0xFFFFFD80  }
0x4ee: {  	v0 =	vld [tilespmem:s0+$0x1AC80]  }
0x4ef: {  	v1 =	vld [tilespmem:s0+$0x1AA00]  }
0x4f0: {  	s1 =	simm.s32 $0x1AF00  }
0x4f1: {  	v2 =	vld [tilespmem:s1+$0x0];
	_ =	sdelay $0x1  }
0x4f2: {  	v3 =	vld [tilespmem:$0x1B200]  }
0x4f3: {  	v0 =	vadd.f32 v1, v0;
	_ =	sdelay $0x1  }
0x4f4: {  	v0 =	vmul.f32 v0, v2;
	_ =	sdelay $0x1  }
0x4f5: {  	v0 =	vadd.f32 v0, v3;
	_ =	sdelay $0x1  }
0x4f6: {  	v0 =	vsub.f32 $0.0e+00, v0;
	_ =	sdelay $0x1  }
0x4f7: {  	v0 =	vmul.f32 $1.442695020e+00, v0;
	_ =	sdelay $0x1  }
0x4f8: {  	(erf) = vpow2.f32 v0;
	_ =	sdelay $0x8  }
0x4f9: {  	v0 =	vpop (erf)  }
0x4fa: {  	v0 =	vadd.f32 $1.000000000e+00, v0;
	_ =	sdelay $0x1  }
0x4fb: {  	(erf) = vrcp.f32 v0;
	_ =	sdelay $0x5  }
0x4fc: {  	s31 =	simm.s32 $0x10  }
0x4fd: {  	s3 =	sand.u32 $0x3F0, s31  }
0x4fe: {  	s2 =	simm.s32 $0x20;
	v0 =	vld [tilespmem:s3+$0x1AC80]  }
.LBB2_45:
0x4ff: {  	p1 =	sne.s32 s2, $0x270;
	v1 =	vld [tilespmem:s3+$0x1AA00];
	v2 =	vpop (erf)  }
0x500: {  	s1 =	sadd.s32 $0x10, s1;
	[tilespmem:s0+$0x1A780] =	vst v2;
	s0 =	smov.u32 s3  }
0x501: {  	v2 =	vld [tilespmem:s1+$0x0];
	_ =	sdelay $0x1  }
0x502: {  	v3 =	vld [tilespmem:$0x1B200]  }
0x503: {  	v0 =	vadd.f32 v1, v0;
	_ =	sdelay $0x1  }
0x504: {  	v0 =	vmul.f32 v0, v2;
	_ =	sdelay $0x1  }
0x505: {  	v0 =	vadd.f32 v0, v3;
	_ =	sdelay $0x1  }
0x506: {  	v0 =	vsub.f32 $0.0e+00, v0;
	_ =	sdelay $0x1  }
0x507: {  	v0 =	vmul.f32 $1.442695020e+00, v0;
	_ =	sdelay $0x1  }
0x508: {  	(erf) = vpow2.f32 v0;
	_ =	sdelay $0x8  }
0x509: {  	v0 =	vpop (erf)  }
0x50a: {  	v0 =	vadd.f32 $1.000000000e+00, v0;
	_ =	sdelay $0x1  }
0x50b: {  	(erf) = vrcp.f32 v0;
	_ =	sdelay $0x3  }
.Ltmp22:
0x50c: {  	(pc) =	sbr.rel @p1 .LBB2_45-.Ltmp22, $3  }
0x50d: {  	_ =	sdelay $0x1  }
0x50e: {  	s3 =	sand.u32 $0x3F0, s2  }
0x50f: {  	s2 =	sadd.s32 $0x10, s2;
	v0 =	vld [tilespmem:s3+$0x1AC80]  }
0x510: {  	v1 =	vld [tilespmem:s3+$0x1AA00];
	v2 =	vpop (erf)  }
0x511: {  	s28 =	sadd.s32 $0x10, s1;
	[tilespmem:s0+$0x1A780] =	vst v2  }
0x512: {  	v2 =	vld [tilespmem:s28+$0x0];
	_ =	sdelay $0x1  }
0x513: {  	v3 =	vld [tilespmem:$0x1B200]  }
0x514: {  	v0 =	vadd.f32 v1, v0;
	_ =	sdelay $0x1  }
0x515: {  	v0 =	vmul.f32 v0, v2;
	_ =	sdelay $0x1  }
0x516: {  	v0 =	vadd.f32 v0, v3;
	_ =	sdelay $0x1  }
0x517: {  	v0 =	vsub.f32 $0.0e+00, v0;
	_ =	sdelay $0x1  }
0x518: {  	v0 =	vmul.f32 $1.442695020e+00, v0;
	_ =	sdelay $0x1  }
0x519: {  	(erf) = vpow2.f32 v0;
	_ =	sdelay $0x8  }
0x51a: {  	v0 =	vpop (erf)  }
0x51b: {  	v0 =	vadd.f32 $1.000000000e+00, v0;
	_ =	sdelay $0x1  }
0x51c: {  	(erf) = vrcp.f32 v0;
	_ =	sdelay $0x8  }
0x51d: {  	s29 =	simm.s32 $0x0;
	v0 =	vpop (erf)  }
0x51e: {  	s30 =	simm.s32 $0x1A780;
	s2 =	rddreg [dreg:$0x6];
	s31 =	simm.s32 $0xB;
	[tilespmem:s3+$0x1A780] =	vst v0  }
0x51f: {  	[hbm4b:s2+s29] =	stream.linear.scatter [tilespmem:s30], [sflag:$0xB], $0x280, $0x38;
	[tilespmem:$0x1C980] =	vst v63  }
0x520: {  	_ =	swait.ge [sflag:s31], $0x280  }
0x521: {  	[sflag:s31] =	ssyncset.done $0x0  }
0x522: {  	[sflag:s31] =	ssyncadd.s32 $0xFFFFFD80  }
0x523: {  	_ =	sfence.sel $0x180000  }
0x524: {  	[bflag:$0x0] =	sbarrier.arrive $0xFFFF  }
0x525: {  	_ =	strace $0x90000047  }
0x526: {  	[bflag:$0x2] =	sbarrier.arrive $0xFFFF  }
0x527: {  	s0 =	rddreg [dreg:$0x5]  }
0x528: {  	s0 =	sadd.s32 @!p0 $0x100000, s0  }
0x529: {  	[sflag:s0] =	ssyncadd.tile.s32 @!p0 $0x1;
	_ =	shalt  }
.Lfunc_end2:
_tile_overlayer_lowered:
.L_overlay_start_2:
0x52a: {  	(tag) =	ssettag $0x2  }
0x52b: {  	s0 =	rddreg [dreg:$0x0];
	s2 =	stileid.u32  }
0x52c: {  	s1 =	rddreg [dreg:$0x1];
	p0 =	sne.s32 s2, $0x0  }
0x52d: {  	s3 =	rddreg [dreg:$0x2];
	[bflag:$0x3] =	sbarrier.arrive $0xFFFF;
	s2 =	simm.s32 @!p0 $0x1C0B  }
0x52e: {  	[timem:s3], [sflag:s2] =	dma.local @!p0 [hbm:s0], s1  }
0x52f: {  	s0 =	simm.s32 @!p0 $0xB  }
0x530: {  	_ =	swait.ge @!p0 [sflag:s0], s1  }
0x531: {  	s1 =	ssub.s32 @!p0 $0x0, s1;
	[sflag:s0] =	ssyncset.done @!p0 $0x0  }
0x532: {  	[sflag:s0] =	ssyncadd.s32 @!p0 s1  }
0x533: {  	[bflag:$0x3] =	sbarrier.arrive $0xFFFF  }
0x534: {  	_ =	shalt  }

</sc_bundles>
